<compile_context>
chip_gen: v7x
topology: tpu7x:2x2x1
jax: 0.10.2.dev20260603
libtpu: 0.0.44.dev20260713+nightly
codegen_flags: <defaults>
</compile_context>

<pallas_src>
import jax
import jax.numpy as jnp
from jax import lax
from jax.experimental import pallas as pl
from jax.experimental.pallas import tpu as pltpu
from jax.experimental.pallas import tpu_sc as plsc

N_FIELDS = 26
F_DIM = 100000
B_TOTAL = 16384
ROWS = N_FIELDS * F_DIM

P0_LEN = 1299456
P1_START = 1298496
P1_LEN = ROWS - P1_START
SPLIT = P0_LEN

_info = plsc.get_sparse_core_info()
NC, NS, L = _info.num_cores, _info.num_subcores, _info.num_lanes
NW = NC * NS
B_W = B_TOTAL // NW
IDX_W = B_W * N_FIELDS
N_DMA_ROWS = IDX_W // 128


def _wid():
    return lax.axis_index("s") * NC + lax.axis_index("c")


def _idx_body(xt_hbm, idx_hbm, x_v, idx_v):
    wid = _wid()

    pltpu.sync_copy(xt_hbm.at[:, pl.ds(wid * B_W, B_W)], x_v)

    lanes = lax.iota(jnp.int32, L)
    zeros = jnp.zeros((L,), jnp.int32)

    def off_f(f, _):
        f_vec = zeros + f
        for t in range(NW):
            vals = plsc.load_gather(x_v, [f_vec, t * L + lanes]) + f * F_DIM
            idx_v.at[f * 4 + (t // 8)][pl.ds((t % 8) * L, L)] = vals
        return 0

    lax.fori_loop(0, N_FIELDS, off_f, 0)

    pltpu.sync_copy(idx_v, idx_hbm.at[pl.ds(wid * N_DMA_ROWS, N_DMA_ROWS)])


def _gather_body(t0_hbm, t1_hbm, idx_hbm, out_hbm, idx0_v, idx1_v, mask_v,
                 rows0_v, rows1_v, out_v, sem):
    wid = _wid()

    pltpu.sync_copy(idx_hbm.at[pl.ds(wid * N_DMA_ROWS, N_DMA_ROWS)], idx0_v)

    ones_f = jnp.ones((L,), jnp.float32)
    zeros_f = jnp.zeros((L,), jnp.float32)

    def prep(j, _):
        for c in range(8):
            sl = pl.ds(c * L, L)
            iv = idx0_v.at[j][sl]
            m = iv < SPLIT
            idx0_v.at[j][sl] = jnp.where(
                m, iv, jnp.minimum(iv - SPLIT, P0_LEN - 1)
            )
            idx1_v.at[j][sl] = jnp.where(
                m, jnp.minimum(iv, P1_LEN - 1), iv - P1_START
            )
            mask_v.at[j][sl] = jnp.where(m, ones_f, zeros_f)
        pltpu.make_async_copy(
            t0_hbm.at[idx0_v.at[j]], rows0_v.at[j], sem
        ).start()
        pltpu.make_async_copy(
            t1_hbm.at[idx1_v.at[j]], rows1_v.at[j], sem
        ).start()
        return 0

    lax.fori_loop(0, N_DMA_ROWS, prep, 0)

    def drain(j, _):
        pltpu.make_async_copy(
            t0_hbm.at[idx0_v.at[j]], rows0_v.at[j], sem
        ).wait()
        pltpu.make_async_copy(
            t1_hbm.at[idx1_v.at[j]], rows1_v.at[j], sem
        ).wait()
        return 0

    lax.fori_loop(0, N_DMA_ROWS, drain, 0)

    def reduce_t(t, _):
        g = t >> 3
        sl = pl.ds((t & 7) * L, L)
        acc = jnp.zeros((L,), jnp.float32)
        for f in range(N_FIELDS):
            r = f * 4 + g
            r0 = rows0_v.at[r][sl]
            r1 = rows1_v.at[r][sl]
            acc = acc + (r1 + (r0 - r1) * mask_v.at[r][sl])
        out_v[pl.ds(t * L, L)] = acc
        return 0

    lax.fori_loop(0, NW, reduce_t, 0)

    pltpu.sync_copy(out_v, out_hbm.at[pl.ds(wid * B_W, B_W)])


@jax.jit
def _features_linear(x, table):
    mesh = plsc.VectorSubcoreMesh(core_axis_name="c", subcore_axis_name="s")
    params = pltpu.CompilerParams(needs_layout_passes=False)

    idx_all = pl.kernel(
        _idx_body,
        mesh=mesh,
        compiler_params=params,
        out_type=jax.ShapeDtypeStruct((NW * N_DMA_ROWS, 128), jnp.int32),
        scratch_types=[
            pltpu.VMEM((N_FIELDS, B_W), jnp.int32),
            pltpu.VMEM((N_DMA_ROWS, 128), jnp.int32),
        ],
    )(jnp.transpose(x, (1, 0)))

    return pl.kernel(
        _gather_body,
        mesh=mesh,
        compiler_params=params,
        out_type=jax.ShapeDtypeStruct((B_TOTAL,), jnp.float32),
        scratch_types=[
            pltpu.VMEM((N_DMA_ROWS, 128), jnp.int32),
            pltpu.VMEM((N_DMA_ROWS, 128), jnp.int32),
            pltpu.VMEM((N_DMA_ROWS, 128), jnp.float32),
            pltpu.VMEM((N_DMA_ROWS, 128), jnp.float32),
            pltpu.VMEM((N_DMA_ROWS, 128), jnp.float32),
            pltpu.VMEM((B_W,), jnp.float32),
            pltpu.SemaphoreType.DMA,
        ],
    )(table[:P0_LEN, 0], table[P1_START:, 0], idx_all)


def kernel(x, table, bias):
    out = _features_linear(x, table)
    return out.reshape(B_TOTAL, 1) + bias

# --- scband reference (transcript-rebuilt; emitter-appended) ---
"""Pipeline reference for scband-features-linear-91190745628699 (READ-ONLY COPY).

The authoritative reference and input builder live on the scoring server;
editing this copy changes nothing except your own understanding.
"""

import jax, jax.numpy as jnp
import numpy as np

NUM_FIELDS = 26
FIELD_DIM = 100000
BATCH = 16384
OUTPUT_DIM = 1
TOTAL_ROWS = NUM_FIELDS * FIELD_DIM


def setup_inputs(seed: int = 0) -> dict:
    key = jax.random.key(seed)
    k1, k2 = jax.random.split(key)
    x = jax.random.randint(k1, (BATCH, NUM_FIELDS), 0, FIELD_DIM, dtype=jnp.int64) if jax.config.jax_enable_x64 else jax.random.randint(k1, (BATCH, NUM_FIELDS), 0, FIELD_DIM, dtype=jnp.int32)
    table = jax.random.normal(k2, (TOTAL_ROWS, OUTPUT_DIM), dtype=jnp.float32) * 0.01
    bias = jnp.zeros((OUTPUT_DIM,), dtype=jnp.float32)
    return {"x": x, "table": table, "bias": bias}


def reference(x, table, bias):
    # offsets = (0, cumsum(field_dims)[:-1]) -> since all fields have FIELD_DIM rows,
    # offsets[i] = i * FIELD_DIM
    offsets = jnp.arange(NUM_FIELDS, dtype=x.dtype) * FIELD_DIM
    idx = x + offsets[None, :]
    emb = jnp.take(table, idx, axis=0)  # [B, F, output_dim]
    return jnp.sum(emb, axis=1) + bias  # [B, output_dim]

if __name__ == "__main__":
    import jax
    _d = setup_inputs()
    print(jax.jit(kernel)(*tuple(_d.values())))

</pallas_src>

<mosaic_0001>
#map = affine_map<(d0, d1) -> (0, 0)>
module attributes {stable_mosaic.version = 14 : i64} {
  func.func @_idx_body(%arg0: i32, %arg1: i32, %arg2: memref<26x16384xi32, #tpu.memory_space<hbm>>, %arg3: memref<3328x128xi32, #tpu.memory_space<hbm>>, %arg4: memref<26x512xi32, #tpu.memory_space<vmem>>, %arg5: memref<104x128xi32, #tpu.memory_space<vmem>>) attributes {dimension_semantics = [#tpu.dimension_semantics<core_parallel>, #tpu.dimension_semantics<subcore_parallel>], iteration_bounds = array<i64: 2, 16>, scalar_prefetch = 0 : i64, scratch_operands = 2 : i64, tpu.core_type = #tpu.core_type<sc_vector_subcore>, window_params = [{transform_indices = #map}, {transform_indices = #map}]} {
    %mul3A = arith.constant 2 : i32
    %mul3A_0 = arith.muli %arg1, %mul3A : i32
    %add3A = arith.addi %mul3A_0, %arg0 : i32
    %mul3A_1 = arith.constant 512 : i32
    %mul3A_2 = arith.muli %add3A, %mul3A_1 : i32
    "tpu.region"() ({
      %run_scoped3A = tpu.sem_alloc : memref<!tpu.dma_semaphore, #tpu.memory_space<semaphore_mem>>
      %dma_start3A = arith.constant 0 : i32
      %dma_start3A_12 = tpu.memref_slice %arg2[%dma_start3A, %mul3A_2] : memref<26x16384xi32, #tpu.memory_space<hbm>> -> memref<26x512xi32, #tpu.memory_space<hbm>>
      %dma_start3A_13 = arith.constant 0 : i32
      %dma_start3A_14 = tpu.memref_slice %arg2[%dma_start3A_13, %mul3A_2] : memref<26x16384xi32, #tpu.memory_space<hbm>> -> memref<26x512xi32, #tpu.memory_space<hbm>>
      tpu.enqueue_dma source(%dma_start3A_14 : memref<26x512xi32, #tpu.memory_space<hbm>>) target(%arg4 : memref<26x512xi32, #tpu.memory_space<vmem>>) target_semaphore(%run_scoped3A : memref<!tpu.dma_semaphore, #tpu.memory_space<semaphore_mem>>)
      %dma_wait3A = arith.constant 0 : i32
      %dma_wait3A_15 = tpu.memref_slice %arg2[%dma_wait3A, %mul3A_2] : memref<26x16384xi32, #tpu.memory_space<hbm>> -> memref<26x512xi32, #tpu.memory_space<hbm>>
      %dma_wait3A_16 = arith.constant 0 : i32
      %dma_wait3A_17 = tpu.memref_slice %arg2[%dma_wait3A_16, %mul3A_2] : memref<26x16384xi32, #tpu.memory_space<hbm>> -> memref<26x512xi32, #tpu.memory_space<hbm>>
      tpu.wait_dma2 semaphore(%run_scoped3A : memref<!tpu.dma_semaphore, #tpu.memory_space<semaphore_mem>>) src(%dma_wait3A_17 : memref<26x512xi32, #tpu.memory_space<hbm>>) dst(%arg4 : memref<26x512xi32, #tpu.memory_space<vmem>>)
      tpu.yield
    }) : () -> ()
    %iota3A = tpu.iota {dimensions = array<i32: 0>} : vector<16xi32>
    %broadcast_in_dim3A = arith.constant 0 : i32
    %broadcast_in_dim3A_3 = vector.broadcast %broadcast_in_dim3A : i32 to vector<16xi32>
    %scan3A = arith.constant 0 : i32
    %scan3A_4 = arith.constant 0 : i32
    %scan3A_5 = arith.constant 26 : i32
    %scan3A_6 = arith.addi %scan3A_4, %scan3A_5 : i32
    %scan3A_7 = arith.constant 1 : i32
    %scan3A_8 = scf.for %scan3A_12 = %scan3A_4 to %scan3A_6 step %scan3A_7 iter_args(%scan3A_13 = %scan3A) -> (i32)  : i32 {
      %add3A_14 = vector.broadcast %scan3A_12 : i32 to vector<16xi32>
      %add3A_15 = arith.addi %broadcast_in_dim3A_3, %add3A_14 : vector<16xi32>
      %add3A_16 = arith.constant 0 : i32
      %add3A_17 = vector.broadcast %add3A_16 : i32 to vector<16xi32>
      %add3A_18 = arith.addi %add3A_17, %iota3A : vector<16xi32>
      %gather3A = tpu.vector_load_idx %arg4[%add3A_15, %add3A_18] : memref<26x512xi32, #tpu.memory_space<vmem>>[vector<16xi32>, vector<16xi32>], vector<16xi32>,
      %mul3A_19 = arith.constant 100000 : i32
      %mul3A_20 = arith.muli %scan3A_12, %mul3A_19 : i32
      %add3A_21 = vector.broadcast %mul3A_20 : i32 to vector<16xi32>
      %add3A_22 = arith.addi %gather3A, %add3A_21 : vector<16xi32>
      %mul3A_23 = arith.constant 4 : i32
      %mul3A_24 = arith.muli %scan3A_12, %mul3A_23 : i32
      %add3A_25 = arith.constant 0 : i32
      %add3A_26 = arith.addi %mul3A_24, %add3A_25 : i32
      %swap3A = arith.constant 0 : i32
      %swap3A_27 = tpu.memref_slice %arg5[%add3A_26, %swap3A] : memref<104x128xi32, #tpu.memory_space<vmem>> -> memref<1x128xi32, #tpu.memory_space<vmem>>
      %swap3A_28 = tpu.memref_squeeze %swap3A_27 : memref<1x128xi32, #tpu.memory_space<vmem>> -> memref<128xi32, #tpu.memory_space<vmem>>
      %swap3A_29 = arith.constant 0 : index
      %swap3A_30 = tpu.vector_load %swap3A_28[%swap3A_29] {strides = array<i32>} : memref<128xi32, #tpu.memory_space<vmem>>, vector<16xi32>,
      tpu.vector_store %swap3A_28[%swap3A_29], %add3A_22 {strides = array<i32>} : memref<128xi32, #tpu.memory_space<vmem>>, vector<16xi32>,
      %add3A_31 = arith.constant 16 : i32
      %add3A_32 = vector.broadcast %add3A_31 : i32 to vector<16xi32>
      %add3A_33 = arith.addi %add3A_32, %iota3A : vector<16xi32>
      %gather3A_34 = tpu.vector_load_idx %arg4[%add3A_15, %add3A_33] : memref<26x512xi32, #tpu.memory_space<vmem>>[vector<16xi32>, vector<16xi32>], vector<16xi32>,
      %mul3A_35 = arith.constant 100000 : i32
      %mul3A_36 = arith.muli %scan3A_12, %mul3A_35 : i32
      %add3A_37 = vector.broadcast %mul3A_36 : i32 to vector<16xi32>
      %add3A_38 = arith.addi %gather3A_34, %add3A_37 : vector<16xi32>
      %mul3A_39 = arith.constant 4 : i32
      %mul3A_40 = arith.muli %scan3A_12, %mul3A_39 : i32
      %add3A_41 = arith.constant 0 : i32
      %add3A_42 = arith.addi %mul3A_40, %add3A_41 : i32
      %swap3A_43 = arith.constant 0 : i32
      %swap3A_44 = tpu.memref_slice %arg5[%add3A_42, %swap3A_43] : memref<104x128xi32, #tpu.memory_space<vmem>> -> memref<1x128xi32, #tpu.memory_space<vmem>>
      %swap3A_45 = tpu.memref_squeeze %swap3A_44 : memref<1x128xi32, #tpu.memory_space<vmem>> -> memref<128xi32, #tpu.memory_space<vmem>>
      %swap3A_46 = arith.constant 16 : index
      %swap3A_47 = tpu.vector_load %swap3A_45[%swap3A_46] {strides = array<i32>} : memref<128xi32, #tpu.memory_space<vmem>>, vector<16xi32>,
      tpu.vector_store %swap3A_45[%swap3A_46], %add3A_38 {strides = array<i32>} : memref<128xi32, #tpu.memory_space<vmem>>, vector<16xi32>,
      %add3A_48 = arith.constant 32 : i32
      %add3A_49 = vector.broadcast %add3A_48 : i32 to vector<16xi32>
      %add3A_50 = arith.addi %add3A_49, %iota3A : vector<16xi32>
      %gather3A_51 = tpu.vector_load_idx %arg4[%add3A_15, %add3A_50] : memref<26x512xi32, #tpu.memory_space<vmem>>[vector<16xi32>, vector<16xi32>], vector<16xi32>,
      %mul3A_52 = arith.constant 100000 : i32
      %mul3A_53 = arith.muli %scan3A_12, %mul3A_52 : i32
      %add3A_54 = vector.broadcast %mul3A_53 : i32 to vector<16xi32>
      %add3A_55 = arith.addi %gather3A_51, %add3A_54 : vector<16xi32>
      %mul3A_56 = arith.constant 4 : i32
      %mul3A_57 = arith.muli %scan3A_12, %mul3A_56 : i32
      %add3A_58 = arith.constant 0 : i32
      %add3A_59 = arith.addi %mul3A_57, %add3A_58 : i32
      %swap3A_60 = arith.constant 0 : i32
      %swap3A_61 = tpu.memref_slice %arg5[%add3A_59, %swap3A_60] : memref<104x128xi32, #tpu.memory_space<vmem>> -> memref<1x128xi32, #tpu.memory_space<vmem>>
      %swap3A_62 = tpu.memref_squeeze %swap3A_61 : memref<1x128xi32, #tpu.memory_space<vmem>> -> memref<128xi32, #tpu.memory_space<vmem>>
      %swap3A_63 = arith.constant 32 : index
      %swap3A_64 = tpu.vector_load %swap3A_62[%swap3A_63] {strides = array<i32>} : memref<128xi32, #tpu.memory_space<vmem>>, vector<16xi32>,
      tpu.vector_store %swap3A_62[%swap3A_63], %add3A_55 {strides = array<i32>} : memref<128xi32, #tpu.memory_space<vmem>>, vector<16xi32>,
      %add3A_65 = arith.constant 48 : i32
      %add3A_66 = vector.broadcast %add3A_65 : i32 to vector<16xi32>
      %add3A_67 = arith.addi %add3A_66, %iota3A : vector<16xi32>
      %gather3A_68 = tpu.vector_load_idx %arg4[%add3A_15, %add3A_67] : memref<26x512xi32, #tpu.memory_space<vmem>>[vector<16xi32>, vector<16xi32>], vector<16xi32>,
      %mul3A_69 = arith.constant 100000 : i32
      %mul3A_70 = arith.muli %scan3A_12, %mul3A_69 : i32
      %add3A_71 = vector.broadcast %mul3A_70 : i32 to vector<16xi32>
      %add3A_72 = arith.addi %gather3A_68, %add3A_71 : vector<16xi32>
      %mul3A_73 = arith.constant 4 : i32
      %mul3A_74 = arith.muli %scan3A_12, %mul3A_73 : i32
      %add3A_75 = arith.constant 0 : i32
      %add3A_76 = arith.addi %mul3A_74, %add3A_75 : i32
      %swap3A_77 = arith.constant 0 : i32
      %swap3A_78 = tpu.memref_slice %arg5[%add3A_76, %swap3A_77] : memref<104x128xi32, #tpu.memory_space<vmem>> -> memref<1x128xi32, #tpu.memory_space<vmem>>
      %swap3A_79 = tpu.memref_squeeze %swap3A_78 : memref<1x128xi32, #tpu.memory_space<vmem>> -> memref<128xi32, #tpu.memory_space<vmem>>
      %swap3A_80 = arith.constant 48 : index
      %swap3A_81 = tpu.vector_load %swap3A_79[%swap3A_80] {strides = array<i32>} : memref<128xi32, #tpu.memory_space<vmem>>, vector<16xi32>,
      tpu.vector_store %swap3A_79[%swap3A_80], %add3A_72 {strides = array<i32>} : memref<128xi32, #tpu.memory_space<vmem>>, vector<16xi32>,
      %add3A_82 = arith.constant 64 : i32
      %add3A_83 = vector.broadcast %add3A_82 : i32 to vector<16xi32>
      %add3A_84 = arith.addi %add3A_83, %iota3A : vector<16xi32>
      %gather3A_85 = tpu.vector_load_idx %arg4[%add3A_15, %add3A_84] : memref<26x512xi32, #tpu.memory_space<vmem>>[vector<16xi32>, vector<16xi32>], vector<16xi32>,
      %mul3A_86 = arith.constant 100000 : i32
      %mul3A_87 = arith.muli %scan3A_12, %mul3A_86 : i32
      %add3A_88 = vector.broadcast %mul3A_87 : i32 to vector<16xi32>
      %add3A_89 = arith.addi %gather3A_85, %add3A_88 : vector<16xi32>
      %mul3A_90 = arith.constant 4 : i32
      %mul3A_91 = arith.muli %scan3A_12, %mul3A_90 : i32
      %add3A_92 = arith.constant 0 : i32
      %add3A_93 = arith.addi %mul3A_91, %add3A_92 : i32
      %swap3A_94 = arith.constant 0 : i32
      %swap3A_95 = tpu.memref_slice %arg5[%add3A_93, %swap3A_94] : memref<104x128xi32, #tpu.memory_space<vmem>> -> memref<1x128xi32, #tpu.memory_space<vmem>>
      %swap3A_96 = tpu.memref_squeeze %swap3A_95 : memref<1x128xi32, #tpu.memory_space<vmem>> -> memref<128xi32, #tpu.memory_space<vmem>>
      %swap3A_97 = arith.constant 64 : index
      %swap3A_98 = tpu.vector_load %swap3A_96[%swap3A_97] {strides = array<i32>} : memref<128xi32, #tpu.memory_space<vmem>>, vector<16xi32>,
      tpu.vector_store %swap3A_96[%swap3A_97], %add3A_89 {strides = array<i32>} : memref<128xi32, #tpu.memory_space<vmem>>, vector<16xi32>,
      %add3A_99 = arith.constant 80 : i32
      %add3A_100 = vector.broadcast %add3A_99 : i32 to vector<16xi32>
      %add3A_101 = arith.addi %add3A_100, %iota3A : vector<16xi32>
      %gather3A_102 = tpu.vector_load_idx %arg4[%add3A_15, %add3A_101] : memref<26x512xi32, #tpu.memory_space<vmem>>[vector<16xi32>, vector<16xi32>], vector<16xi32>,
      %mul3A_103 = arith.constant 100000 : i32
      %mul3A_104 = arith.muli %scan3A_12, %mul3A_103 : i32
      %add3A_105 = vector.broadcast %mul3A_104 : i32 to vector<16xi32>
      %add3A_106 = arith.addi %gather3A_102, %add3A_105 : vector<16xi32>
      %mul3A_107 = arith.constant 4 : i32
      %mul3A_108 = arith.muli %scan3A_12, %mul3A_107 : i32
      %add3A_109 = arith.constant 0 : i32
      %add3A_110 = arith.addi %mul3A_108, %add3A_109 : i32
      %swap3A_111 = arith.constant 0 : i32
      %swap3A_112 = tpu.memref_slice %arg5[%add3A_110, %swap3A_111] : memref<104x128xi32, #tpu.memory_space<vmem>> -> memref<1x128xi32, #tpu.memory_space<vmem>>
      %swap3A_113 = tpu.memref_squeeze %swap3A_112 : memref<1x128xi32, #tpu.memory_space<vmem>> -> memref<128xi32, #tpu.memory_space<vmem>>
      %swap3A_114 = arith.constant 80 : index
      %swap3A_115 = tpu.vector_load %swap3A_113[%swap3A_114] {strides = array<i32>} : memref<128xi32, #tpu.memory_space<vmem>>, vector<16xi32>,
      tpu.vector_store %swap3A_113[%swap3A_114], %add3A_106 {strides = array<i32>} : memref<128xi32, #tpu.memory_space<vmem>>, vector<16xi32>,
      %add3A_116 = arith.constant 96 : i32
      %add3A_117 = vector.broadcast %add3A_116 : i32 to vector<16xi32>
      %add3A_118 = arith.addi %add3A_117, %iota3A : vector<16xi32>
      %gather3A_119 = tpu.vector_load_idx %arg4[%add3A_15, %add3A_118] : memref<26x512xi32, #tpu.memory_space<vmem>>[vector<16xi32>, vector<16xi32>], vector<16xi32>,
      %mul3A_120 = arith.constant 100000 : i32
      %mul3A_121 = arith.muli %scan3A_12, %mul3A_120 : i32
      %add3A_122 = vector.broadcast %mul3A_121 : i32 to vector<16xi32>
      %add3A_123 = arith.addi %gather3A_119, %add3A_122 : vector<16xi32>
      %mul3A_124 = arith.constant 4 : i32
      %mul3A_125 = arith.muli %scan3A_12, %mul3A_124 : i32
      %add3A_126 = arith.constant 0 : i32
      %add3A_127 = arith.addi %mul3A_125, %add3A_126 : i32
      %swap3A_128 = arith.constant 0 : i32
      %swap3A_129 = tpu.memref_slice %arg5[%add3A_127, %swap3A_128] : memref<104x128xi32, #tpu.memory_space<vmem>> -> memref<1x128xi32, #tpu.memory_space<vmem>>
      %swap3A_130 = tpu.memref_squeeze %swap3A_129 : memref<1x128xi32, #tpu.memory_space<vmem>> -> memref<128xi32, #tpu.memory_space<vmem>>
      %swap3A_131 = arith.constant 96 : index
      %swap3A_132 = tpu.vector_load %swap3A_130[%swap3A_131] {strides = array<i32>} : memref<128xi32, #tpu.memory_space<vmem>>, vector<16xi32>,
      tpu.vector_store %swap3A_130[%swap3A_131], %add3A_123 {strides = array<i32>} : memref<128xi32, #tpu.memory_space<vmem>>, vector<16xi32>,
      %add3A_133 = arith.constant 112 : i32
      %add3A_134 = vector.broadcast %add3A_133 : i32 to vector<16xi32>
      %add3A_135 = arith.addi %add3A_134, %iota3A : vector<16xi32>
      %gather3A_136 = tpu.vector_load_idx %arg4[%add3A_15, %add3A_135] : memref<26x512xi32, #tpu.memory_space<vmem>>[vector<16xi32>, vector<16xi32>], vector<16xi32>,
      %mul3A_137 = arith.constant 100000 : i32
      %mul3A_138 = arith.muli %scan3A_12, %mul3A_137 : i32
      %add3A_139 = vector.broadcast %mul3A_138 : i32 to vector<16xi32>
      %add3A_140 = arith.addi %gather3A_136, %add3A_139 : vector<16xi32>
      %mul3A_141 = arith.constant 4 : i32
      %mul3A_142 = arith.muli %scan3A_12, %mul3A_141 : i32
      %add3A_143 = arith.constant 0 : i32
      %add3A_144 = arith.addi %mul3A_142, %add3A_143 : i32
      %swap3A_145 = arith.constant 0 : i32
      %swap3A_146 = tpu.memref_slice %arg5[%add3A_144, %swap3A_145] : memref<104x128xi32, #tpu.memory_space<vmem>> -> memref<1x128xi32, #tpu.memory_space<vmem>>
      %swap3A_147 = tpu.memref_squeeze %swap3A_146 : memref<1x128xi32, #tpu.memory_space<vmem>> -> memref<128xi32, #tpu.memory_space<vmem>>
      %swap3A_148 = arith.constant 112 : index
      %swap3A_149 = tpu.vector_load %swap3A_147[%swap3A_148] {strides = array<i32>} : memref<128xi32, #tpu.memory_space<vmem>>, vector<16xi32>,
      tpu.vector_store %swap3A_147[%swap3A_148], %add3A_140 {strides = array<i32>} : memref<128xi32, #tpu.memory_space<vmem>>, vector<16xi32>,
      %add3A_150 = arith.constant 128 : i32
      %add3A_151 = vector.broadcast %add3A_150 : i32 to vector<16xi32>
      %add3A_152 = arith.addi %add3A_151, %iota3A : vector<16xi32>
      %gather3A_153 = tpu.vector_load_idx %arg4[%add3A_15, %add3A_152] : memref<26x512xi32, #tpu.memory_space<vmem>>[vector<16xi32>, vector<16xi32>], vector<16xi32>,
      %mul3A_154 = arith.constant 100000 : i32
      %mul3A_155 = arith.muli %scan3A_12, %mul3A_154 : i32
      %add3A_156 = vector.broadcast %mul3A_155 : i32 to vector<16xi32>
      %add3A_157 = arith.addi %gather3A_153, %add3A_156 : vector<16xi32>
      %mul3A_158 = arith.constant 4 : i32
      %mul3A_159 = arith.muli %scan3A_12, %mul3A_158 : i32
      %add3A_160 = arith.constant 1 : i32
      %add3A_161 = arith.addi %mul3A_159, %add3A_160 : i32
      %swap3A_162 = arith.constant 0 : i32
      %swap3A_163 = tpu.memref_slice %arg5[%add3A_161, %swap3A_162] : memref<104x128xi32, #tpu.memory_space<vmem>> -> memref<1x128xi32, #tpu.memory_space<vmem>>
      %swap3A_164 = tpu.memref_squeeze %swap3A_163 : memref<1x128xi32, #tpu.memory_space<vmem>> -> memref<128xi32, #tpu.memory_space<vmem>>
      %swap3A_165 = arith.constant 0 : index
      %swap3A_166 = tpu.vector_load %swap3A_164[%swap3A_165] {strides = array<i32>} : memref<128xi32, #tpu.memory_space<vmem>>, vector<16xi32>,
      tpu.vector_store %swap3A_164[%swap3A_165], %add3A_157 {strides = array<i32>} : memref<128xi32, #tpu.memory_space<vmem>>, vector<16xi32>,
      %add3A_167 = arith.constant 144 : i32
      %add3A_168 = vector.broadcast %add3A_167 : i32 to vector<16xi32>
      %add3A_169 = arith.addi %add3A_168, %iota3A : vector<16xi32>
      %gather3A_170 = tpu.vector_load_idx %arg4[%add3A_15, %add3A_169] : memref<26x512xi32, #tpu.memory_space<vmem>>[vector<16xi32>, vector<16xi32>], vector<16xi32>,
      %mul3A_171 = arith.constant 100000 : i32
      %mul3A_172 = arith.muli %scan3A_12, %mul3A_171 : i32
      %add3A_173 = vector.broadcast %mul3A_172 : i32 to vector<16xi32>
      %add3A_174 = arith.addi %gather3A_170, %add3A_173 : vector<16xi32>
      %mul3A_175 = arith.constant 4 : i32
      %mul3A_176 = arith.muli %scan3A_12, %mul3A_175 : i32
      %add3A_177 = arith.constant 1 : i32
      %add3A_178 = arith.addi %mul3A_176, %add3A_177 : i32
      %swap3A_179 = arith.constant 0 : i32
      %swap3A_180 = tpu.memref_slice %arg5[%add3A_178, %swap3A_179] : memref<104x128xi32, #tpu.memory_space<vmem>> -> memref<1x128xi32, #tpu.memory_space<vmem>>
      %swap3A_181 = tpu.memref_squeeze %swap3A_180 : memref<1x128xi32, #tpu.memory_space<vmem>> -> memref<128xi32, #tpu.memory_space<vmem>>
      %swap3A_182 = arith.constant 16 : index
      %swap3A_183 = tpu.vector_load %swap3A_181[%swap3A_182] {strides = array<i32>} : memref<128xi32, #tpu.memory_space<vmem>>, vector<16xi32>,
      tpu.vector_store %swap3A_181[%swap3A_182], %add3A_174 {strides = array<i32>} : memref<128xi32, #tpu.memory_space<vmem>>, vector<16xi32>,
      %add3A_184 = arith.constant 160 : i32
      %add3A_185 = vector.broadcast %add3A_184 : i32 to vector<16xi32>
      %add3A_186 = arith.addi %add3A_185, %iota3A : vector<16xi32>
      %gather3A_187 = tpu.vector_load_idx %arg4[%add3A_15, %add3A_186] : memref<26x512xi32, #tpu.memory_space<vmem>>[vector<16xi32>, vector<16xi32>], vector<16xi32>,
      %mul3A_188 = arith.constant 100000 : i32
      %mul3A_189 = arith.muli %scan3A_12, %mul3A_188 : i32
      %add3A_190 = vector.broadcast %mul3A_189 : i32 to vector<16xi32>
      %add3A_191 = arith.addi %gather3A_187, %add3A_190 : vector<16xi32>
      %mul3A_192 = arith.constant 4 : i32
      %mul3A_193 = arith.muli %scan3A_12, %mul3A_192 : i32
      %add3A_194 = arith.constant 1 : i32
      %add3A_195 = arith.addi %mul3A_193, %add3A_194 : i32
      %swap3A_196 = arith.constant 0 : i32
      %swap3A_197 = tpu.memref_slice %arg5[%add3A_195, %swap3A_196] : memref<104x128xi32, #tpu.memory_space<vmem>> -> memref<1x128xi32, #tpu.memory_space<vmem>>
      %swap3A_198 = tpu.memref_squeeze %swap3A_197 : memref<1x128xi32, #tpu.memory_space<vmem>> -> memref<128xi32, #tpu.memory_space<vmem>>
      %swap3A_199 = arith.constant 32 : index
      %swap3A_200 = tpu.vector_load %swap3A_198[%swap3A_199] {strides = array<i32>} : memref<128xi32, #tpu.memory_space<vmem>>, vector<16xi32>,
      tpu.vector_store %swap3A_198[%swap3A_199], %add3A_191 {strides = array<i32>} : memref<128xi32, #tpu.memory_space<vmem>>, vector<16xi32>,
      %add3A_201 = arith.constant 176 : i32
      %add3A_202 = vector.broadcast %add3A_201 : i32 to vector<16xi32>
      %add3A_203 = arith.addi %add3A_202, %iota3A : vector<16xi32>
      %gather3A_204 = tpu.vector_load_idx %arg4[%add3A_15, %add3A_203] : memref<26x512xi32, #tpu.memory_space<vmem>>[vector<16xi32>, vector<16xi32>], vector<16xi32>,
      %mul3A_205 = arith.constant 100000 : i32
      %mul3A_206 = arith.muli %scan3A_12, %mul3A_205 : i32
      %add3A_207 = vector.broadcast %mul3A_206 : i32 to vector<16xi32>
      %add3A_208 = arith.addi %gather3A_204, %add3A_207 : vector<16xi32>
      %mul3A_209 = arith.constant 4 : i32
      %mul3A_210 = arith.muli %scan3A_12, %mul3A_209 : i32
      %add3A_211 = arith.constant 1 : i32
      %add3A_212 = arith.addi %mul3A_210, %add3A_211 : i32
      %swap3A_213 = arith.constant 0 : i32
      %swap3A_214 = tpu.memref_slice %arg5[%add3A_212, %swap3A_213] : memref<104x128xi32, #tpu.memory_space<vmem>> -> memref<1x128xi32, #tpu.memory_space<vmem>>
      %swap3A_215 = tpu.memref_squeeze %swap3A_214 : memref<1x128xi32, #tpu.memory_space<vmem>> -> memref<128xi32, #tpu.memory_space<vmem>>
      %swap3A_216 = arith.constant 48 : index
      %swap3A_217 = tpu.vector_load %swap3A_215[%swap3A_216] {strides = array<i32>} : memref<128xi32, #tpu.memory_space<vmem>>, vector<16xi32>,
      tpu.vector_store %swap3A_215[%swap3A_216], %add3A_208 {strides = array<i32>} : memref<128xi32, #tpu.memory_space<vmem>>, vector<16xi32>,
      %add3A_218 = arith.constant 192 : i32
      %add3A_219 = vector.broadcast %add3A_218 : i32 to vector<16xi32>
      %add3A_220 = arith.addi %add3A_219, %iota3A : vector<16xi32>
      %gather3A_221 = tpu.vector_load_idx %arg4[%add3A_15, %add3A_220] : memref<26x512xi32, #tpu.memory_space<vmem>>[vector<16xi32>, vector<16xi32>], vector<16xi32>,
      %mul3A_222 = arith.constant 100000 : i32
      %mul3A_223 = arith.muli %scan3A_12, %mul3A_222 : i32
      %add3A_224 = vector.broadcast %mul3A_223 : i32 to vector<16xi32>
      %add3A_225 = arith.addi %gather3A_221, %add3A_224 : vector<16xi32>
      %mul3A_226 = arith.constant 4 : i32
      %mul3A_227 = arith.muli %scan3A_12, %mul3A_226 : i32
      %add3A_228 = arith.constant 1 : i32
      %add3A_229 = arith.addi %mul3A_227, %add3A_228 : i32
      %swap3A_230 = arith.constant 0 : i32
      %swap3A_231 = tpu.memref_slice %arg5[%add3A_229, %swap3A_230] : memref<104x128xi32, #tpu.memory_space<vmem>> -> memref<1x128xi32, #tpu.memory_space<vmem>>
      %swap3A_232 = tpu.memref_squeeze %swap3A_231 : memref<1x128xi32, #tpu.memory_space<vmem>> -> memref<128xi32, #tpu.memory_space<vmem>>
      %swap3A_233 = arith.constant 64 : index
      %swap3A_234 = tpu.vector_load %swap3A_232[%swap3A_233] {strides = array<i32>} : memref<128xi32, #tpu.memory_space<vmem>>, vector<16xi32>,
      tpu.vector_store %swap3A_232[%swap3A_233], %add3A_225 {strides = array<i32>} : memref<128xi32, #tpu.memory_space<vmem>>, vector<16xi32>,
      %add3A_235 = arith.constant 208 : i32
      %add3A_236 = vector.broadcast %add3A_235 : i32 to vector<16xi32>
      %add3A_237 = arith.addi %add3A_236, %iota3A : vector<16xi32>
      %gather3A_238 = tpu.vector_load_idx %arg4[%add3A_15, %add3A_237] : memref<26x512xi32, #tpu.memory_space<vmem>>[vector<16xi32>, vector<16xi32>], vector<16xi32>,
      %mul3A_239 = arith.constant 100000 : i32
      %mul3A_240 = arith.muli %scan3A_12, %mul3A_239 : i32
      %add3A_241 = vector.broadcast %mul3A_240 : i32 to vector<16xi32>
      %add3A_242 = arith.addi %gather3A_238, %add3A_241 : vector<16xi32>
      %mul3A_243 = arith.constant 4 : i32
      %mul3A_244 = arith.muli %scan3A_12, %mul3A_243 : i32
      %add3A_245 = arith.constant 1 : i32
      %add3A_246 = arith.addi %mul3A_244, %add3A_245 : i32
      %swap3A_247 = arith.constant 0 : i32
      %swap3A_248 = tpu.memref_slice %arg5[%add3A_246, %swap3A_247] : memref<104x128xi32, #tpu.memory_space<vmem>> -> memref<1x128xi32, #tpu.memory_space<vmem>>
      %swap3A_249 = tpu.memref_squeeze %swap3A_248 : memref<1x128xi32, #tpu.memory_space<vmem>> -> memref<128xi32, #tpu.memory_space<vmem>>
      %swap3A_250 = arith.constant 80 : index
      %swap3A_251 = tpu.vector_load %swap3A_249[%swap3A_250] {strides = array<i32>} : memref<128xi32, #tpu.memory_space<vmem>>, vector<16xi32>,
      tpu.vector_store %swap3A_249[%swap3A_250], %add3A_242 {strides = array<i32>} : memref<128xi32, #tpu.memory_space<vmem>>, vector<16xi32>,
      %add3A_252 = arith.constant 224 : i32
      %add3A_253 = vector.broadcast %add3A_252 : i32 to vector<16xi32>
      %add3A_254 = arith.addi %add3A_253, %iota3A : vector<16xi32>
      %gather3A_255 = tpu.vector_load_idx %arg4[%add3A_15, %add3A_254] : memref<26x512xi32, #tpu.memory_space<vmem>>[vector<16xi32>, vector<16xi32>], vector<16xi32>,
      %mul3A_256 = arith.constant 100000 : i32
      %mul3A_257 = arith.muli %scan3A_12, %mul3A_256 : i32
      %add3A_258 = vector.broadcast %mul3A_257 : i32 to vector<16xi32>
      %add3A_259 = arith.addi %gather3A_255, %add3A_258 : vector<16xi32>
      %mul3A_260 = arith.constant 4 : i32
      %mul3A_261 = arith.muli %scan3A_12, %mul3A_260 : i32
      %add3A_262 = arith.constant 1 : i32
      %add3A_263 = arith.addi %mul3A_261, %add3A_262 : i32
      %swap3A_264 = arith.constant 0 : i32
      %swap3A_265 = tpu.memref_slice %arg5[%add3A_263, %swap3A_264] : memref<104x128xi32, #tpu.memory_space<vmem>> -> memref<1x128xi32, #tpu.memory_space<vmem>>
      %swap3A_266 = tpu.memref_squeeze %swap3A_265 : memref<1x128xi32, #tpu.memory_space<vmem>> -> memref<128xi32, #tpu.memory_space<vmem>>
      %swap3A_267 = arith.constant 96 : index
      %swap3A_268 = tpu.vector_load %swap3A_266[%swap3A_267] {strides = array<i32>} : memref<128xi32, #tpu.memory_space<vmem>>, vector<16xi32>,
      tpu.vector_store %swap3A_266[%swap3A_267], %add3A_259 {strides = array<i32>} : memref<128xi32, #tpu.memory_space<vmem>>, vector<16xi32>,
      %add3A_269 = arith.constant 240 : i32
      %add3A_270 = vector.broadcast %add3A_269 : i32 to vector<16xi32>
      %add3A_271 = arith.addi %add3A_270, %iota3A : vector<16xi32>
      %gather3A_272 = tpu.vector_load_idx %arg4[%add3A_15, %add3A_271] : memref<26x512xi32, #tpu.memory_space<vmem>>[vector<16xi32>, vector<16xi32>], vector<16xi32>,
      %mul3A_273 = arith.constant 100000 : i32
      %mul3A_274 = arith.muli %scan3A_12, %mul3A_273 : i32
      %add3A_275 = vector.broadcast %mul3A_274 : i32 to vector<16xi32>
      %add3A_276 = arith.addi %gather3A_272, %add3A_275 : vector<16xi32>
      %mul3A_277 = arith.constant 4 : i32
      %mul3A_278 = arith.muli %scan3A_12, %mul3A_277 : i32
      %add3A_279 = arith.constant 1 : i32
      %add3A_280 = arith.addi %mul3A_278, %add3A_279 : i32
      %swap3A_281 = arith.constant 0 : i32
      %swap3A_282 = tpu.memref_slice %arg5[%add3A_280, %swap3A_281] : memref<104x128xi32, #tpu.memory_space<vmem>> -> memref<1x128xi32, #tpu.memory_space<vmem>>
      %swap3A_283 = tpu.memref_squeeze %swap3A_282 : memref<1x128xi32, #tpu.memory_space<vmem>> -> memref<128xi32, #tpu.memory_space<vmem>>
      %swap3A_284 = arith.constant 112 : index
      %swap3A_285 = tpu.vector_load %swap3A_283[%swap3A_284] {strides = array<i32>} : memref<128xi32, #tpu.memory_space<vmem>>, vector<16xi32>,
      tpu.vector_store %swap3A_283[%swap3A_284], %add3A_276 {strides = array<i32>} : memref<128xi32, #tpu.memory_space<vmem>>, vector<16xi32>,
      %add3A_286 = arith.constant 256 : i32
      %add3A_287 = vector.broadcast %add3A_286 : i32 to vector<16xi32>
      %add3A_288 = arith.addi %add3A_287, %iota3A : vector<16xi32>
      %gather3A_289 = tpu.vector_load_idx %arg4[%add3A_15, %add3A_288] : memref<26x512xi32, #tpu.memory_space<vmem>>[vector<16xi32>, vector<16xi32>], vector<16xi32>,
      %mul3A_290 = arith.constant 100000 : i32
      %mul3A_291 = arith.muli %scan3A_12, %mul3A_290 : i32
      %add3A_292 = vector.broadcast %mul3A_291 : i32 to vector<16xi32>
      %add3A_293 = arith.addi %gather3A_289, %add3A_292 : vector<16xi32>
      %mul3A_294 = arith.constant 4 : i32
      %mul3A_295 = arith.muli %scan3A_12, %mul3A_294 : i32
      %add3A_296 = arith.constant 2 : i32
      %add3A_297 = arith.addi %mul3A_295, %add3A_296 : i32
      %swap3A_298 = arith.constant 0 : i32
      %swap3A_299 = tpu.memref_slice %arg5[%add3A_297, %swap3A_298] : memref<104x128xi32, #tpu.memory_space<vmem>> -> memref<1x128xi32, #tpu.memory_space<vmem>>
      %swap3A_300 = tpu.memref_squeeze %swap3A_299 : memref<1x128xi32, #tpu.memory_space<vmem>> -> memref<128xi32, #tpu.memory_space<vmem>>
      %swap3A_301 = arith.constant 0 : index
      %swap3A_302 = tpu.vector_load %swap3A_300[%swap3A_301] {strides = array<i32>} : memref<128xi32, #tpu.memory_space<vmem>>, vector<16xi32>,
      tpu.vector_store %swap3A_300[%swap3A_301], %add3A_293 {strides = array<i32>} : memref<128xi32, #tpu.memory_space<vmem>>, vector<16xi32>,
      %add3A_303 = arith.constant 272 : i32
      %add3A_304 = vector.broadcast %add3A_303 : i32 to vector<16xi32>
      %add3A_305 = arith.addi %add3A_304, %iota3A : vector<16xi32>
      %gather3A_306 = tpu.vector_load_idx %arg4[%add3A_15, %add3A_305] : memref<26x512xi32, #tpu.memory_space<vmem>>[vector<16xi32>, vector<16xi32>], vector<16xi32>,
      %mul3A_307 = arith.constant 100000 : i32
      %mul3A_308 = arith.muli %scan3A_12, %mul3A_307 : i32
      %add3A_309 = vector.broadcast %mul3A_308 : i32 to vector<16xi32>
      %add3A_310 = arith.addi %gather3A_306, %add3A_309 : vector<16xi32>
      %mul3A_311 = arith.constant 4 : i32
      %mul3A_312 = arith.muli %scan3A_12, %mul3A_311 : i32
      %add3A_313 = arith.constant 2 : i32
      %add3A_314 = arith.addi %mul3A_312, %add3A_313 : i32
      %swap3A_315 = arith.constant 0 : i32
      %swap3A_316 = tpu.memref_slice %arg5[%add3A_314, %swap3A_315] : memref<104x128xi32, #tpu.memory_space<vmem>> -> memref<1x128xi32, #tpu.memory_space<vmem>>
      %swap3A_317 = tpu.memref_squeeze %swap3A_316 : memref<1x128xi32, #tpu.memory_space<vmem>> -> memref<128xi32, #tpu.memory_space<vmem>>
      %swap3A_318 = arith.constant 16 : index
      %swap3A_319 = tpu.vector_load %swap3A_317[%swap3A_318] {strides = array<i32>} : memref<128xi32, #tpu.memory_space<vmem>>, vector<16xi32>,
      tpu.vector_store %swap3A_317[%swap3A_318], %add3A_310 {strides = array<i32>} : memref<128xi32, #tpu.memory_space<vmem>>, vector<16xi32>,
      %add3A_320 = arith.constant 288 : i32
      %add3A_321 = vector.broadcast %add3A_320 : i32 to vector<16xi32>
      %add3A_322 = arith.addi %add3A_321, %iota3A : vector<16xi32>
      %gather3A_323 = tpu.vector_load_idx %arg4[%add3A_15, %add3A_322] : memref<26x512xi32, #tpu.memory_space<vmem>>[vector<16xi32>, vector<16xi32>], vector<16xi32>,
      %mul3A_324 = arith.constant 100000 : i32
      %mul3A_325 = arith.muli %scan3A_12, %mul3A_324 : i32
      %add3A_326 = vector.broadcast %mul3A_325 : i32 to vector<16xi32>
      %add3A_327 = arith.addi %gather3A_323, %add3A_326 : vector<16xi32>
      %mul3A_328 = arith.constant 4 : i32
      %mul3A_329 = arith.muli %scan3A_12, %mul3A_328 : i32
      %add3A_330 = arith.constant 2 : i32
      %add3A_331 = arith.addi %mul3A_329, %add3A_330 : i32
      %swap3A_332 = arith.constant 0 : i32
      %swap3A_333 = tpu.memref_slice %arg5[%add3A_331, %swap3A_332] : memref<104x128xi32, #tpu.memory_space<vmem>> -> memref<1x128xi32, #tpu.memory_space<vmem>>
      %swap3A_334 = tpu.memref_squeeze %swap3A_333 : memref<1x128xi32, #tpu.memory_space<vmem>> -> memref<128xi32, #tpu.memory_space<vmem>>
      %swap3A_335 = arith.constant 32 : index
      %swap3A_336 = tpu.vector_load %swap3A_334[%swap3A_335] {strides = array<i32>} : memref<128xi32, #tpu.memory_space<vmem>>, vector<16xi32>,
      tpu.vector_store %swap3A_334[%swap3A_335], %add3A_327 {strides = array<i32>} : memref<128xi32, #tpu.memory_space<vmem>>, vector<16xi32>,
      %add3A_337 = arith.constant 304 : i32
      %add3A_338 = vector.broadcast %add3A_337 : i32 to vector<16xi32>
      %add3A_339 = arith.addi %add3A_338, %iota3A : vector<16xi32>
      %gather3A_340 = tpu.vector_load_idx %arg4[%add3A_15, %add3A_339] : memref<26x512xi32, #tpu.memory_space<vmem>>[vector<16xi32>, vector<16xi32>], vector<16xi32>,
      %mul3A_341 = arith.constant 100000 : i32
      %mul3A_342 = arith.muli %scan3A_12, %mul3A_341 : i32
      %add3A_343 = vector.broadcast %mul3A_342 : i32 to vector<16xi32>
      %add3A_344 = arith.addi %gather3A_340, %add3A_343 : vector<16xi32>
      %mul3A_345 = arith.constant 4 : i32
      %mul3A_346 = arith.muli %scan3A_12, %mul3A_345 : i32
      %add3A_347 = arith.constant 2 : i32
      %add3A_348 = arith.addi %mul3A_346, %add3A_347 : i32
      %swap3A_349 = arith.constant 0 : i32
      %swap3A_350 = tpu.memref_slice %arg5[%add3A_348, %swap3A_349] : memref<104x128xi32, #tpu.memory_space<vmem>> -> memref<1x128xi32, #tpu.memory_space<vmem>>
      %swap3A_351 = tpu.memref_squeeze %swap3A_350 : memref<1x128xi32, #tpu.memory_space<vmem>> -> memref<128xi32, #tpu.memory_space<vmem>>
      %swap3A_352 = arith.constant 48 : index
      %swap3A_353 = tpu.vector_load %swap3A_351[%swap3A_352] {strides = array<i32>} : memref<128xi32, #tpu.memory_space<vmem>>, vector<16xi32>,
      tpu.vector_store %swap3A_351[%swap3A_352], %add3A_344 {strides = array<i32>} : memref<128xi32, #tpu.memory_space<vmem>>, vector<16xi32>,
      %add3A_354 = arith.constant 320 : i32
      %add3A_355 = vector.broadcast %add3A_354 : i32 to vector<16xi32>
      %add3A_356 = arith.addi %add3A_355, %iota3A : vector<16xi32>
      %gather3A_357 = tpu.vector_load_idx %arg4[%add3A_15, %add3A_356] : memref<26x512xi32, #tpu.memory_space<vmem>>[vector<16xi32>, vector<16xi32>], vector<16xi32>,
      %mul3A_358 = arith.constant 100000 : i32
      %mul3A_359 = arith.muli %scan3A_12, %mul3A_358 : i32
      %add3A_360 = vector.broadcast %mul3A_359 : i32 to vector<16xi32>
      %add3A_361 = arith.addi %gather3A_357, %add3A_360 : vector<16xi32>
      %mul3A_362 = arith.constant 4 : i32
      %mul3A_363 = arith.muli %scan3A_12, %mul3A_362 : i32
      %add3A_364 = arith.constant 2 : i32
      %add3A_365 = arith.addi %mul3A_363, %add3A_364 : i32
      %swap3A_366 = arith.constant 0 : i32
      %swap3A_367 = tpu.memref_slice %arg5[%add3A_365, %swap3A_366] : memref<104x128xi32, #tpu.memory_space<vmem>> -> memref<1x128xi32, #tpu.memory_space<vmem>>
      %swap3A_368 = tpu.memref_squeeze %swap3A_367 : memref<1x128xi32, #tpu.memory_space<vmem>> -> memref<128xi32, #tpu.memory_space<vmem>>
      %swap3A_369 = arith.constant 64 : index
      %swap3A_370 = tpu.vector_load %swap3A_368[%swap3A_369] {strides = array<i32>} : memref<128xi32, #tpu.memory_space<vmem>>, vector<16xi32>,
      tpu.vector_store %swap3A_368[%swap3A_369], %add3A_361 {strides = array<i32>} : memref<128xi32, #tpu.memory_space<vmem>>, vector<16xi32>,
      %add3A_371 = arith.constant 336 : i32
      %add3A_372 = vector.broadcast %add3A_371 : i32 to vector<16xi32>
      %add3A_373 = arith.addi %add3A_372, %iota3A : vector<16xi32>
      %gather3A_374 = tpu.vector_load_idx %arg4[%add3A_15, %add3A_373] : memref<26x512xi32, #tpu.memory_space<vmem>>[vector<16xi32>, vector<16xi32>], vector<16xi32>,
      %mul3A_375 = arith.constant 100000 : i32
      %mul3A_376 = arith.muli %scan3A_12, %mul3A_375 : i32
      %add3A_377 = vector.broadcast %mul3A_376 : i32 to vector<16xi32>
      %add3A_378 = arith.addi %gather3A_374, %add3A_377 : vector<16xi32>
      %mul3A_379 = arith.constant 4 : i32
      %mul3A_380 = arith.muli %scan3A_12, %mul3A_379 : i32
      %add3A_381 = arith.constant 2 : i32
      %add3A_382 = arith.addi %mul3A_380, %add3A_381 : i32
      %swap3A_383 = arith.constant 0 : i32
      %swap3A_384 = tpu.memref_slice %arg5[%add3A_382, %swap3A_383] : memref<104x128xi32, #tpu.memory_space<vmem>> -> memref<1x128xi32, #tpu.memory_space<vmem>>
      %swap3A_385 = tpu.memref_squeeze %swap3A_384 : memref<1x128xi32, #tpu.memory_space<vmem>> -> memref<128xi32, #tpu.memory_space<vmem>>
      %swap3A_386 = arith.constant 80 : index
      %swap3A_387 = tpu.vector_load %swap3A_385[%swap3A_386] {strides = array<i32>} : memref<128xi32, #tpu.memory_space<vmem>>, vector<16xi32>,
      tpu.vector_store %swap3A_385[%swap3A_386], %add3A_378 {strides = array<i32>} : memref<128xi32, #tpu.memory_space<vmem>>, vector<16xi32>,
      %add3A_388 = arith.constant 352 : i32
      %add3A_389 = vector.broadcast %add3A_388 : i32 to vector<16xi32>
      %add3A_390 = arith.addi %add3A_389, %iota3A : vector<16xi32>
      %gather3A_391 = tpu.vector_load_idx %arg4[%add3A_15, %add3A_390] : memref<26x512xi32, #tpu.memory_space<vmem>>[vector<16xi32>, vector<16xi32>], vector<16xi32>,
      %mul3A_392 = arith.constant 100000 : i32
      %mul3A_393 = arith.muli %scan3A_12, %mul3A_392 : i32
      %add3A_394 = vector.broadcast %mul3A_393 : i32 to vector<16xi32>
      %add3A_395 = arith.addi %gather3A_391, %add3A_394 : vector<16xi32>
      %mul3A_396 = arith.constant 4 : i32
      %mul3A_397 = arith.muli %scan3A_12, %mul3A_396 : i32
      %add3A_398 = arith.constant 2 : i32
      %add3A_399 = arith.addi %mul3A_397, %add3A_398 : i32
      %swap3A_400 = arith.constant 0 : i32
      %swap3A_401 = tpu.memref_slice %arg5[%add3A_399, %swap3A_400] : memref<104x128xi32, #tpu.memory_space<vmem>> -> memref<1x128xi32, #tpu.memory_space<vmem>>
      %swap3A_402 = tpu.memref_squeeze %swap3A_401 : memref<1x128xi32, #tpu.memory_space<vmem>> -> memref<128xi32, #tpu.memory_space<vmem>>
      %swap3A_403 = arith.constant 96 : index
      %swap3A_404 = tpu.vector_load %swap3A_402[%swap3A_403] {strides = array<i32>} : memref<128xi32, #tpu.memory_space<vmem>>, vector<16xi32>,
      tpu.vector_store %swap3A_402[%swap3A_403], %add3A_395 {strides = array<i32>} : memref<128xi32, #tpu.memory_space<vmem>>, vector<16xi32>,
      %add3A_405 = arith.constant 368 : i32
      %add3A_406 = vector.broadcast %add3A_405 : i32 to vector<16xi32>
      %add3A_407 = arith.addi %add3A_406, %iota3A : vector<16xi32>
      %gather3A_408 = tpu.vector_load_idx %arg4[%add3A_15, %add3A_407] : memref<26x512xi32, #tpu.memory_space<vmem>>[vector<16xi32>, vector<16xi32>], vector<16xi32>,
      %mul3A_409 = arith.constant 100000 : i32
      %mul3A_410 = arith.muli %scan3A_12, %mul3A_409 : i32
      %add3A_411 = vector.broadcast %mul3A_410 : i32 to vector<16xi32>
      %add3A_412 = arith.addi %gather3A_408, %add3A_411 : vector<16xi32>
      %mul3A_413 = arith.constant 4 : i32
      %mul3A_414 = arith.muli %scan3A_12, %mul3A_413 : i32
      %add3A_415 = arith.constant 2 : i32
      %add3A_416 = arith.addi %mul3A_414, %add3A_415 : i32
      %swap3A_417 = arith.constant 0 : i32
      %swap3A_418 = tpu.memref_slice %arg5[%add3A_416, %swap3A_417] : memref<104x128xi32, #tpu.memory_space<vmem>> -> memref<1x128xi32, #tpu.memory_space<vmem>>
      %swap3A_419 = tpu.memref_squeeze %swap3A_418 : memref<1x128xi32, #tpu.memory_space<vmem>> -> memref<128xi32, #tpu.memory_space<vmem>>
      %swap3A_420 = arith.constant 112 : index
      %swap3A_421 = tpu.vector_load %swap3A_419[%swap3A_420] {strides = array<i32>} : memref<128xi32, #tpu.memory_space<vmem>>, vector<16xi32>,
      tpu.vector_store %swap3A_419[%swap3A_420], %add3A_412 {strides = array<i32>} : memref<128xi32, #tpu.memory_space<vmem>>, vector<16xi32>,
      %add3A_422 = arith.constant 384 : i32
      %add3A_423 = vector.broadcast %add3A_422 : i32 to vector<16xi32>
      %add3A_424 = arith.addi %add3A_423, %iota3A : vector<16xi32>
      %gather3A_425 = tpu.vector_load_idx %arg4[%add3A_15, %add3A_424] : memref<26x512xi32, #tpu.memory_space<vmem>>[vector<16xi32>, vector<16xi32>], vector<16xi32>,
      %mul3A_426 = arith.constant 100000 : i32
      %mul3A_427 = arith.muli %scan3A_12, %mul3A_426 : i32
      %add3A_428 = vector.broadcast %mul3A_427 : i32 to vector<16xi32>
      %add3A_429 = arith.addi %gather3A_425, %add3A_428 : vector<16xi32>
      %mul3A_430 = arith.constant 4 : i32
      %mul3A_431 = arith.muli %scan3A_12, %mul3A_430 : i32
      %add3A_432 = arith.constant 3 : i32
      %add3A_433 = arith.addi %mul3A_431, %add3A_432 : i32
      %swap3A_434 = arith.constant 0 : i32
      %swap3A_435 = tpu.memref_slice %arg5[%add3A_433, %swap3A_434] : memref<104x128xi32, #tpu.memory_space<vmem>> -> memref<1x128xi32, #tpu.memory_space<vmem>>
      %swap3A_436 = tpu.memref_squeeze %swap3A_435 : memref<1x128xi32, #tpu.memory_space<vmem>> -> memref<128xi32, #tpu.memory_space<vmem>>
      %swap3A_437 = arith.constant 0 : index
      %swap3A_438 = tpu.vector_load %swap3A_436[%swap3A_437] {strides = array<i32>} : memref<128xi32, #tpu.memory_space<vmem>>, vector<16xi32>,
      tpu.vector_store %swap3A_436[%swap3A_437], %add3A_429 {strides = array<i32>} : memref<128xi32, #tpu.memory_space<vmem>>, vector<16xi32>,
      %add3A_439 = arith.constant 400 : i32
      %add3A_440 = vector.broadcast %add3A_439 : i32 to vector<16xi32>
      %add3A_441 = arith.addi %add3A_440, %iota3A : vector<16xi32>
      %gather3A_442 = tpu.vector_load_idx %arg4[%add3A_15, %add3A_441] : memref<26x512xi32, #tpu.memory_space<vmem>>[vector<16xi32>, vector<16xi32>], vector<16xi32>,
      %mul3A_443 = arith.constant 100000 : i32
      %mul3A_444 = arith.muli %scan3A_12, %mul3A_443 : i32
      %add3A_445 = vector.broadcast %mul3A_444 : i32 to vector<16xi32>
      %add3A_446 = arith.addi %gather3A_442, %add3A_445 : vector<16xi32>
      %mul3A_447 = arith.constant 4 : i32
      %mul3A_448 = arith.muli %scan3A_12, %mul3A_447 : i32
      %add3A_449 = arith.constant 3 : i32
      %add3A_450 = arith.addi %mul3A_448, %add3A_449 : i32
      %swap3A_451 = arith.constant 0 : i32
      %swap3A_452 = tpu.memref_slice %arg5[%add3A_450, %swap3A_451] : memref<104x128xi32, #tpu.memory_space<vmem>> -> memref<1x128xi32, #tpu.memory_space<vmem>>
      %swap3A_453 = tpu.memref_squeeze %swap3A_452 : memref<1x128xi32, #tpu.memory_space<vmem>> -> memref<128xi32, #tpu.memory_space<vmem>>
      %swap3A_454 = arith.constant 16 : index
      %swap3A_455 = tpu.vector_load %swap3A_453[%swap3A_454] {strides = array<i32>} : memref<128xi32, #tpu.memory_space<vmem>>, vector<16xi32>,
      tpu.vector_store %swap3A_453[%swap3A_454], %add3A_446 {strides = array<i32>} : memref<128xi32, #tpu.memory_space<vmem>>, vector<16xi32>,
      %add3A_456 = arith.constant 416 : i32
      %add3A_457 = vector.broadcast %add3A_456 : i32 to vector<16xi32>
      %add3A_458 = arith.addi %add3A_457, %iota3A : vector<16xi32>
      %gather3A_459 = tpu.vector_load_idx %arg4[%add3A_15, %add3A_458] : memref<26x512xi32, #tpu.memory_space<vmem>>[vector<16xi32>, vector<16xi32>], vector<16xi32>,
      %mul3A_460 = arith.constant 100000 : i32
      %mul3A_461 = arith.muli %scan3A_12, %mul3A_460 : i32
      %add3A_462 = vector.broadcast %mul3A_461 : i32 to vector<16xi32>
      %add3A_463 = arith.addi %gather3A_459, %add3A_462 : vector<16xi32>
      %mul3A_464 = arith.constant 4 : i32
      %mul3A_465 = arith.muli %scan3A_12, %mul3A_464 : i32
      %add3A_466 = arith.constant 3 : i32
      %add3A_467 = arith.addi %mul3A_465, %add3A_466 : i32
      %swap3A_468 = arith.constant 0 : i32
      %swap3A_469 = tpu.memref_slice %arg5[%add3A_467, %swap3A_468] : memref<104x128xi32, #tpu.memory_space<vmem>> -> memref<1x128xi32, #tpu.memory_space<vmem>>
      %swap3A_470 = tpu.memref_squeeze %swap3A_469 : memref<1x128xi32, #tpu.memory_space<vmem>> -> memref<128xi32, #tpu.memory_space<vmem>>
      %swap3A_471 = arith.constant 32 : index
      %swap3A_472 = tpu.vector_load %swap3A_470[%swap3A_471] {strides = array<i32>} : memref<128xi32, #tpu.memory_space<vmem>>, vector<16xi32>,
      tpu.vector_store %swap3A_470[%swap3A_471], %add3A_463 {strides = array<i32>} : memref<128xi32, #tpu.memory_space<vmem>>, vector<16xi32>,
      %add3A_473 = arith.constant 432 : i32
      %add3A_474 = vector.broadcast %add3A_473 : i32 to vector<16xi32>
      %add3A_475 = arith.addi %add3A_474, %iota3A : vector<16xi32>
      %gather3A_476 = tpu.vector_load_idx %arg4[%add3A_15, %add3A_475] : memref<26x512xi32, #tpu.memory_space<vmem>>[vector<16xi32>, vector<16xi32>], vector<16xi32>,
      %mul3A_477 = arith.constant 100000 : i32
      %mul3A_478 = arith.muli %scan3A_12, %mul3A_477 : i32
      %add3A_479 = vector.broadcast %mul3A_478 : i32 to vector<16xi32>
      %add3A_480 = arith.addi %gather3A_476, %add3A_479 : vector<16xi32>
      %mul3A_481 = arith.constant 4 : i32
      %mul3A_482 = arith.muli %scan3A_12, %mul3A_481 : i32
      %add3A_483 = arith.constant 3 : i32
      %add3A_484 = arith.addi %mul3A_482, %add3A_483 : i32
      %swap3A_485 = arith.constant 0 : i32
      %swap3A_486 = tpu.memref_slice %arg5[%add3A_484, %swap3A_485] : memref<104x128xi32, #tpu.memory_space<vmem>> -> memref<1x128xi32, #tpu.memory_space<vmem>>
      %swap3A_487 = tpu.memref_squeeze %swap3A_486 : memref<1x128xi32, #tpu.memory_space<vmem>> -> memref<128xi32, #tpu.memory_space<vmem>>
      %swap3A_488 = arith.constant 48 : index
      %swap3A_489 = tpu.vector_load %swap3A_487[%swap3A_488] {strides = array<i32>} : memref<128xi32, #tpu.memory_space<vmem>>, vector<16xi32>,
      tpu.vector_store %swap3A_487[%swap3A_488], %add3A_480 {strides = array<i32>} : memref<128xi32, #tpu.memory_space<vmem>>, vector<16xi32>,
      %add3A_490 = arith.constant 448 : i32
      %add3A_491 = vector.broadcast %add3A_490 : i32 to vector<16xi32>
      %add3A_492 = arith.addi %add3A_491, %iota3A : vector<16xi32>
      %gather3A_493 = tpu.vector_load_idx %arg4[%add3A_15, %add3A_492] : memref<26x512xi32, #tpu.memory_space<vmem>>[vector<16xi32>, vector<16xi32>], vector<16xi32>,
      %mul3A_494 = arith.constant 100000 : i32
      %mul3A_495 = arith.muli %scan3A_12, %mul3A_494 : i32
      %add3A_496 = vector.broadcast %mul3A_495 : i32 to vector<16xi32>
      %add3A_497 = arith.addi %gather3A_493, %add3A_496 : vector<16xi32>
      %mul3A_498 = arith.constant 4 : i32
      %mul3A_499 = arith.muli %scan3A_12, %mul3A_498 : i32
      %add3A_500 = arith.constant 3 : i32
      %add3A_501 = arith.addi %mul3A_499, %add3A_500 : i32
      %swap3A_502 = arith.constant 0 : i32
      %swap3A_503 = tpu.memref_slice %arg5[%add3A_501, %swap3A_502] : memref<104x128xi32, #tpu.memory_space<vmem>> -> memref<1x128xi32, #tpu.memory_space<vmem>>
      %swap3A_504 = tpu.memref_squeeze %swap3A_503 : memref<1x128xi32, #tpu.memory_space<vmem>> -> memref<128xi32, #tpu.memory_space<vmem>>
      %swap3A_505 = arith.constant 64 : index
      %swap3A_506 = tpu.vector_load %swap3A_504[%swap3A_505] {strides = array<i32>} : memref<128xi32, #tpu.memory_space<vmem>>, vector<16xi32>,
      tpu.vector_store %swap3A_504[%swap3A_505], %add3A_497 {strides = array<i32>} : memref<128xi32, #tpu.memory_space<vmem>>, vector<16xi32>,
      %add3A_507 = arith.constant 464 : i32
      %add3A_508 = vector.broadcast %add3A_507 : i32 to vector<16xi32>
      %add3A_509 = arith.addi %add3A_508, %iota3A : vector<16xi32>
      %gather3A_510 = tpu.vector_load_idx %arg4[%add3A_15, %add3A_509] : memref<26x512xi32, #tpu.memory_space<vmem>>[vector<16xi32>, vector<16xi32>], vector<16xi32>,
      %mul3A_511 = arith.constant 100000 : i32
      %mul3A_512 = arith.muli %scan3A_12, %mul3A_511 : i32
      %add3A_513 = vector.broadcast %mul3A_512 : i32 to vector<16xi32>
      %add3A_514 = arith.addi %gather3A_510, %add3A_513 : vector<16xi32>
      %mul3A_515 = arith.constant 4 : i32
      %mul3A_516 = arith.muli %scan3A_12, %mul3A_515 : i32
      %add3A_517 = arith.constant 3 : i32
      %add3A_518 = arith.addi %mul3A_516, %add3A_517 : i32
      %swap3A_519 = arith.constant 0 : i32
      %swap3A_520 = tpu.memref_slice %arg5[%add3A_518, %swap3A_519] : memref<104x128xi32, #tpu.memory_space<vmem>> -> memref<1x128xi32, #tpu.memory_space<vmem>>
      %swap3A_521 = tpu.memref_squeeze %swap3A_520 : memref<1x128xi32, #tpu.memory_space<vmem>> -> memref<128xi32, #tpu.memory_space<vmem>>
      %swap3A_522 = arith.constant 80 : index
      %swap3A_523 = tpu.vector_load %swap3A_521[%swap3A_522] {strides = array<i32>} : memref<128xi32, #tpu.memory_space<vmem>>, vector<16xi32>,
      tpu.vector_store %swap3A_521[%swap3A_522], %add3A_514 {strides = array<i32>} : memref<128xi32, #tpu.memory_space<vmem>>, vector<16xi32>,
      %add3A_524 = arith.constant 480 : i32
      %add3A_525 = vector.broadcast %add3A_524 : i32 to vector<16xi32>
      %add3A_526 = arith.addi %add3A_525, %iota3A : vector<16xi32>
      %gather3A_527 = tpu.vector_load_idx %arg4[%add3A_15, %add3A_526] : memref<26x512xi32, #tpu.memory_space<vmem>>[vector<16xi32>, vector<16xi32>], vector<16xi32>,
      %mul3A_528 = arith.constant 100000 : i32
      %mul3A_529 = arith.muli %scan3A_12, %mul3A_528 : i32
      %add3A_530 = vector.broadcast %mul3A_529 : i32 to vector<16xi32>
      %add3A_531 = arith.addi %gather3A_527, %add3A_530 : vector<16xi32>
      %mul3A_532 = arith.constant 4 : i32
      %mul3A_533 = arith.muli %scan3A_12, %mul3A_532 : i32
      %add3A_534 = arith.constant 3 : i32
      %add3A_535 = arith.addi %mul3A_533, %add3A_534 : i32
      %swap3A_536 = arith.constant 0 : i32
      %swap3A_537 = tpu.memref_slice %arg5[%add3A_535, %swap3A_536] : memref<104x128xi32, #tpu.memory_space<vmem>> -> memref<1x128xi32, #tpu.memory_space<vmem>>
      %swap3A_538 = tpu.memref_squeeze %swap3A_537 : memref<1x128xi32, #tpu.memory_space<vmem>> -> memref<128xi32, #tpu.memory_space<vmem>>
      %swap3A_539 = arith.constant 96 : index
      %swap3A_540 = tpu.vector_load %swap3A_538[%swap3A_539] {strides = array<i32>} : memref<128xi32, #tpu.memory_space<vmem>>, vector<16xi32>,
      tpu.vector_store %swap3A_538[%swap3A_539], %add3A_531 {strides = array<i32>} : memref<128xi32, #tpu.memory_space<vmem>>, vector<16xi32>,
      %add3A_541 = arith.constant 496 : i32
      %add3A_542 = vector.broadcast %add3A_541 : i32 to vector<16xi32>
      %add3A_543 = arith.addi %add3A_542, %iota3A : vector<16xi32>
      %gather3A_544 = tpu.vector_load_idx %arg4[%add3A_15, %add3A_543] : memref<26x512xi32, #tpu.memory_space<vmem>>[vector<16xi32>, vector<16xi32>], vector<16xi32>,
      %mul3A_545 = arith.constant 100000 : i32
      %mul3A_546 = arith.muli %scan3A_12, %mul3A_545 : i32
      %add3A_547 = vector.broadcast %mul3A_546 : i32 to vector<16xi32>
      %add3A_548 = arith.addi %gather3A_544, %add3A_547 : vector<16xi32>
      %mul3A_549 = arith.constant 4 : i32
      %mul3A_550 = arith.muli %scan3A_12, %mul3A_549 : i32
      %add3A_551 = arith.constant 3 : i32
      %add3A_552 = arith.addi %mul3A_550, %add3A_551 : i32
      %swap3A_553 = arith.constant 0 : i32
      %swap3A_554 = tpu.memref_slice %arg5[%add3A_552, %swap3A_553] : memref<104x128xi32, #tpu.memory_space<vmem>> -> memref<1x128xi32, #tpu.memory_space<vmem>>
      %swap3A_555 = tpu.memref_squeeze %swap3A_554 : memref<1x128xi32, #tpu.memory_space<vmem>> -> memref<128xi32, #tpu.memory_space<vmem>>
      %swap3A_556 = arith.constant 112 : index
      %swap3A_557 = tpu.vector_load %swap3A_555[%swap3A_556] {strides = array<i32>} : memref<128xi32, #tpu.memory_space<vmem>>, vector<16xi32>,
      tpu.vector_store %swap3A_555[%swap3A_556], %add3A_548 {strides = array<i32>} : memref<128xi32, #tpu.memory_space<vmem>>, vector<16xi32>,
      %scan3A_558 = arith.constant 0 : i32
      scf.yield %scan3A_558 : i32
    }
    %scan3A_9 = arith.constant 26 : i32
    %mul3A_10 = arith.constant 104 : i32
    %mul3A_11 = arith.muli %add3A, %mul3A_10 : i32
    "tpu.region"() ({
      %run_scoped3A = tpu.sem_alloc : memref<!tpu.dma_semaphore, #tpu.memory_space<semaphore_mem>>
      %dma_start3A = arith.constant 0 : i32
      %dma_start3A_12 = tpu.memref_slice %arg3[%mul3A_11, %dma_start3A] : memref<3328x128xi32, #tpu.memory_space<hbm>> -> memref<104x128xi32, #tpu.memory_space<hbm>>
      %dma_start3A_13 = arith.constant 0 : i32
      %dma_start3A_14 = tpu.memref_slice %arg3[%mul3A_11, %dma_start3A_13] : memref<3328x128xi32, #tpu.memory_space<hbm>> -> memref<104x128xi32, #tpu.memory_space<hbm>>
      tpu.enqueue_dma source(%arg5 : memref<104x128xi32, #tpu.memory_space<vmem>>) target(%dma_start3A_14 : memref<104x128xi32, #tpu.memory_space<hbm>>) target_semaphore(%run_scoped3A : memref<!tpu.dma_semaphore, #tpu.memory_space<semaphore_mem>>)
      %dma_wait3A = arith.constant 0 : i32
      %dma_wait3A_15 = tpu.memref_slice %arg3[%mul3A_11, %dma_wait3A] : memref<3328x128xi32, #tpu.memory_space<hbm>> -> memref<104x128xi32, #tpu.memory_space<hbm>>
      %dma_wait3A_16 = arith.constant 0 : i32
      %dma_wait3A_17 = tpu.memref_slice %arg3[%mul3A_11, %dma_wait3A_16] : memref<3328x128xi32, #tpu.memory_space<hbm>> -> memref<104x128xi32, #tpu.memory_space<hbm>>
      tpu.wait_dma2 semaphore(%run_scoped3A : memref<!tpu.dma_semaphore, #tpu.memory_space<semaphore_mem>>) src(%arg5 : memref<104x128xi32, #tpu.memory_space<vmem>>) dst(%dma_wait3A_17 : memref<104x128xi32, #tpu.memory_space<hbm>>)
      tpu.yield
    }) : () -> ()
    return
  }
}

#map = affine_map<(d0, d1) -> (0)>
#map1 = affine_map<(d0, d1) -> (0, 0)>
module attributes {stable_mosaic.version = 14 : i64} {
  func.func @_gather_body(%arg0: i32, %arg1: i32, %arg2: memref<1299456xf32, #tpu.memory_space<hbm>>, %arg3: memref<1301504xf32, #tpu.memory_space<hbm>>, %arg4: memref<3328x128xi32, #tpu.memory_space<hbm>>, %arg5: memref<16384xf32, #tpu.memory_space<hbm>>, %arg6: memref<104x128xi32, #tpu.memory_space<vmem>>, %arg7: memref<104x128xi32, #tpu.memory_space<vmem>>, %arg8: memref<104x128xf32, #tpu.memory_space<vmem>>, %arg9: memref<104x128xf32, #tpu.memory_space<vmem>>, %arg10: memref<104x128xf32, #tpu.memory_space<vmem>>, %arg11: memref<512xf32, #tpu.memory_space<vmem>>, %arg12: memref<!tpu.dma_semaphore, #tpu.memory_space<semaphore_mem>>) attributes {dimension_semantics = [#tpu.dimension_semantics<core_parallel>, #tpu.dimension_semantics<subcore_parallel>], iteration_bounds = array<i64: 2, 16>, scalar_prefetch = 0 : i64, scratch_operands = 7 : i64, tpu.core_type = #tpu.core_type<sc_vector_subcore>, window_params = [{transform_indices = #map}, {transform_indices = #map}, {transform_indices = #map1}, {transform_indices = #map}]} {
    %mul3A = arith.constant 2 : i32
    %mul3A_0 = arith.muli %arg1, %mul3A : i32
    %add3A = arith.addi %mul3A_0, %arg0 : i32
    %mul3A_1 = arith.constant 104 : i32
    %mul3A_2 = arith.muli %add3A, %mul3A_1 : i32
    "tpu.region"() ({
      %run_scoped3A = tpu.sem_alloc : memref<!tpu.dma_semaphore, #tpu.memory_space<semaphore_mem>>
      %dma_start3A = arith.constant 0 : i32
      %dma_start3A_28 = tpu.memref_slice %arg4[%mul3A_2, %dma_start3A] : memref<3328x128xi32, #tpu.memory_space<hbm>> -> memref<104x128xi32, #tpu.memory_space<hbm>>
      %dma_start3A_29 = arith.constant 0 : i32
      %dma_start3A_30 = tpu.memref_slice %arg4[%mul3A_2, %dma_start3A_29] : memref<3328x128xi32, #tpu.memory_space<hbm>> -> memref<104x128xi32, #tpu.memory_space<hbm>>
      tpu.enqueue_dma source(%dma_start3A_30 : memref<104x128xi32, #tpu.memory_space<hbm>>) target(%arg6 : memref<104x128xi32, #tpu.memory_space<vmem>>) target_semaphore(%run_scoped3A : memref<!tpu.dma_semaphore, #tpu.memory_space<semaphore_mem>>)
      %dma_wait3A = arith.constant 0 : i32
      %dma_wait3A_31 = tpu.memref_slice %arg4[%mul3A_2, %dma_wait3A] : memref<3328x128xi32, #tpu.memory_space<hbm>> -> memref<104x128xi32, #tpu.memory_space<hbm>>
      %dma_wait3A_32 = arith.constant 0 : i32
      %dma_wait3A_33 = tpu.memref_slice %arg4[%mul3A_2, %dma_wait3A_32] : memref<3328x128xi32, #tpu.memory_space<hbm>> -> memref<104x128xi32, #tpu.memory_space<hbm>>
      tpu.wait_dma2 semaphore(%run_scoped3A : memref<!tpu.dma_semaphore, #tpu.memory_space<semaphore_mem>>) src(%dma_wait3A_33 : memref<104x128xi32, #tpu.memory_space<hbm>>) dst(%arg6 : memref<104x128xi32, #tpu.memory_space<vmem>>)
      tpu.yield
    }) : () -> ()
    %broadcast_in_dim3A = arith.constant 1.000000e+00 : f32
    %broadcast_in_dim3A_3 = vector.broadcast %broadcast_in_dim3A : f32 to vector<16xf32>
    %broadcast_in_dim3A_4 = arith.constant 0.000000e+00 : f32
    %broadcast_in_dim3A_5 = vector.broadcast %broadcast_in_dim3A_4 : f32 to vector<16xf32>
    %scan3A = arith.constant 0 : i32
    %scan3A_6 = arith.constant 0 : i32
    %scan3A_7 = arith.constant 104 : i32
    %scan3A_8 = arith.addi %scan3A_6, %scan3A_7 : i32
    %scan3A_9 = arith.constant 1 : i32
    %scan3A_10 = scf.for %scan3A_28 = %scan3A_6 to %scan3A_8 step %scan3A_9 iter_args(%scan3A_29 = %scan3A) -> (i32)  : i32 {
      %get3A = arith.constant 0 : i32
      %get3A_30 = tpu.memref_slice %arg6[%scan3A_28, %get3A] : memref<104x128xi32, #tpu.memory_space<vmem>> -> memref<1x128xi32, #tpu.memory_space<vmem>>
      %get3A_31 = tpu.memref_squeeze %get3A_30 : memref<1x128xi32, #tpu.memory_space<vmem>> -> memref<128xi32, #tpu.memory_space<vmem>>
      %get3A_32 = arith.constant 0 : index
      %get3A_33 = tpu.vector_load %get3A_31[%get3A_32] {strides = array<i32>} : memref<128xi32, #tpu.memory_space<vmem>>, vector<16xi32>,
      %lt3A = arith.constant 1299456 : i32
      %lt3A_34 = vector.broadcast %lt3A : i32 to vector<16xi32>
      %lt3A_35 = arith.cmpi slt, %get3A_33, %lt3A_34 : vector<16xi32>
      %sub3A = arith.constant 1299456 : i32
      %sub3A_36 = vector.broadcast %sub3A : i32 to vector<16xi32>
      %sub3A_37 = arith.subi %get3A_33, %sub3A_36 : vector<16xi32>
      %min3A = arith.constant 1299455 : i32
      %min3A_38 = vector.broadcast %min3A : i32 to vector<16xi32>
      %min3A_39 = arith.minsi %sub3A_37, %min3A_38 : vector<16xi32>
      %select_n3A = arith.select %lt3A_35, %get3A_33, %min3A_39 : vector<16xi1>, vector<16xi32>
      %swap3A = arith.constant 0 : i32
      %swap3A_40 = tpu.memref_slice %arg6[%scan3A_28, %swap3A] : memref<104x128xi32, #tpu.memory_space<vmem>> -> memref<1x128xi32, #tpu.memory_space<vmem>>
      %swap3A_41 = tpu.memref_squeeze %swap3A_40 : memref<1x128xi32, #tpu.memory_space<vmem>> -> memref<128xi32, #tpu.memory_space<vmem>>
      %swap3A_42 = arith.constant 0 : index
      %swap3A_43 = tpu.vector_load %swap3A_41[%swap3A_42] {strides = array<i32>} : memref<128xi32, #tpu.memory_space<vmem>>, vector<16xi32>,
      tpu.vector_store %swap3A_41[%swap3A_42], %select_n3A {strides = array<i32>} : memref<128xi32, #tpu.memory_space<vmem>>, vector<16xi32>,
      %min3A_44 = arith.constant 1301503 : i32
      %min3A_45 = vector.broadcast %min3A_44 : i32 to vector<16xi32>
      %min3A_46 = arith.minsi %get3A_33, %min3A_45 : vector<16xi32>
      %sub3A_47 = arith.constant 1298496 : i32
      %sub3A_48 = vector.broadcast %sub3A_47 : i32 to vector<16xi32>
      %sub3A_49 = arith.subi %get3A_33, %sub3A_48 : vector<16xi32>
      %select_n3A_50 = arith.select %lt3A_35, %min3A_46, %sub3A_49 : vector<16xi1>, vector<16xi32>
      %swap3A_51 = arith.constant 0 : i32
      %swap3A_52 = tpu.memref_slice %arg7[%scan3A_28, %swap3A_51] : memref<104x128xi32, #tpu.memory_space<vmem>> -> memref<1x128xi32, #tpu.memory_space<vmem>>
      %swap3A_53 = tpu.memref_squeeze %swap3A_52 : memref<1x128xi32, #tpu.memory_space<vmem>> -> memref<128xi32, #tpu.memory_space<vmem>>
      %swap3A_54 = arith.constant 0 : index
      %swap3A_55 = tpu.vector_load %swap3A_53[%swap3A_54] {strides = array<i32>} : memref<128xi32, #tpu.memory_space<vmem>>, vector<16xi32>,
      tpu.vector_store %swap3A_53[%swap3A_54], %select_n3A_50 {strides = array<i32>} : memref<128xi32, #tpu.memory_space<vmem>>, vector<16xi32>,
      %select_n3A_56 = arith.select %lt3A_35, %broadcast_in_dim3A_3, %broadcast_in_dim3A_5 : vector<16xi1>, vector<16xf32>
      %swap3A_57 = arith.constant 0 : i32
      %swap3A_58 = tpu.memref_slice %arg8[%scan3A_28, %swap3A_57] : memref<104x128xf32, #tpu.memory_space<vmem>> -> memref<1x128xf32, #tpu.memory_space<vmem>>
      %swap3A_59 = tpu.memref_squeeze %swap3A_58 : memref<1x128xf32, #tpu.memory_space<vmem>> -> memref<128xf32, #tpu.memory_space<vmem>>
      %swap3A_60 = arith.constant 0 : index
      %swap3A_61 = tpu.vector_load %swap3A_59[%swap3A_60] {strides = array<i32>} : memref<128xf32, #tpu.memory_space<vmem>>, vector<16xf32>,
      tpu.vector_store %swap3A_59[%swap3A_60], %select_n3A_56 {strides = array<i32>} : memref<128xf32, #tpu.memory_space<vmem>>, vector<16xf32>,
      %get3A_62 = arith.constant 0 : i32
      %get3A_63 = tpu.memref_slice %arg6[%scan3A_28, %get3A_62] : memref<104x128xi32, #tpu.memory_space<vmem>> -> memref<1x128xi32, #tpu.memory_space<vmem>>
      %get3A_64 = tpu.memref_squeeze %get3A_63 : memref<1x128xi32, #tpu.memory_space<vmem>> -> memref<128xi32, #tpu.memory_space<vmem>>
      %get3A_65 = arith.constant 16 : index
      %get3A_66 = tpu.vector_load %get3A_64[%get3A_65] {strides = array<i32>} : memref<128xi32, #tpu.memory_space<vmem>>, vector<16xi32>,
      %lt3A_67 = arith.constant 1299456 : i32
      %lt3A_68 = vector.broadcast %lt3A_67 : i32 to vector<16xi32>
      %lt3A_69 = arith.cmpi slt, %get3A_66, %lt3A_68 : vector<16xi32>
      %sub3A_70 = arith.constant 1299456 : i32
      %sub3A_71 = vector.broadcast %sub3A_70 : i32 to vector<16xi32>
      %sub3A_72 = arith.subi %get3A_66, %sub3A_71 : vector<16xi32>
      %min3A_73 = arith.constant 1299455 : i32
      %min3A_74 = vector.broadcast %min3A_73 : i32 to vector<16xi32>
      %min3A_75 = arith.minsi %sub3A_72, %min3A_74 : vector<16xi32>
      %select_n3A_76 = arith.select %lt3A_69, %get3A_66, %min3A_75 : vector<16xi1>, vector<16xi32>
      %swap3A_77 = arith.constant 0 : i32
      %swap3A_78 = tpu.memref_slice %arg6[%scan3A_28, %swap3A_77] : memref<104x128xi32, #tpu.memory_space<vmem>> -> memref<1x128xi32, #tpu.memory_space<vmem>>
      %swap3A_79 = tpu.memref_squeeze %swap3A_78 : memref<1x128xi32, #tpu.memory_space<vmem>> -> memref<128xi32, #tpu.memory_space<vmem>>
      %swap3A_80 = arith.constant 16 : index
      %swap3A_81 = tpu.vector_load %swap3A_79[%swap3A_80] {strides = array<i32>} : memref<128xi32, #tpu.memory_space<vmem>>, vector<16xi32>,
      tpu.vector_store %swap3A_79[%swap3A_80], %select_n3A_76 {strides = array<i32>} : memref<128xi32, #tpu.memory_space<vmem>>, vector<16xi32>,
      %min3A_82 = arith.constant 1301503 : i32
      %min3A_83 = vector.broadcast %min3A_82 : i32 to vector<16xi32>
      %min3A_84 = arith.minsi %get3A_66, %min3A_83 : vector<16xi32>
      %sub3A_85 = arith.constant 1298496 : i32
      %sub3A_86 = vector.broadcast %sub3A_85 : i32 to vector<16xi32>
      %sub3A_87 = arith.subi %get3A_66, %sub3A_86 : vector<16xi32>
      %select_n3A_88 = arith.select %lt3A_69, %min3A_84, %sub3A_87 : vector<16xi1>, vector<16xi32>
      %swap3A_89 = arith.constant 0 : i32
      %swap3A_90 = tpu.memref_slice %arg7[%scan3A_28, %swap3A_89] : memref<104x128xi32, #tpu.memory_space<vmem>> -> memref<1x128xi32, #tpu.memory_space<vmem>>
      %swap3A_91 = tpu.memref_squeeze %swap3A_90 : memref<1x128xi32, #tpu.memory_space<vmem>> -> memref<128xi32, #tpu.memory_space<vmem>>
      %swap3A_92 = arith.constant 16 : index
      %swap3A_93 = tpu.vector_load %swap3A_91[%swap3A_92] {strides = array<i32>} : memref<128xi32, #tpu.memory_space<vmem>>, vector<16xi32>,
      tpu.vector_store %swap3A_91[%swap3A_92], %select_n3A_88 {strides = array<i32>} : memref<128xi32, #tpu.memory_space<vmem>>, vector<16xi32>,
      %select_n3A_94 = arith.select %lt3A_69, %broadcast_in_dim3A_3, %broadcast_in_dim3A_5 : vector<16xi1>, vector<16xf32>
      %swap3A_95 = arith.constant 0 : i32
      %swap3A_96 = tpu.memref_slice %arg8[%scan3A_28, %swap3A_95] : memref<104x128xf32, #tpu.memory_space<vmem>> -> memref<1x128xf32, #tpu.memory_space<vmem>>
      %swap3A_97 = tpu.memref_squeeze %swap3A_96 : memref<1x128xf32, #tpu.memory_space<vmem>> -> memref<128xf32, #tpu.memory_space<vmem>>
      %swap3A_98 = arith.constant 16 : index
      %swap3A_99 = tpu.vector_load %swap3A_97[%swap3A_98] {strides = array<i32>} : memref<128xf32, #tpu.memory_space<vmem>>, vector<16xf32>,
      tpu.vector_store %swap3A_97[%swap3A_98], %select_n3A_94 {strides = array<i32>} : memref<128xf32, #tpu.memory_space<vmem>>, vector<16xf32>,
      %get3A_100 = arith.constant 0 : i32
      %get3A_101 = tpu.memref_slice %arg6[%scan3A_28, %get3A_100] : memref<104x128xi32, #tpu.memory_space<vmem>> -> memref<1x128xi32, #tpu.memory_space<vmem>>
      %get3A_102 = tpu.memref_squeeze %get3A_101 : memref<1x128xi32, #tpu.memory_space<vmem>> -> memref<128xi32, #tpu.memory_space<vmem>>
      %get3A_103 = arith.constant 32 : index
      %get3A_104 = tpu.vector_load %get3A_102[%get3A_103] {strides = array<i32>} : memref<128xi32, #tpu.memory_space<vmem>>, vector<16xi32>,
      %lt3A_105 = arith.constant 1299456 : i32
      %lt3A_106 = vector.broadcast %lt3A_105 : i32 to vector<16xi32>
      %lt3A_107 = arith.cmpi slt, %get3A_104, %lt3A_106 : vector<16xi32>
      %sub3A_108 = arith.constant 1299456 : i32
      %sub3A_109 = vector.broadcast %sub3A_108 : i32 to vector<16xi32>
      %sub3A_110 = arith.subi %get3A_104, %sub3A_109 : vector<16xi32>
      %min3A_111 = arith.constant 1299455 : i32
      %min3A_112 = vector.broadcast %min3A_111 : i32 to vector<16xi32>
      %min3A_113 = arith.minsi %sub3A_110, %min3A_112 : vector<16xi32>
      %select_n3A_114 = arith.select %lt3A_107, %get3A_104, %min3A_113 : vector<16xi1>, vector<16xi32>
      %swap3A_115 = arith.constant 0 : i32
      %swap3A_116 = tpu.memref_slice %arg6[%scan3A_28, %swap3A_115] : memref<104x128xi32, #tpu.memory_space<vmem>> -> memref<1x128xi32, #tpu.memory_space<vmem>>
      %swap3A_117 = tpu.memref_squeeze %swap3A_116 : memref<1x128xi32, #tpu.memory_space<vmem>> -> memref<128xi32, #tpu.memory_space<vmem>>
      %swap3A_118 = arith.constant 32 : index
      %swap3A_119 = tpu.vector_load %swap3A_117[%swap3A_118] {strides = array<i32>} : memref<128xi32, #tpu.memory_space<vmem>>, vector<16xi32>,
      tpu.vector_store %swap3A_117[%swap3A_118], %select_n3A_114 {strides = array<i32>} : memref<128xi32, #tpu.memory_space<vmem>>, vector<16xi32>,
      %min3A_120 = arith.constant 1301503 : i32
      %min3A_121 = vector.broadcast %min3A_120 : i32 to vector<16xi32>
      %min3A_122 = arith.minsi %get3A_104, %min3A_121 : vector<16xi32>
      %sub3A_123 = arith.constant 1298496 : i32
      %sub3A_124 = vector.broadcast %sub3A_123 : i32 to vector<16xi32>
      %sub3A_125 = arith.subi %get3A_104, %sub3A_124 : vector<16xi32>
      %select_n3A_126 = arith.select %lt3A_107, %min3A_122, %sub3A_125 : vector<16xi1>, vector<16xi32>
      %swap3A_127 = arith.constant 0 : i32
      %swap3A_128 = tpu.memref_slice %arg7[%scan3A_28, %swap3A_127] : memref<104x128xi32, #tpu.memory_space<vmem>> -> memref<1x128xi32, #tpu.memory_space<vmem>>
      %swap3A_129 = tpu.memref_squeeze %swap3A_128 : memref<1x128xi32, #tpu.memory_space<vmem>> -> memref<128xi32, #tpu.memory_space<vmem>>
      %swap3A_130 = arith.constant 32 : index
      %swap3A_131 = tpu.vector_load %swap3A_129[%swap3A_130] {strides = array<i32>} : memref<128xi32, #tpu.memory_space<vmem>>, vector<16xi32>,
      tpu.vector_store %swap3A_129[%swap3A_130], %select_n3A_126 {strides = array<i32>} : memref<128xi32, #tpu.memory_space<vmem>>, vector<16xi32>,
      %select_n3A_132 = arith.select %lt3A_107, %broadcast_in_dim3A_3, %broadcast_in_dim3A_5 : vector<16xi1>, vector<16xf32>
      %swap3A_133 = arith.constant 0 : i32
      %swap3A_134 = tpu.memref_slice %arg8[%scan3A_28, %swap3A_133] : memref<104x128xf32, #tpu.memory_space<vmem>> -> memref<1x128xf32, #tpu.memory_space<vmem>>
      %swap3A_135 = tpu.memref_squeeze %swap3A_134 : memref<1x128xf32, #tpu.memory_space<vmem>> -> memref<128xf32, #tpu.memory_space<vmem>>
      %swap3A_136 = arith.constant 32 : index
      %swap3A_137 = tpu.vector_load %swap3A_135[%swap3A_136] {strides = array<i32>} : memref<128xf32, #tpu.memory_space<vmem>>, vector<16xf32>,
      tpu.vector_store %swap3A_135[%swap3A_136], %select_n3A_132 {strides = array<i32>} : memref<128xf32, #tpu.memory_space<vmem>>, vector<16xf32>,
      %get3A_138 = arith.constant 0 : i32
      %get3A_139 = tpu.memref_slice %arg6[%scan3A_28, %get3A_138] : memref<104x128xi32, #tpu.memory_space<vmem>> -> memref<1x128xi32, #tpu.memory_space<vmem>>
      %get3A_140 = tpu.memref_squeeze %get3A_139 : memref<1x128xi32, #tpu.memory_space<vmem>> -> memref<128xi32, #tpu.memory_space<vmem>>
      %get3A_141 = arith.constant 48 : index
      %get3A_142 = tpu.vector_load %get3A_140[%get3A_141] {strides = array<i32>} : memref<128xi32, #tpu.memory_space<vmem>>, vector<16xi32>,
      %lt3A_143 = arith.constant 1299456 : i32
      %lt3A_144 = vector.broadcast %lt3A_143 : i32 to vector<16xi32>
      %lt3A_145 = arith.cmpi slt, %get3A_142, %lt3A_144 : vector<16xi32>
      %sub3A_146 = arith.constant 1299456 : i32
      %sub3A_147 = vector.broadcast %sub3A_146 : i32 to vector<16xi32>
      %sub3A_148 = arith.subi %get3A_142, %sub3A_147 : vector<16xi32>
      %min3A_149 = arith.constant 1299455 : i32
      %min3A_150 = vector.broadcast %min3A_149 : i32 to vector<16xi32>
      %min3A_151 = arith.minsi %sub3A_148, %min3A_150 : vector<16xi32>
      %select_n3A_152 = arith.select %lt3A_145, %get3A_142, %min3A_151 : vector<16xi1>, vector<16xi32>
      %swap3A_153 = arith.constant 0 : i32
      %swap3A_154 = tpu.memref_slice %arg6[%scan3A_28, %swap3A_153] : memref<104x128xi32, #tpu.memory_space<vmem>> -> memref<1x128xi32, #tpu.memory_space<vmem>>
      %swap3A_155 = tpu.memref_squeeze %swap3A_154 : memref<1x128xi32, #tpu.memory_space<vmem>> -> memref<128xi32, #tpu.memory_space<vmem>>
      %swap3A_156 = arith.constant 48 : index
      %swap3A_157 = tpu.vector_load %swap3A_155[%swap3A_156] {strides = array<i32>} : memref<128xi32, #tpu.memory_space<vmem>>, vector<16xi32>,
      tpu.vector_store %swap3A_155[%swap3A_156], %select_n3A_152 {strides = array<i32>} : memref<128xi32, #tpu.memory_space<vmem>>, vector<16xi32>,
      %min3A_158 = arith.constant 1301503 : i32
      %min3A_159 = vector.broadcast %min3A_158 : i32 to vector<16xi32>
      %min3A_160 = arith.minsi %get3A_142, %min3A_159 : vector<16xi32>
      %sub3A_161 = arith.constant 1298496 : i32
      %sub3A_162 = vector.broadcast %sub3A_161 : i32 to vector<16xi32>
      %sub3A_163 = arith.subi %get3A_142, %sub3A_162 : vector<16xi32>
      %select_n3A_164 = arith.select %lt3A_145, %min3A_160, %sub3A_163 : vector<16xi1>, vector<16xi32>
      %swap3A_165 = arith.constant 0 : i32
      %swap3A_166 = tpu.memref_slice %arg7[%scan3A_28, %swap3A_165] : memref<104x128xi32, #tpu.memory_space<vmem>> -> memref<1x128xi32, #tpu.memory_space<vmem>>
      %swap3A_167 = tpu.memref_squeeze %swap3A_166 : memref<1x128xi32, #tpu.memory_space<vmem>> -> memref<128xi32, #tpu.memory_space<vmem>>
      %swap3A_168 = arith.constant 48 : index
      %swap3A_169 = tpu.vector_load %swap3A_167[%swap3A_168] {strides = array<i32>} : memref<128xi32, #tpu.memory_space<vmem>>, vector<16xi32>,
      tpu.vector_store %swap3A_167[%swap3A_168], %select_n3A_164 {strides = array<i32>} : memref<128xi32, #tpu.memory_space<vmem>>, vector<16xi32>,
      %select_n3A_170 = arith.select %lt3A_145, %broadcast_in_dim3A_3, %broadcast_in_dim3A_5 : vector<16xi1>, vector<16xf32>
      %swap3A_171 = arith.constant 0 : i32
      %swap3A_172 = tpu.memref_slice %arg8[%scan3A_28, %swap3A_171] : memref<104x128xf32, #tpu.memory_space<vmem>> -> memref<1x128xf32, #tpu.memory_space<vmem>>
      %swap3A_173 = tpu.memref_squeeze %swap3A_172 : memref<1x128xf32, #tpu.memory_space<vmem>> -> memref<128xf32, #tpu.memory_space<vmem>>
      %swap3A_174 = arith.constant 48 : index
      %swap3A_175 = tpu.vector_load %swap3A_173[%swap3A_174] {strides = array<i32>} : memref<128xf32, #tpu.memory_space<vmem>>, vector<16xf32>,
      tpu.vector_store %swap3A_173[%swap3A_174], %select_n3A_170 {strides = array<i32>} : memref<128xf32, #tpu.memory_space<vmem>>, vector<16xf32>,
      %get3A_176 = arith.constant 0 : i32
      %get3A_177 = tpu.memref_slice %arg6[%scan3A_28, %get3A_176] : memref<104x128xi32, #tpu.memory_space<vmem>> -> memref<1x128xi32, #tpu.memory_space<vmem>>
      %get3A_178 = tpu.memref_squeeze %get3A_177 : memref<1x128xi32, #tpu.memory_space<vmem>> -> memref<128xi32, #tpu.memory_space<vmem>>
      %get3A_179 = arith.constant 64 : index
      %get3A_180 = tpu.vector_load %get3A_178[%get3A_179] {strides = array<i32>} : memref<128xi32, #tpu.memory_space<vmem>>, vector<16xi32>,
      %lt3A_181 = arith.constant 1299456 : i32
      %lt3A_182 = vector.broadcast %lt3A_181 : i32 to vector<16xi32>
      %lt3A_183 = arith.cmpi slt, %get3A_180, %lt3A_182 : vector<16xi32>
      %sub3A_184 = arith.constant 1299456 : i32
      %sub3A_185 = vector.broadcast %sub3A_184 : i32 to vector<16xi32>
      %sub3A_186 = arith.subi %get3A_180, %sub3A_185 : vector<16xi32>
      %min3A_187 = arith.constant 1299455 : i32
      %min3A_188 = vector.broadcast %min3A_187 : i32 to vector<16xi32>
      %min3A_189 = arith.minsi %sub3A_186, %min3A_188 : vector<16xi32>
      %select_n3A_190 = arith.select %lt3A_183, %get3A_180, %min3A_189 : vector<16xi1>, vector<16xi32>
      %swap3A_191 = arith.constant 0 : i32
      %swap3A_192 = tpu.memref_slice %arg6[%scan3A_28, %swap3A_191] : memref<104x128xi32, #tpu.memory_space<vmem>> -> memref<1x128xi32, #tpu.memory_space<vmem>>
      %swap3A_193 = tpu.memref_squeeze %swap3A_192 : memref<1x128xi32, #tpu.memory_space<vmem>> -> memref<128xi32, #tpu.memory_space<vmem>>
      %swap3A_194 = arith.constant 64 : index
      %swap3A_195 = tpu.vector_load %swap3A_193[%swap3A_194] {strides = array<i32>} : memref<128xi32, #tpu.memory_space<vmem>>, vector<16xi32>,
      tpu.vector_store %swap3A_193[%swap3A_194], %select_n3A_190 {strides = array<i32>} : memref<128xi32, #tpu.memory_space<vmem>>, vector<16xi32>,
      %min3A_196 = arith.constant 1301503 : i32
      %min3A_197 = vector.broadcast %min3A_196 : i32 to vector<16xi32>
      %min3A_198 = arith.minsi %get3A_180, %min3A_197 : vector<16xi32>
      %sub3A_199 = arith.constant 1298496 : i32
      %sub3A_200 = vector.broadcast %sub3A_199 : i32 to vector<16xi32>
      %sub3A_201 = arith.subi %get3A_180, %sub3A_200 : vector<16xi32>
      %select_n3A_202 = arith.select %lt3A_183, %min3A_198, %sub3A_201 : vector<16xi1>, vector<16xi32>
      %swap3A_203 = arith.constant 0 : i32
      %swap3A_204 = tpu.memref_slice %arg7[%scan3A_28, %swap3A_203] : memref<104x128xi32, #tpu.memory_space<vmem>> -> memref<1x128xi32, #tpu.memory_space<vmem>>
      %swap3A_205 = tpu.memref_squeeze %swap3A_204 : memref<1x128xi32, #tpu.memory_space<vmem>> -> memref<128xi32, #tpu.memory_space<vmem>>
      %swap3A_206 = arith.constant 64 : index
      %swap3A_207 = tpu.vector_load %swap3A_205[%swap3A_206] {strides = array<i32>} : memref<128xi32, #tpu.memory_space<vmem>>, vector<16xi32>,
      tpu.vector_store %swap3A_205[%swap3A_206], %select_n3A_202 {strides = array<i32>} : memref<128xi32, #tpu.memory_space<vmem>>, vector<16xi32>,
      %select_n3A_208 = arith.select %lt3A_183, %broadcast_in_dim3A_3, %broadcast_in_dim3A_5 : vector<16xi1>, vector<16xf32>
      %swap3A_209 = arith.constant 0 : i32
      %swap3A_210 = tpu.memref_slice %arg8[%scan3A_28, %swap3A_209] : memref<104x128xf32, #tpu.memory_space<vmem>> -> memref<1x128xf32, #tpu.memory_space<vmem>>
      %swap3A_211 = tpu.memref_squeeze %swap3A_210 : memref<1x128xf32, #tpu.memory_space<vmem>> -> memref<128xf32, #tpu.memory_space<vmem>>
      %swap3A_212 = arith.constant 64 : index
      %swap3A_213 = tpu.vector_load %swap3A_211[%swap3A_212] {strides = array<i32>} : memref<128xf32, #tpu.memory_space<vmem>>, vector<16xf32>,
      tpu.vector_store %swap3A_211[%swap3A_212], %select_n3A_208 {strides = array<i32>} : memref<128xf32, #tpu.memory_space<vmem>>, vector<16xf32>,
      %get3A_214 = arith.constant 0 : i32
      %get3A_215 = tpu.memref_slice %arg6[%scan3A_28, %get3A_214] : memref<104x128xi32, #tpu.memory_space<vmem>> -> memref<1x128xi32, #tpu.memory_space<vmem>>
      %get3A_216 = tpu.memref_squeeze %get3A_215 : memref<1x128xi32, #tpu.memory_space<vmem>> -> memref<128xi32, #tpu.memory_space<vmem>>
      %get3A_217 = arith.constant 80 : index
      %get3A_218 = tpu.vector_load %get3A_216[%get3A_217] {strides = array<i32>} : memref<128xi32, #tpu.memory_space<vmem>>, vector<16xi32>,
      %lt3A_219 = arith.constant 1299456 : i32
      %lt3A_220 = vector.broadcast %lt3A_219 : i32 to vector<16xi32>
      %lt3A_221 = arith.cmpi slt, %get3A_218, %lt3A_220 : vector<16xi32>
      %sub3A_222 = arith.constant 1299456 : i32
      %sub3A_223 = vector.broadcast %sub3A_222 : i32 to vector<16xi32>
      %sub3A_224 = arith.subi %get3A_218, %sub3A_223 : vector<16xi32>
      %min3A_225 = arith.constant 1299455 : i32
      %min3A_226 = vector.broadcast %min3A_225 : i32 to vector<16xi32>
      %min3A_227 = arith.minsi %sub3A_224, %min3A_226 : vector<16xi32>
      %select_n3A_228 = arith.select %lt3A_221, %get3A_218, %min3A_227 : vector<16xi1>, vector<16xi32>
      %swap3A_229 = arith.constant 0 : i32
      %swap3A_230 = tpu.memref_slice %arg6[%scan3A_28, %swap3A_229] : memref<104x128xi32, #tpu.memory_space<vmem>> -> memref<1x128xi32, #tpu.memory_space<vmem>>
      %swap3A_231 = tpu.memref_squeeze %swap3A_230 : memref<1x128xi32, #tpu.memory_space<vmem>> -> memref<128xi32, #tpu.memory_space<vmem>>
      %swap3A_232 = arith.constant 80 : index
      %swap3A_233 = tpu.vector_load %swap3A_231[%swap3A_232] {strides = array<i32>} : memref<128xi32, #tpu.memory_space<vmem>>, vector<16xi32>,
      tpu.vector_store %swap3A_231[%swap3A_232], %select_n3A_228 {strides = array<i32>} : memref<128xi32, #tpu.memory_space<vmem>>, vector<16xi32>,
      %min3A_234 = arith.constant 1301503 : i32
      %min3A_235 = vector.broadcast %min3A_234 : i32 to vector<16xi32>
      %min3A_236 = arith.minsi %get3A_218, %min3A_235 : vector<16xi32>
      %sub3A_237 = arith.constant 1298496 : i32
      %sub3A_238 = vector.broadcast %sub3A_237 : i32 to vector<16xi32>
      %sub3A_239 = arith.subi %get3A_218, %sub3A_238 : vector<16xi32>
      %select_n3A_240 = arith.select %lt3A_221, %min3A_236, %sub3A_239 : vector<16xi1>, vector<16xi32>
      %swap3A_241 = arith.constant 0 : i32
      %swap3A_242 = tpu.memref_slice %arg7[%scan3A_28, %swap3A_241] : memref<104x128xi32, #tpu.memory_space<vmem>> -> memref<1x128xi32, #tpu.memory_space<vmem>>
      %swap3A_243 = tpu.memref_squeeze %swap3A_242 : memref<1x128xi32, #tpu.memory_space<vmem>> -> memref<128xi32, #tpu.memory_space<vmem>>
      %swap3A_244 = arith.constant 80 : index
      %swap3A_245 = tpu.vector_load %swap3A_243[%swap3A_244] {strides = array<i32>} : memref<128xi32, #tpu.memory_space<vmem>>, vector<16xi32>,
      tpu.vector_store %swap3A_243[%swap3A_244], %select_n3A_240 {strides = array<i32>} : memref<128xi32, #tpu.memory_space<vmem>>, vector<16xi32>,
      %select_n3A_246 = arith.select %lt3A_221, %broadcast_in_dim3A_3, %broadcast_in_dim3A_5 : vector<16xi1>, vector<16xf32>
      %swap3A_247 = arith.constant 0 : i32
      %swap3A_248 = tpu.memref_slice %arg8[%scan3A_28, %swap3A_247] : memref<104x128xf32, #tpu.memory_space<vmem>> -> memref<1x128xf32, #tpu.memory_space<vmem>>
      %swap3A_249 = tpu.memref_squeeze %swap3A_248 : memref<1x128xf32, #tpu.memory_space<vmem>> -> memref<128xf32, #tpu.memory_space<vmem>>
      %swap3A_250 = arith.constant 80 : index
      %swap3A_251 = tpu.vector_load %swap3A_249[%swap3A_250] {strides = array<i32>} : memref<128xf32, #tpu.memory_space<vmem>>, vector<16xf32>,
      tpu.vector_store %swap3A_249[%swap3A_250], %select_n3A_246 {strides = array<i32>} : memref<128xf32, #tpu.memory_space<vmem>>, vector<16xf32>,
      %get3A_252 = arith.constant 0 : i32
      %get3A_253 = tpu.memref_slice %arg6[%scan3A_28, %get3A_252] : memref<104x128xi32, #tpu.memory_space<vmem>> -> memref<1x128xi32, #tpu.memory_space<vmem>>
      %get3A_254 = tpu.memref_squeeze %get3A_253 : memref<1x128xi32, #tpu.memory_space<vmem>> -> memref<128xi32, #tpu.memory_space<vmem>>
      %get3A_255 = arith.constant 96 : index
      %get3A_256 = tpu.vector_load %get3A_254[%get3A_255] {strides = array<i32>} : memref<128xi32, #tpu.memory_space<vmem>>, vector<16xi32>,
      %lt3A_257 = arith.constant 1299456 : i32
      %lt3A_258 = vector.broadcast %lt3A_257 : i32 to vector<16xi32>
      %lt3A_259 = arith.cmpi slt, %get3A_256, %lt3A_258 : vector<16xi32>
      %sub3A_260 = arith.constant 1299456 : i32
      %sub3A_261 = vector.broadcast %sub3A_260 : i32 to vector<16xi32>
      %sub3A_262 = arith.subi %get3A_256, %sub3A_261 : vector<16xi32>
      %min3A_263 = arith.constant 1299455 : i32
      %min3A_264 = vector.broadcast %min3A_263 : i32 to vector<16xi32>
      %min3A_265 = arith.minsi %sub3A_262, %min3A_264 : vector<16xi32>
      %select_n3A_266 = arith.select %lt3A_259, %get3A_256, %min3A_265 : vector<16xi1>, vector<16xi32>
      %swap3A_267 = arith.constant 0 : i32
      %swap3A_268 = tpu.memref_slice %arg6[%scan3A_28, %swap3A_267] : memref<104x128xi32, #tpu.memory_space<vmem>> -> memref<1x128xi32, #tpu.memory_space<vmem>>
      %swap3A_269 = tpu.memref_squeeze %swap3A_268 : memref<1x128xi32, #tpu.memory_space<vmem>> -> memref<128xi32, #tpu.memory_space<vmem>>
      %swap3A_270 = arith.constant 96 : index
      %swap3A_271 = tpu.vector_load %swap3A_269[%swap3A_270] {strides = array<i32>} : memref<128xi32, #tpu.memory_space<vmem>>, vector<16xi32>,
      tpu.vector_store %swap3A_269[%swap3A_270], %select_n3A_266 {strides = array<i32>} : memref<128xi32, #tpu.memory_space<vmem>>, vector<16xi32>,
      %min3A_272 = arith.constant 1301503 : i32
      %min3A_273 = vector.broadcast %min3A_272 : i32 to vector<16xi32>
      %min3A_274 = arith.minsi %get3A_256, %min3A_273 : vector<16xi32>
      %sub3A_275 = arith.constant 1298496 : i32
      %sub3A_276 = vector.broadcast %sub3A_275 : i32 to vector<16xi32>
      %sub3A_277 = arith.subi %get3A_256, %sub3A_276 : vector<16xi32>
      %select_n3A_278 = arith.select %lt3A_259, %min3A_274, %sub3A_277 : vector<16xi1>, vector<16xi32>
      %swap3A_279 = arith.constant 0 : i32
      %swap3A_280 = tpu.memref_slice %arg7[%scan3A_28, %swap3A_279] : memref<104x128xi32, #tpu.memory_space<vmem>> -> memref<1x128xi32, #tpu.memory_space<vmem>>
      %swap3A_281 = tpu.memref_squeeze %swap3A_280 : memref<1x128xi32, #tpu.memory_space<vmem>> -> memref<128xi32, #tpu.memory_space<vmem>>
      %swap3A_282 = arith.constant 96 : index
      %swap3A_283 = tpu.vector_load %swap3A_281[%swap3A_282] {strides = array<i32>} : memref<128xi32, #tpu.memory_space<vmem>>, vector<16xi32>,
      tpu.vector_store %swap3A_281[%swap3A_282], %select_n3A_278 {strides = array<i32>} : memref<128xi32, #tpu.memory_space<vmem>>, vector<16xi32>,
      %select_n3A_284 = arith.select %lt3A_259, %broadcast_in_dim3A_3, %broadcast_in_dim3A_5 : vector<16xi1>, vector<16xf32>
      %swap3A_285 = arith.constant 0 : i32
      %swap3A_286 = tpu.memref_slice %arg8[%scan3A_28, %swap3A_285] : memref<104x128xf32, #tpu.memory_space<vmem>> -> memref<1x128xf32, #tpu.memory_space<vmem>>
      %swap3A_287 = tpu.memref_squeeze %swap3A_286 : memref<1x128xf32, #tpu.memory_space<vmem>> -> memref<128xf32, #tpu.memory_space<vmem>>
      %swap3A_288 = arith.constant 96 : index
      %swap3A_289 = tpu.vector_load %swap3A_287[%swap3A_288] {strides = array<i32>} : memref<128xf32, #tpu.memory_space<vmem>>, vector<16xf32>,
      tpu.vector_store %swap3A_287[%swap3A_288], %select_n3A_284 {strides = array<i32>} : memref<128xf32, #tpu.memory_space<vmem>>, vector<16xf32>,
      %get3A_290 = arith.constant 0 : i32
      %get3A_291 = tpu.memref_slice %arg6[%scan3A_28, %get3A_290] : memref<104x128xi32, #tpu.memory_space<vmem>> -> memref<1x128xi32, #tpu.memory_space<vmem>>
      %get3A_292 = tpu.memref_squeeze %get3A_291 : memref<1x128xi32, #tpu.memory_space<vmem>> -> memref<128xi32, #tpu.memory_space<vmem>>
      %get3A_293 = arith.constant 112 : index
      %get3A_294 = tpu.vector_load %get3A_292[%get3A_293] {strides = array<i32>} : memref<128xi32, #tpu.memory_space<vmem>>, vector<16xi32>,
      %lt3A_295 = arith.constant 1299456 : i32
      %lt3A_296 = vector.broadcast %lt3A_295 : i32 to vector<16xi32>
      %lt3A_297 = arith.cmpi slt, %get3A_294, %lt3A_296 : vector<16xi32>
      %sub3A_298 = arith.constant 1299456 : i32
      %sub3A_299 = vector.broadcast %sub3A_298 : i32 to vector<16xi32>
      %sub3A_300 = arith.subi %get3A_294, %sub3A_299 : vector<16xi32>
      %min3A_301 = arith.constant 1299455 : i32
      %min3A_302 = vector.broadcast %min3A_301 : i32 to vector<16xi32>
      %min3A_303 = arith.minsi %sub3A_300, %min3A_302 : vector<16xi32>
      %select_n3A_304 = arith.select %lt3A_297, %get3A_294, %min3A_303 : vector<16xi1>, vector<16xi32>
      %swap3A_305 = arith.constant 0 : i32
      %swap3A_306 = tpu.memref_slice %arg6[%scan3A_28, %swap3A_305] : memref<104x128xi32, #tpu.memory_space<vmem>> -> memref<1x128xi32, #tpu.memory_space<vmem>>
      %swap3A_307 = tpu.memref_squeeze %swap3A_306 : memref<1x128xi32, #tpu.memory_space<vmem>> -> memref<128xi32, #tpu.memory_space<vmem>>
      %swap3A_308 = arith.constant 112 : index
      %swap3A_309 = tpu.vector_load %swap3A_307[%swap3A_308] {strides = array<i32>} : memref<128xi32, #tpu.memory_space<vmem>>, vector<16xi32>,
      tpu.vector_store %swap3A_307[%swap3A_308], %select_n3A_304 {strides = array<i32>} : memref<128xi32, #tpu.memory_space<vmem>>, vector<16xi32>,
      %min3A_310 = arith.constant 1301503 : i32
      %min3A_311 = vector.broadcast %min3A_310 : i32 to vector<16xi32>
      %min3A_312 = arith.minsi %get3A_294, %min3A_311 : vector<16xi32>
      %sub3A_313 = arith.constant 1298496 : i32
      %sub3A_314 = vector.broadcast %sub3A_313 : i32 to vector<16xi32>
      %sub3A_315 = arith.subi %get3A_294, %sub3A_314 : vector<16xi32>
      %select_n3A_316 = arith.select %lt3A_297, %min3A_312, %sub3A_315 : vector<16xi1>, vector<16xi32>
      %swap3A_317 = arith.constant 0 : i32
      %swap3A_318 = tpu.memref_slice %arg7[%scan3A_28, %swap3A_317] : memref<104x128xi32, #tpu.memory_space<vmem>> -> memref<1x128xi32, #tpu.memory_space<vmem>>
      %swap3A_319 = tpu.memref_squeeze %swap3A_318 : memref<1x128xi32, #tpu.memory_space<vmem>> -> memref<128xi32, #tpu.memory_space<vmem>>
      %swap3A_320 = arith.constant 112 : index
      %swap3A_321 = tpu.vector_load %swap3A_319[%swap3A_320] {strides = array<i32>} : memref<128xi32, #tpu.memory_space<vmem>>, vector<16xi32>,
      tpu.vector_store %swap3A_319[%swap3A_320], %select_n3A_316 {strides = array<i32>} : memref<128xi32, #tpu.memory_space<vmem>>, vector<16xi32>,
      %select_n3A_322 = arith.select %lt3A_297, %broadcast_in_dim3A_3, %broadcast_in_dim3A_5 : vector<16xi1>, vector<16xf32>
      %swap3A_323 = arith.constant 0 : i32
      %swap3A_324 = tpu.memref_slice %arg8[%scan3A_28, %swap3A_323] : memref<104x128xf32, #tpu.memory_space<vmem>> -> memref<1x128xf32, #tpu.memory_space<vmem>>
      %swap3A_325 = tpu.memref_squeeze %swap3A_324 : memref<1x128xf32, #tpu.memory_space<vmem>> -> memref<128xf32, #tpu.memory_space<vmem>>
      %swap3A_326 = arith.constant 112 : index
      %swap3A_327 = tpu.vector_load %swap3A_325[%swap3A_326] {strides = array<i32>} : memref<128xf32, #tpu.memory_space<vmem>>, vector<16xf32>,
      tpu.vector_store %swap3A_325[%swap3A_326], %select_n3A_322 {strides = array<i32>} : memref<128xf32, #tpu.memory_space<vmem>>, vector<16xf32>,
      %dma_start3A = arith.constant 0 : i32
      %dma_start3A_328 = tpu.memref_slice %arg9[%scan3A_28, %dma_start3A] : memref<104x128xf32, #tpu.memory_space<vmem>> -> memref<1x128xf32, #tpu.memory_space<vmem>>
      %dma_start3A_329 = tpu.memref_squeeze %dma_start3A_328 : memref<1x128xf32, #tpu.memory_space<vmem>> -> memref<128xf32, #tpu.memory_space<vmem>>
      %dma_start3A_330 = arith.constant 0 : i32
      %dma_start3A_331 = tpu.memref_slice %arg6[%scan3A_28, %dma_start3A_330] : memref<104x128xi32, #tpu.memory_space<vmem>> -> memref<1x128xi32, #tpu.memory_space<vmem>>
      %dma_start3A_332 = tpu.memref_squeeze %dma_start3A_331 : memref<1x128xi32, #tpu.memory_space<vmem>> -> memref<128xi32, #tpu.memory_space<vmem>>
      %dma_start3A_333 = arith.constant 0 : i32
      %dma_start3A_334 = tpu.memref_slice %arg2[%dma_start3A_333] : memref<1299456xf32, #tpu.memory_space<hbm>> -> memref<1299456xf32, #tpu.memory_space<hbm>>
      tpu.enqueue_indirect_dma source(%dma_start3A_334 : memref<1299456xf32, #tpu.memory_space<hbm>>) target(%dma_start3A_329 : memref<128xf32, #tpu.memory_space<vmem>>) offsets(%dma_start3A_332 : memref<128xi32, #tpu.memory_space<vmem>>) semaphore(%arg12 : memref<!tpu.dma_semaphore, #tpu.memory_space<semaphore_mem>>)
      %dma_start3A_335 = arith.constant 0 : i32
      %dma_start3A_336 = tpu.memref_slice %arg10[%scan3A_28, %dma_start3A_335] : memref<104x128xf32, #tpu.memory_space<vmem>> -> memref<1x128xf32, #tpu.memory_space<vmem>>
      %dma_start3A_337 = tpu.memref_squeeze %dma_start3A_336 : memref<1x128xf32, #tpu.memory_space<vmem>> -> memref<128xf32, #tpu.memory_space<vmem>>
      %dma_start3A_338 = arith.constant 0 : i32
      %dma_start3A_339 = tpu.memref_slice %arg7[%scan3A_28, %dma_start3A_338] : memref<104x128xi32, #tpu.memory_space<vmem>> -> memref<1x128xi32, #tpu.memory_space<vmem>>
      %dma_start3A_340 = tpu.memref_squeeze %dma_start3A_339 : memref<1x128xi32, #tpu.memory_space<vmem>> -> memref<128xi32, #tpu.memory_space<vmem>>
      %dma_start3A_341 = arith.constant 0 : i32
      %dma_start3A_342 = tpu.memref_slice %arg3[%dma_start3A_341] : memref<1301504xf32, #tpu.memory_space<hbm>> -> memref<1301504xf32, #tpu.memory_space<hbm>>
      tpu.enqueue_indirect_dma source(%dma_start3A_342 : memref<1301504xf32, #tpu.memory_space<hbm>>) target(%dma_start3A_337 : memref<128xf32, #tpu.memory_space<vmem>>) offsets(%dma_start3A_340 : memref<128xi32, #tpu.memory_space<vmem>>) semaphore(%arg12 : memref<!tpu.dma_semaphore, #tpu.memory_space<semaphore_mem>>)
      %scan3A_343 = arith.constant 0 : i32
      scf.yield %scan3A_343 : i32
    }
    %scan3A_11 = arith.constant 104 : i32
    %scan3A_12 = arith.constant 0 : i32
    %scan3A_13 = arith.constant 0 : i32
    %scan3A_14 = arith.constant 104 : i32
    %scan3A_15 = arith.addi %scan3A_13, %scan3A_14 : i32
    %scan3A_16 = arith.constant 1 : i32
    %scan3A_17 = scf.for %scan3A_28 = %scan3A_13 to %scan3A_15 step %scan3A_16 iter_args(%scan3A_29 = %scan3A_12) -> (i32)  : i32 {
      %dma_wait3A = arith.constant 0 : i32
      %dma_wait3A_30 = tpu.memref_slice %arg9[%scan3A_28, %dma_wait3A] : memref<104x128xf32, #tpu.memory_space<vmem>> -> memref<1x128xf32, #tpu.memory_space<vmem>>
      %dma_wait3A_31 = tpu.memref_squeeze %dma_wait3A_30 : memref<1x128xf32, #tpu.memory_space<vmem>> -> memref<128xf32, #tpu.memory_space<vmem>>
      %dma_wait3A_32 = arith.constant 0 : i32
      %dma_wait3A_33 = tpu.memref_slice %arg6[%scan3A_28, %dma_wait3A_32] : memref<104x128xi32, #tpu.memory_space<vmem>> -> memref<1x128xi32, #tpu.memory_space<vmem>>
      %dma_wait3A_34 = tpu.memref_squeeze %dma_wait3A_33 : memref<1x128xi32, #tpu.memory_space<vmem>> -> memref<128xi32, #tpu.memory_space<vmem>>
      %dma_wait3A_35 = arith.constant 0 : i32
      %dma_wait3A_36 = tpu.memref_slice %arg2[%dma_wait3A_35] : memref<1299456xf32, #tpu.memory_space<hbm>> -> memref<1299456xf32, #tpu.memory_space<hbm>>
      tpu.wait_indirect_dma semaphore(%arg12 : memref<!tpu.dma_semaphore, #tpu.memory_space<semaphore_mem>>) src(%dma_wait3A_36 : memref<1299456xf32, #tpu.memory_space<hbm>>) dst(%dma_wait3A_31 : memref<128xf32, #tpu.memory_space<vmem>>)
      %dma_wait3A_37 = arith.constant 0 : i32
      %dma_wait3A_38 = tpu.memref_slice %arg10[%scan3A_28, %dma_wait3A_37] : memref<104x128xf32, #tpu.memory_space<vmem>> -> memref<1x128xf32, #tpu.memory_space<vmem>>
      %dma_wait3A_39 = tpu.memref_squeeze %dma_wait3A_38 : memref<1x128xf32, #tpu.memory_space<vmem>> -> memref<128xf32, #tpu.memory_space<vmem>>
      %dma_wait3A_40 = arith.constant 0 : i32
      %dma_wait3A_41 = tpu.memref_slice %arg7[%scan3A_28, %dma_wait3A_40] : memref<104x128xi32, #tpu.memory_space<vmem>> -> memref<1x128xi32, #tpu.memory_space<vmem>>
      %dma_wait3A_42 = tpu.memref_squeeze %dma_wait3A_41 : memref<1x128xi32, #tpu.memory_space<vmem>> -> memref<128xi32, #tpu.memory_space<vmem>>
      %dma_wait3A_43 = arith.constant 0 : i32
      %dma_wait3A_44 = tpu.memref_slice %arg3[%dma_wait3A_43] : memref<1301504xf32, #tpu.memory_space<hbm>> -> memref<1301504xf32, #tpu.memory_space<hbm>>
      tpu.wait_indirect_dma semaphore(%arg12 : memref<!tpu.dma_semaphore, #tpu.memory_space<semaphore_mem>>) src(%dma_wait3A_44 : memref<1301504xf32, #tpu.memory_space<hbm>>) dst(%dma_wait3A_39 : memref<128xf32, #tpu.memory_space<vmem>>)
      %scan3A_45 = arith.constant 0 : i32
      scf.yield %scan3A_45 : i32
    }
    %scan3A_18 = arith.constant 104 : i32
    %scan3A_19 = arith.constant 0 : i32
    %scan3A_20 = arith.constant 0 : i32
    %scan3A_21 = arith.constant 32 : i32
    %scan3A_22 = arith.addi %scan3A_20, %scan3A_21 : i32
    %scan3A_23 = arith.constant 1 : i32
    %scan3A_24 = scf.for %scan3A_28 = %scan3A_20 to %scan3A_22 step %scan3A_23 iter_args(%scan3A_29 = %scan3A_19) -> (i32)  : i32 {
      %shift_right_arithmetic3A = arith.constant 3 : i32
      %shift_right_arithmetic3A_30 = arith.shrsi %scan3A_28, %shift_right_arithmetic3A : i32
      %and3A = arith.constant 7 : i32
      %and3A_31 = arith.andi %scan3A_28, %and3A : i32
      %mul3A_32 = arith.constant 16 : i32
      %mul3A_33 = arith.muli %and3A_31, %mul3A_32 : i32
      %broadcast_in_dim3A_34 = arith.constant 0.000000e+00 : f32
      %broadcast_in_dim3A_35 = vector.broadcast %broadcast_in_dim3A_34 : f32 to vector<16xf32>
      %add3A_36 = arith.constant 0 : i32
      %add3A_37 = arith.addi %add3A_36, %shift_right_arithmetic3A_30 : i32
      %get3A = arith.constant 0 : i32
      %get3A_38 = tpu.memref_slice %arg9[%add3A_37, %get3A] : memref<104x128xf32, #tpu.memory_space<vmem>> -> memref<1x128xf32, #tpu.memory_space<vmem>>
      %get3A_39 = tpu.memref_squeeze %get3A_38 : memref<1x128xf32, #tpu.memory_space<vmem>> -> memref<128xf32, #tpu.memory_space<vmem>>
      %get3A_40 = arith.index_cast %mul3A_33 : i32 to index
      %get3A_41 = tpu.vector_load %get3A_39[%get3A_40] {strides = array<i32>} : memref<128xf32, #tpu.memory_space<vmem>>, vector<16xf32>,
      %get3A_42 = arith.constant 0 : i32
      %get3A_43 = tpu.memref_slice %arg10[%add3A_37, %get3A_42] : memref<104x128xf32, #tpu.memory_space<vmem>> -> memref<1x128xf32, #tpu.memory_space<vmem>>
      %get3A_44 = tpu.memref_squeeze %get3A_43 : memref<1x128xf32, #tpu.memory_space<vmem>> -> memref<128xf32, #tpu.memory_space<vmem>>
      %get3A_45 = arith.index_cast %mul3A_33 : i32 to index
      %get3A_46 = tpu.vector_load %get3A_44[%get3A_45] {strides = array<i32>} : memref<128xf32, #tpu.memory_space<vmem>>, vector<16xf32>,
      %sub3A = arith.subf %get3A_41, %get3A_46 : vector<16xf32>
      %get3A_47 = arith.constant 0 : i32
      %get3A_48 = tpu.memref_slice %arg8[%add3A_37, %get3A_47] : memref<104x128xf32, #tpu.memory_space<vmem>> -> memref<1x128xf32, #tpu.memory_space<vmem>>
      %get3A_49 = tpu.memref_squeeze %get3A_48 : memref<1x128xf32, #tpu.memory_space<vmem>> -> memref<128xf32, #tpu.memory_space<vmem>>
      %get3A_50 = arith.index_cast %mul3A_33 : i32 to index
      %get3A_51 = tpu.vector_load %get3A_49[%get3A_50] {strides = array<i32>} : memref<128xf32, #tpu.memory_space<vmem>>, vector<16xf32>,
      %mul3A_52 = arith.mulf %sub3A, %get3A_51 : vector<16xf32>
      %add3A_53 = arith.addf %get3A_46, %mul3A_52 : vector<16xf32>
      %add3A_54 = arith.addf %broadcast_in_dim3A_35, %add3A_53 : vector<16xf32>
      %add3A_55 = arith.constant 4 : i32
      %add3A_56 = arith.addi %add3A_55, %shift_right_arithmetic3A_30 : i32
      %get3A_57 = arith.constant 0 : i32
      %get3A_58 = tpu.memref_slice %arg9[%add3A_56, %get3A_57] : memref<104x128xf32, #tpu.memory_space<vmem>> -> memref<1x128xf32, #tpu.memory_space<vmem>>
      %get3A_59 = tpu.memref_squeeze %get3A_58 : memref<1x128xf32, #tpu.memory_space<vmem>> -> memref<128xf32, #tpu.memory_space<vmem>>
      %get3A_60 = arith.index_cast %mul3A_33 : i32 to index
      %get3A_61 = tpu.vector_load %get3A_59[%get3A_60] {strides = array<i32>} : memref<128xf32, #tpu.memory_space<vmem>>, vector<16xf32>,
      %get3A_62 = arith.constant 0 : i32
      %get3A_63 = tpu.memref_slice %arg10[%add3A_56, %get3A_62] : memref<104x128xf32, #tpu.memory_space<vmem>> -> memref<1x128xf32, #tpu.memory_space<vmem>>
      %get3A_64 = tpu.memref_squeeze %get3A_63 : memref<1x128xf32, #tpu.memory_space<vmem>> -> memref<128xf32, #tpu.memory_space<vmem>>
      %get3A_65 = arith.index_cast %mul3A_33 : i32 to index
      %get3A_66 = tpu.vector_load %get3A_64[%get3A_65] {strides = array<i32>} : memref<128xf32, #tpu.memory_space<vmem>>, vector<16xf32>,
      %sub3A_67 = arith.subf %get3A_61, %get3A_66 : vector<16xf32>
      %get3A_68 = arith.constant 0 : i32
      %get3A_69 = tpu.memref_slice %arg8[%add3A_56, %get3A_68] : memref<104x128xf32, #tpu.memory_space<vmem>> -> memref<1x128xf32, #tpu.memory_space<vmem>>
      %get3A_70 = tpu.memref_squeeze %get3A_69 : memref<1x128xf32, #tpu.memory_space<vmem>> -> memref<128xf32, #tpu.memory_space<vmem>>
      %get3A_71 = arith.index_cast %mul3A_33 : i32 to index
      %get3A_72 = tpu.vector_load %get3A_70[%get3A_71] {strides = array<i32>} : memref<128xf32, #tpu.memory_space<vmem>>, vector<16xf32>,
      %mul3A_73 = arith.mulf %sub3A_67, %get3A_72 : vector<16xf32>
      %add3A_74 = arith.addf %get3A_66, %mul3A_73 : vector<16xf32>
      %add3A_75 = arith.addf %add3A_54, %add3A_74 : vector<16xf32>
      %add3A_76 = arith.constant 8 : i32
      %add3A_77 = arith.addi %add3A_76, %shift_right_arithmetic3A_30 : i32
      %get3A_78 = arith.constant 0 : i32
      %get3A_79 = tpu.memref_slice %arg9[%add3A_77, %get3A_78] : memref<104x128xf32, #tpu.memory_space<vmem>> -> memref<1x128xf32, #tpu.memory_space<vmem>>
      %get3A_80 = tpu.memref_squeeze %get3A_79 : memref<1x128xf32, #tpu.memory_space<vmem>> -> memref<128xf32, #tpu.memory_space<vmem>>
      %get3A_81 = arith.index_cast %mul3A_33 : i32 to index
      %get3A_82 = tpu.vector_load %get3A_80[%get3A_81] {strides = array<i32>} : memref<128xf32, #tpu.memory_space<vmem>>, vector<16xf32>,
      %get3A_83 = arith.constant 0 : i32
      %get3A_84 = tpu.memref_slice %arg10[%add3A_77, %get3A_83] : memref<104x128xf32, #tpu.memory_space<vmem>> -> memref<1x128xf32, #tpu.memory_space<vmem>>
      %get3A_85 = tpu.memref_squeeze %get3A_84 : memref<1x128xf32, #tpu.memory_space<vmem>> -> memref<128xf32, #tpu.memory_space<vmem>>
      %get3A_86 = arith.index_cast %mul3A_33 : i32 to index
      %get3A_87 = tpu.vector_load %get3A_85[%get3A_86] {strides = array<i32>} : memref<128xf32, #tpu.memory_space<vmem>>, vector<16xf32>,
      %sub3A_88 = arith.subf %get3A_82, %get3A_87 : vector<16xf32>
      %get3A_89 = arith.constant 0 : i32
      %get3A_90 = tpu.memref_slice %arg8[%add3A_77, %get3A_89] : memref<104x128xf32, #tpu.memory_space<vmem>> -> memref<1x128xf32, #tpu.memory_space<vmem>>
      %get3A_91 = tpu.memref_squeeze %get3A_90 : memref<1x128xf32, #tpu.memory_space<vmem>> -> memref<128xf32, #tpu.memory_space<vmem>>
      %get3A_92 = arith.index_cast %mul3A_33 : i32 to index
      %get3A_93 = tpu.vector_load %get3A_91[%get3A_92] {strides = array<i32>} : memref<128xf32, #tpu.memory_space<vmem>>, vector<16xf32>,
      %mul3A_94 = arith.mulf %sub3A_88, %get3A_93 : vector<16xf32>
      %add3A_95 = arith.addf %get3A_87, %mul3A_94 : vector<16xf32>
      %add3A_96 = arith.addf %add3A_75, %add3A_95 : vector<16xf32>
      %add3A_97 = arith.constant 12 : i32
      %add3A_98 = arith.addi %add3A_97, %shift_right_arithmetic3A_30 : i32
      %get3A_99 = arith.constant 0 : i32
      %get3A_100 = tpu.memref_slice %arg9[%add3A_98, %get3A_99] : memref<104x128xf32, #tpu.memory_space<vmem>> -> memref<1x128xf32, #tpu.memory_space<vmem>>
      %get3A_101 = tpu.memref_squeeze %get3A_100 : memref<1x128xf32, #tpu.memory_space<vmem>> -> memref<128xf32, #tpu.memory_space<vmem>>
      %get3A_102 = arith.index_cast %mul3A_33 : i32 to index
      %get3A_103 = tpu.vector_load %get3A_101[%get3A_102] {strides = array<i32>} : memref<128xf32, #tpu.memory_space<vmem>>, vector<16xf32>,
      %get3A_104 = arith.constant 0 : i32
      %get3A_105 = tpu.memref_slice %arg10[%add3A_98, %get3A_104] : memref<104x128xf32, #tpu.memory_space<vmem>> -> memref<1x128xf32, #tpu.memory_space<vmem>>
      %get3A_106 = tpu.memref_squeeze %get3A_105 : memref<1x128xf32, #tpu.memory_space<vmem>> -> memref<128xf32, #tpu.memory_space<vmem>>
      %get3A_107 = arith.index_cast %mul3A_33 : i32 to index
      %get3A_108 = tpu.vector_load %get3A_106[%get3A_107] {strides = array<i32>} : memref<128xf32, #tpu.memory_space<vmem>>, vector<16xf32>,
      %sub3A_109 = arith.subf %get3A_103, %get3A_108 : vector<16xf32>
      %get3A_110 = arith.constant 0 : i32
      %get3A_111 = tpu.memref_slice %arg8[%add3A_98, %get3A_110] : memref<104x128xf32, #tpu.memory_space<vmem>> -> memref<1x128xf32, #tpu.memory_space<vmem>>
      %get3A_112 = tpu.memref_squeeze %get3A_111 : memref<1x128xf32, #tpu.memory_space<vmem>> -> memref<128xf32, #tpu.memory_space<vmem>>
      %get3A_113 = arith.index_cast %mul3A_33 : i32 to index
      %get3A_114 = tpu.vector_load %get3A_112[%get3A_113] {strides = array<i32>} : memref<128xf32, #tpu.memory_space<vmem>>, vector<16xf32>,
      %mul3A_115 = arith.mulf %sub3A_109, %get3A_114 : vector<16xf32>
      %add3A_116 = arith.addf %get3A_108, %mul3A_115 : vector<16xf32>
      %add3A_117 = arith.addf %add3A_96, %add3A_116 : vector<16xf32>
      %add3A_118 = arith.constant 16 : i32
      %add3A_119 = arith.addi %add3A_118, %shift_right_arithmetic3A_30 : i32
      %get3A_120 = arith.constant 0 : i32
      %get3A_121 = tpu.memref_slice %arg9[%add3A_119, %get3A_120] : memref<104x128xf32, #tpu.memory_space<vmem>> -> memref<1x128xf32, #tpu.memory_space<vmem>>
      %get3A_122 = tpu.memref_squeeze %get3A_121 : memref<1x128xf32, #tpu.memory_space<vmem>> -> memref<128xf32, #tpu.memory_space<vmem>>
      %get3A_123 = arith.index_cast %mul3A_33 : i32 to index
      %get3A_124 = tpu.vector_load %get3A_122[%get3A_123] {strides = array<i32>} : memref<128xf32, #tpu.memory_space<vmem>>, vector<16xf32>,
      %get3A_125 = arith.constant 0 : i32
      %get3A_126 = tpu.memref_slice %arg10[%add3A_119, %get3A_125] : memref<104x128xf32, #tpu.memory_space<vmem>> -> memref<1x128xf32, #tpu.memory_space<vmem>>
      %get3A_127 = tpu.memref_squeeze %get3A_126 : memref<1x128xf32, #tpu.memory_space<vmem>> -> memref<128xf32, #tpu.memory_space<vmem>>
      %get3A_128 = arith.index_cast %mul3A_33 : i32 to index
      %get3A_129 = tpu.vector_load %get3A_127[%get3A_128] {strides = array<i32>} : memref<128xf32, #tpu.memory_space<vmem>>, vector<16xf32>,
      %sub3A_130 = arith.subf %get3A_124, %get3A_129 : vector<16xf32>
      %get3A_131 = arith.constant 0 : i32
      %get3A_132 = tpu.memref_slice %arg8[%add3A_119, %get3A_131] : memref<104x128xf32, #tpu.memory_space<vmem>> -> memref<1x128xf32, #tpu.memory_space<vmem>>
      %get3A_133 = tpu.memref_squeeze %get3A_132 : memref<1x128xf32, #tpu.memory_space<vmem>> -> memref<128xf32, #tpu.memory_space<vmem>>
      %get3A_134 = arith.index_cast %mul3A_33 : i32 to index
      %get3A_135 = tpu.vector_load %get3A_133[%get3A_134] {strides = array<i32>} : memref<128xf32, #tpu.memory_space<vmem>>, vector<16xf32>,
      %mul3A_136 = arith.mulf %sub3A_130, %get3A_135 : vector<16xf32>
      %add3A_137 = arith.addf %get3A_129, %mul3A_136 : vector<16xf32>
      %add3A_138 = arith.addf %add3A_117, %add3A_137 : vector<16xf32>
      %add3A_139 = arith.constant 20 : i32
      %add3A_140 = arith.addi %add3A_139, %shift_right_arithmetic3A_30 : i32
      %get3A_141 = arith.constant 0 : i32
      %get3A_142 = tpu.memref_slice %arg9[%add3A_140, %get3A_141] : memref<104x128xf32, #tpu.memory_space<vmem>> -> memref<1x128xf32, #tpu.memory_space<vmem>>
      %get3A_143 = tpu.memref_squeeze %get3A_142 : memref<1x128xf32, #tpu.memory_space<vmem>> -> memref<128xf32, #tpu.memory_space<vmem>>
      %get3A_144 = arith.index_cast %mul3A_33 : i32 to index
      %get3A_145 = tpu.vector_load %get3A_143[%get3A_144] {strides = array<i32>} : memref<128xf32, #tpu.memory_space<vmem>>, vector<16xf32>,
      %get3A_146 = arith.constant 0 : i32
      %get3A_147 = tpu.memref_slice %arg10[%add3A_140, %get3A_146] : memref<104x128xf32, #tpu.memory_space<vmem>> -> memref<1x128xf32, #tpu.memory_space<vmem>>
      %get3A_148 = tpu.memref_squeeze %get3A_147 : memref<1x128xf32, #tpu.memory_space<vmem>> -> memref<128xf32, #tpu.memory_space<vmem>>
      %get3A_149 = arith.index_cast %mul3A_33 : i32 to index
      %get3A_150 = tpu.vector_load %get3A_148[%get3A_149] {strides = array<i32>} : memref<128xf32, #tpu.memory_space<vmem>>, vector<16xf32>,
      %sub3A_151 = arith.subf %get3A_145, %get3A_150 : vector<16xf32>
      %get3A_152 = arith.constant 0 : i32
      %get3A_153 = tpu.memref_slice %arg8[%add3A_140, %get3A_152] : memref<104x128xf32, #tpu.memory_space<vmem>> -> memref<1x128xf32, #tpu.memory_space<vmem>>
      %get3A_154 = tpu.memref_squeeze %get3A_153 : memref<1x128xf32, #tpu.memory_space<vmem>> -> memref<128xf32, #tpu.memory_space<vmem>>
      %get3A_155 = arith.index_cast %mul3A_33 : i32 to index
      %get3A_156 = tpu.vector_load %get3A_154[%get3A_155] {strides = array<i32>} : memref<128xf32, #tpu.memory_space<vmem>>, vector<16xf32>,
      %mul3A_157 = arith.mulf %sub3A_151, %get3A_156 : vector<16xf32>
      %add3A_158 = arith.addf %get3A_150, %mul3A_157 : vector<16xf32>
      %add3A_159 = arith.addf %add3A_138, %add3A_158 : vector<16xf32>
      %add3A_160 = arith.constant 24 : i32
      %add3A_161 = arith.addi %add3A_160, %shift_right_arithmetic3A_30 : i32
      %get3A_162 = arith.constant 0 : i32
      %get3A_163 = tpu.memref_slice %arg9[%add3A_161, %get3A_162] : memref<104x128xf32, #tpu.memory_space<vmem>> -> memref<1x128xf32, #tpu.memory_space<vmem>>
      %get3A_164 = tpu.memref_squeeze %get3A_163 : memref<1x128xf32, #tpu.memory_space<vmem>> -> memref<128xf32, #tpu.memory_space<vmem>>
      %get3A_165 = arith.index_cast %mul3A_33 : i32 to index
      %get3A_166 = tpu.vector_load %get3A_164[%get3A_165] {strides = array<i32>} : memref<128xf32, #tpu.memory_space<vmem>>, vector<16xf32>,
      %get3A_167 = arith.constant 0 : i32
      %get3A_168 = tpu.memref_slice %arg10[%add3A_161, %get3A_167] : memref<104x128xf32, #tpu.memory_space<vmem>> -> memref<1x128xf32, #tpu.memory_space<vmem>>
      %get3A_169 = tpu.memref_squeeze %get3A_168 : memref<1x128xf32, #tpu.memory_space<vmem>> -> memref<128xf32, #tpu.memory_space<vmem>>
      %get3A_170 = arith.index_cast %mul3A_33 : i32 to index
      %get3A_171 = tpu.vector_load %get3A_169[%get3A_170] {strides = array<i32>} : memref<128xf32, #tpu.memory_space<vmem>>, vector<16xf32>,
      %sub3A_172 = arith.subf %get3A_166, %get3A_171 : vector<16xf32>
      %get3A_173 = arith.constant 0 : i32
      %get3A_174 = tpu.memref_slice %arg8[%add3A_161, %get3A_173] : memref<104x128xf32, #tpu.memory_space<vmem>> -> memref<1x128xf32, #tpu.memory_space<vmem>>
      %get3A_175 = tpu.memref_squeeze %get3A_174 : memref<1x128xf32, #tpu.memory_space<vmem>> -> memref<128xf32, #tpu.memory_space<vmem>>
      %get3A_176 = arith.index_cast %mul3A_33 : i32 to index
      %get3A_177 = tpu.vector_load %get3A_175[%get3A_176] {strides = array<i32>} : memref<128xf32, #tpu.memory_space<vmem>>, vector<16xf32>,
      %mul3A_178 = arith.mulf %sub3A_172, %get3A_177 : vector<16xf32>
      %add3A_179 = arith.addf %get3A_171, %mul3A_178 : vector<16xf32>
      %add3A_180 = arith.addf %add3A_159, %add3A_179 : vector<16xf32>
      %add3A_181 = arith.constant 28 : i32
      %add3A_182 = arith.addi %add3A_181, %shift_right_arithmetic3A_30 : i32
      %get3A_183 = arith.constant 0 : i32
      %get3A_184 = tpu.memref_slice %arg9[%add3A_182, %get3A_183] : memref<104x128xf32, #tpu.memory_space<vmem>> -> memref<1x128xf32, #tpu.memory_space<vmem>>
      %get3A_185 = tpu.memref_squeeze %get3A_184 : memref<1x128xf32, #tpu.memory_space<vmem>> -> memref<128xf32, #tpu.memory_space<vmem>>
      %get3A_186 = arith.index_cast %mul3A_33 : i32 to index
      %get3A_187 = tpu.vector_load %get3A_185[%get3A_186] {strides = array<i32>} : memref<128xf32, #tpu.memory_space<vmem>>, vector<16xf32>,
      %get3A_188 = arith.constant 0 : i32
      %get3A_189 = tpu.memref_slice %arg10[%add3A_182, %get3A_188] : memref<104x128xf32, #tpu.memory_space<vmem>> -> memref<1x128xf32, #tpu.memory_space<vmem>>
      %get3A_190 = tpu.memref_squeeze %get3A_189 : memref<1x128xf32, #tpu.memory_space<vmem>> -> memref<128xf32, #tpu.memory_space<vmem>>
      %get3A_191 = arith.index_cast %mul3A_33 : i32 to index
      %get3A_192 = tpu.vector_load %get3A_190[%get3A_191] {strides = array<i32>} : memref<128xf32, #tpu.memory_space<vmem>>, vector<16xf32>,
      %sub3A_193 = arith.subf %get3A_187, %get3A_192 : vector<16xf32>
      %get3A_194 = arith.constant 0 : i32
      %get3A_195 = tpu.memref_slice %arg8[%add3A_182, %get3A_194] : memref<104x128xf32, #tpu.memory_space<vmem>> -> memref<1x128xf32, #tpu.memory_space<vmem>>
      %get3A_196 = tpu.memref_squeeze %get3A_195 : memref<1x128xf32, #tpu.memory_space<vmem>> -> memref<128xf32, #tpu.memory_space<vmem>>
      %get3A_197 = arith.index_cast %mul3A_33 : i32 to index
      %get3A_198 = tpu.vector_load %get3A_196[%get3A_197] {strides = array<i32>} : memref<128xf32, #tpu.memory_space<vmem>>, vector<16xf32>,
      %mul3A_199 = arith.mulf %sub3A_193, %get3A_198 : vector<16xf32>
      %add3A_200 = arith.addf %get3A_192, %mul3A_199 : vector<16xf32>
      %add3A_201 = arith.addf %add3A_180, %add3A_200 : vector<16xf32>
      %add3A_202 = arith.constant 32 : i32
      %add3A_203 = arith.addi %add3A_202, %shift_right_arithmetic3A_30 : i32
      %get3A_204 = arith.constant 0 : i32
      %get3A_205 = tpu.memref_slice %arg9[%add3A_203, %get3A_204] : memref<104x128xf32, #tpu.memory_space<vmem>> -> memref<1x128xf32, #tpu.memory_space<vmem>>
      %get3A_206 = tpu.memref_squeeze %get3A_205 : memref<1x128xf32, #tpu.memory_space<vmem>> -> memref<128xf32, #tpu.memory_space<vmem>>
      %get3A_207 = arith.index_cast %mul3A_33 : i32 to index
      %get3A_208 = tpu.vector_load %get3A_206[%get3A_207] {strides = array<i32>} : memref<128xf32, #tpu.memory_space<vmem>>, vector<16xf32>,
      %get3A_209 = arith.constant 0 : i32
      %get3A_210 = tpu.memref_slice %arg10[%add3A_203, %get3A_209] : memref<104x128xf32, #tpu.memory_space<vmem>> -> memref<1x128xf32, #tpu.memory_space<vmem>>
      %get3A_211 = tpu.memref_squeeze %get3A_210 : memref<1x128xf32, #tpu.memory_space<vmem>> -> memref<128xf32, #tpu.memory_space<vmem>>
      %get3A_212 = arith.index_cast %mul3A_33 : i32 to index
      %get3A_213 = tpu.vector_load %get3A_211[%get3A_212] {strides = array<i32>} : memref<128xf32, #tpu.memory_space<vmem>>, vector<16xf32>,
      %sub3A_214 = arith.subf %get3A_208, %get3A_213 : vector<16xf32>
      %get3A_215 = arith.constant 0 : i32
      %get3A_216 = tpu.memref_slice %arg8[%add3A_203, %get3A_215] : memref<104x128xf32, #tpu.memory_space<vmem>> -> memref<1x128xf32, #tpu.memory_space<vmem>>
      %get3A_217 = tpu.memref_squeeze %get3A_216 : memref<1x128xf32, #tpu.memory_space<vmem>> -> memref<128xf32, #tpu.memory_space<vmem>>
      %get3A_218 = arith.index_cast %mul3A_33 : i32 to index
      %get3A_219 = tpu.vector_load %get3A_217[%get3A_218] {strides = array<i32>} : memref<128xf32, #tpu.memory_space<vmem>>, vector<16xf32>,
      %mul3A_220 = arith.mulf %sub3A_214, %get3A_219 : vector<16xf32>
      %add3A_221 = arith.addf %get3A_213, %mul3A_220 : vector<16xf32>
      %add3A_222 = arith.addf %add3A_201, %add3A_221 : vector<16xf32>
      %add3A_223 = arith.constant 36 : i32
      %add3A_224 = arith.addi %add3A_223, %shift_right_arithmetic3A_30 : i32
      %get3A_225 = arith.constant 0 : i32
      %get3A_226 = tpu.memref_slice %arg9[%add3A_224, %get3A_225] : memref<104x128xf32, #tpu.memory_space<vmem>> -> memref<1x128xf32, #tpu.memory_space<vmem>>
      %get3A_227 = tpu.memref_squeeze %get3A_226 : memref<1x128xf32, #tpu.memory_space<vmem>> -> memref<128xf32, #tpu.memory_space<vmem>>
      %get3A_228 = arith.index_cast %mul3A_33 : i32 to index
      %get3A_229 = tpu.vector_load %get3A_227[%get3A_228] {strides = array<i32>} : memref<128xf32, #tpu.memory_space<vmem>>, vector<16xf32>,
      %get3A_230 = arith.constant 0 : i32
      %get3A_231 = tpu.memref_slice %arg10[%add3A_224, %get3A_230] : memref<104x128xf32, #tpu.memory_space<vmem>> -> memref<1x128xf32, #tpu.memory_space<vmem>>
      %get3A_232 = tpu.memref_squeeze %get3A_231 : memref<1x128xf32, #tpu.memory_space<vmem>> -> memref<128xf32, #tpu.memory_space<vmem>>
      %get3A_233 = arith.index_cast %mul3A_33 : i32 to index
      %get3A_234 = tpu.vector_load %get3A_232[%get3A_233] {strides = array<i32>} : memref<128xf32, #tpu.memory_space<vmem>>, vector<16xf32>,
      %sub3A_235 = arith.subf %get3A_229, %get3A_234 : vector<16xf32>
      %get3A_236 = arith.constant 0 : i32
      %get3A_237 = tpu.memref_slice %arg8[%add3A_224, %get3A_236] : memref<104x128xf32, #tpu.memory_space<vmem>> -> memref<1x128xf32, #tpu.memory_space<vmem>>
      %get3A_238 = tpu.memref_squeeze %get3A_237 : memref<1x128xf32, #tpu.memory_space<vmem>> -> memref<128xf32, #tpu.memory_space<vmem>>
      %get3A_239 = arith.index_cast %mul3A_33 : i32 to index
      %get3A_240 = tpu.vector_load %get3A_238[%get3A_239] {strides = array<i32>} : memref<128xf32, #tpu.memory_space<vmem>>, vector<16xf32>,
      %mul3A_241 = arith.mulf %sub3A_235, %get3A_240 : vector<16xf32>
      %add3A_242 = arith.addf %get3A_234, %mul3A_241 : vector<16xf32>
      %add3A_243 = arith.addf %add3A_222, %add3A_242 : vector<16xf32>
      %add3A_244 = arith.constant 40 : i32
      %add3A_245 = arith.addi %add3A_244, %shift_right_arithmetic3A_30 : i32
      %get3A_246 = arith.constant 0 : i32
      %get3A_247 = tpu.memref_slice %arg9[%add3A_245, %get3A_246] : memref<104x128xf32, #tpu.memory_space<vmem>> -> memref<1x128xf32, #tpu.memory_space<vmem>>
      %get3A_248 = tpu.memref_squeeze %get3A_247 : memref<1x128xf32, #tpu.memory_space<vmem>> -> memref<128xf32, #tpu.memory_space<vmem>>
      %get3A_249 = arith.index_cast %mul3A_33 : i32 to index
      %get3A_250 = tpu.vector_load %get3A_248[%get3A_249] {strides = array<i32>} : memref<128xf32, #tpu.memory_space<vmem>>, vector<16xf32>,
      %get3A_251 = arith.constant 0 : i32
      %get3A_252 = tpu.memref_slice %arg10[%add3A_245, %get3A_251] : memref<104x128xf32, #tpu.memory_space<vmem>> -> memref<1x128xf32, #tpu.memory_space<vmem>>
      %get3A_253 = tpu.memref_squeeze %get3A_252 : memref<1x128xf32, #tpu.memory_space<vmem>> -> memref<128xf32, #tpu.memory_space<vmem>>
      %get3A_254 = arith.index_cast %mul3A_33 : i32 to index
      %get3A_255 = tpu.vector_load %get3A_253[%get3A_254] {strides = array<i32>} : memref<128xf32, #tpu.memory_space<vmem>>, vector<16xf32>,
      %sub3A_256 = arith.subf %get3A_250, %get3A_255 : vector<16xf32>
      %get3A_257 = arith.constant 0 : i32
      %get3A_258 = tpu.memref_slice %arg8[%add3A_245, %get3A_257] : memref<104x128xf32, #tpu.memory_space<vmem>> -> memref<1x128xf32, #tpu.memory_space<vmem>>
      %get3A_259 = tpu.memref_squeeze %get3A_258 : memref<1x128xf32, #tpu.memory_space<vmem>> -> memref<128xf32, #tpu.memory_space<vmem>>
      %get3A_260 = arith.index_cast %mul3A_33 : i32 to index
      %get3A_261 = tpu.vector_load %get3A_259[%get3A_260] {strides = array<i32>} : memref<128xf32, #tpu.memory_space<vmem>>, vector<16xf32>,
      %mul3A_262 = arith.mulf %sub3A_256, %get3A_261 : vector<16xf32>
      %add3A_263 = arith.addf %get3A_255, %mul3A_262 : vector<16xf32>
      %add3A_264 = arith.addf %add3A_243, %add3A_263 : vector<16xf32>
      %add3A_265 = arith.constant 44 : i32
      %add3A_266 = arith.addi %add3A_265, %shift_right_arithmetic3A_30 : i32
      %get3A_267 = arith.constant 0 : i32
      %get3A_268 = tpu.memref_slice %arg9[%add3A_266, %get3A_267] : memref<104x128xf32, #tpu.memory_space<vmem>> -> memref<1x128xf32, #tpu.memory_space<vmem>>
      %get3A_269 = tpu.memref_squeeze %get3A_268 : memref<1x128xf32, #tpu.memory_space<vmem>> -> memref<128xf32, #tpu.memory_space<vmem>>
      %get3A_270 = arith.index_cast %mul3A_33 : i32 to index
      %get3A_271 = tpu.vector_load %get3A_269[%get3A_270] {strides = array<i32>} : memref<128xf32, #tpu.memory_space<vmem>>, vector<16xf32>,
      %get3A_272 = arith.constant 0 : i32
      %get3A_273 = tpu.memref_slice %arg10[%add3A_266, %get3A_272] : memref<104x128xf32, #tpu.memory_space<vmem>> -> memref<1x128xf32, #tpu.memory_space<vmem>>
      %get3A_274 = tpu.memref_squeeze %get3A_273 : memref<1x128xf32, #tpu.memory_space<vmem>> -> memref<128xf32, #tpu.memory_space<vmem>>
      %get3A_275 = arith.index_cast %mul3A_33 : i32 to index
      %get3A_276 = tpu.vector_load %get3A_274[%get3A_275] {strides = array<i32>} : memref<128xf32, #tpu.memory_space<vmem>>, vector<16xf32>,
      %sub3A_277 = arith.subf %get3A_271, %get3A_276 : vector<16xf32>
      %get3A_278 = arith.constant 0 : i32
      %get3A_279 = tpu.memref_slice %arg8[%add3A_266, %get3A_278] : memref<104x128xf32, #tpu.memory_space<vmem>> -> memref<1x128xf32, #tpu.memory_space<vmem>>
      %get3A_280 = tpu.memref_squeeze %get3A_279 : memref<1x128xf32, #tpu.memory_space<vmem>> -> memref<128xf32, #tpu.memory_space<vmem>>
      %get3A_281 = arith.index_cast %mul3A_33 : i32 to index
      %get3A_282 = tpu.vector_load %get3A_280[%get3A_281] {strides = array<i32>} : memref<128xf32, #tpu.memory_space<vmem>>, vector<16xf32>,
      %mul3A_283 = arith.mulf %sub3A_277, %get3A_282 : vector<16xf32>
      %add3A_284 = arith.addf %get3A_276, %mul3A_283 : vector<16xf32>
      %add3A_285 = arith.addf %add3A_264, %add3A_284 : vector<16xf32>
      %add3A_286 = arith.constant 48 : i32
      %add3A_287 = arith.addi %add3A_286, %shift_right_arithmetic3A_30 : i32
      %get3A_288 = arith.constant 0 : i32
      %get3A_289 = tpu.memref_slice %arg9[%add3A_287, %get3A_288] : memref<104x128xf32, #tpu.memory_space<vmem>> -> memref<1x128xf32, #tpu.memory_space<vmem>>
      %get3A_290 = tpu.memref_squeeze %get3A_289 : memref<1x128xf32, #tpu.memory_space<vmem>> -> memref<128xf32, #tpu.memory_space<vmem>>
      %get3A_291 = arith.index_cast %mul3A_33 : i32 to index
      %get3A_292 = tpu.vector_load %get3A_290[%get3A_291] {strides = array<i32>} : memref<128xf32, #tpu.memory_space<vmem>>, vector<16xf32>,
      %get3A_293 = arith.constant 0 : i32
      %get3A_294 = tpu.memref_slice %arg10[%add3A_287, %get3A_293] : memref<104x128xf32, #tpu.memory_space<vmem>> -> memref<1x128xf32, #tpu.memory_space<vmem>>
      %get3A_295 = tpu.memref_squeeze %get3A_294 : memref<1x128xf32, #tpu.memory_space<vmem>> -> memref<128xf32, #tpu.memory_space<vmem>>
      %get3A_296 = arith.index_cast %mul3A_33 : i32 to index
      %get3A_297 = tpu.vector_load %get3A_295[%get3A_296] {strides = array<i32>} : memref<128xf32, #tpu.memory_space<vmem>>, vector<16xf32>,
      %sub3A_298 = arith.subf %get3A_292, %get3A_297 : vector<16xf32>
      %get3A_299 = arith.constant 0 : i32
      %get3A_300 = tpu.memref_slice %arg8[%add3A_287, %get3A_299] : memref<104x128xf32, #tpu.memory_space<vmem>> -> memref<1x128xf32, #tpu.memory_space<vmem>>
      %get3A_301 = tpu.memref_squeeze %get3A_300 : memref<1x128xf32, #tpu.memory_space<vmem>> -> memref<128xf32, #tpu.memory_space<vmem>>
      %get3A_302 = arith.index_cast %mul3A_33 : i32 to index
      %get3A_303 = tpu.vector_load %get3A_301[%get3A_302] {strides = array<i32>} : memref<128xf32, #tpu.memory_space<vmem>>, vector<16xf32>,
      %mul3A_304 = arith.mulf %sub3A_298, %get3A_303 : vector<16xf32>
      %add3A_305 = arith.addf %get3A_297, %mul3A_304 : vector<16xf32>
      %add3A_306 = arith.addf %add3A_285, %add3A_305 : vector<16xf32>
      %add3A_307 = arith.constant 52 : i32
      %add3A_308 = arith.addi %add3A_307, %shift_right_arithmetic3A_30 : i32
      %get3A_309 = arith.constant 0 : i32
      %get3A_310 = tpu.memref_slice %arg9[%add3A_308, %get3A_309] : memref<104x128xf32, #tpu.memory_space<vmem>> -> memref<1x128xf32, #tpu.memory_space<vmem>>
      %get3A_311 = tpu.memref_squeeze %get3A_310 : memref<1x128xf32, #tpu.memory_space<vmem>> -> memref<128xf32, #tpu.memory_space<vmem>>
      %get3A_312 = arith.index_cast %mul3A_33 : i32 to index
      %get3A_313 = tpu.vector_load %get3A_311[%get3A_312] {strides = array<i32>} : memref<128xf32, #tpu.memory_space<vmem>>, vector<16xf32>,
      %get3A_314 = arith.constant 0 : i32
      %get3A_315 = tpu.memref_slice %arg10[%add3A_308, %get3A_314] : memref<104x128xf32, #tpu.memory_space<vmem>> -> memref<1x128xf32, #tpu.memory_space<vmem>>
      %get3A_316 = tpu.memref_squeeze %get3A_315 : memref<1x128xf32, #tpu.memory_space<vmem>> -> memref<128xf32, #tpu.memory_space<vmem>>
      %get3A_317 = arith.index_cast %mul3A_33 : i32 to index
      %get3A_318 = tpu.vector_load %get3A_316[%get3A_317] {strides = array<i32>} : memref<128xf32, #tpu.memory_space<vmem>>, vector<16xf32>,
      %sub3A_319 = arith.subf %get3A_313, %get3A_318 : vector<16xf32>
      %get3A_320 = arith.constant 0 : i32
      %get3A_321 = tpu.memref_slice %arg8[%add3A_308, %get3A_320] : memref<104x128xf32, #tpu.memory_space<vmem>> -> memref<1x128xf32, #tpu.memory_space<vmem>>
      %get3A_322 = tpu.memref_squeeze %get3A_321 : memref<1x128xf32, #tpu.memory_space<vmem>> -> memref<128xf32, #tpu.memory_space<vmem>>
      %get3A_323 = arith.index_cast %mul3A_33 : i32 to index
      %get3A_324 = tpu.vector_load %get3A_322[%get3A_323] {strides = array<i32>} : memref<128xf32, #tpu.memory_space<vmem>>, vector<16xf32>,
      %mul3A_325 = arith.mulf %sub3A_319, %get3A_324 : vector<16xf32>
      %add3A_326 = arith.addf %get3A_318, %mul3A_325 : vector<16xf32>
      %add3A_327 = arith.addf %add3A_306, %add3A_326 : vector<16xf32>
      %add3A_328 = arith.constant 56 : i32
      %add3A_329 = arith.addi %add3A_328, %shift_right_arithmetic3A_30 : i32
      %get3A_330 = arith.constant 0 : i32
      %get3A_331 = tpu.memref_slice %arg9[%add3A_329, %get3A_330] : memref<104x128xf32, #tpu.memory_space<vmem>> -> memref<1x128xf32, #tpu.memory_space<vmem>>
      %get3A_332 = tpu.memref_squeeze %get3A_331 : memref<1x128xf32, #tpu.memory_space<vmem>> -> memref<128xf32, #tpu.memory_space<vmem>>
      %get3A_333 = arith.index_cast %mul3A_33 : i32 to index
      %get3A_334 = tpu.vector_load %get3A_332[%get3A_333] {strides = array<i32>} : memref<128xf32, #tpu.memory_space<vmem>>, vector<16xf32>,
      %get3A_335 = arith.constant 0 : i32
      %get3A_336 = tpu.memref_slice %arg10[%add3A_329, %get3A_335] : memref<104x128xf32, #tpu.memory_space<vmem>> -> memref<1x128xf32, #tpu.memory_space<vmem>>
      %get3A_337 = tpu.memref_squeeze %get3A_336 : memref<1x128xf32, #tpu.memory_space<vmem>> -> memref<128xf32, #tpu.memory_space<vmem>>
      %get3A_338 = arith.index_cast %mul3A_33 : i32 to index
      %get3A_339 = tpu.vector_load %get3A_337[%get3A_338] {strides = array<i32>} : memref<128xf32, #tpu.memory_space<vmem>>, vector<16xf32>,
      %sub3A_340 = arith.subf %get3A_334, %get3A_339 : vector<16xf32>
      %get3A_341 = arith.constant 0 : i32
      %get3A_342 = tpu.memref_slice %arg8[%add3A_329, %get3A_341] : memref<104x128xf32, #tpu.memory_space<vmem>> -> memref<1x128xf32, #tpu.memory_space<vmem>>
      %get3A_343 = tpu.memref_squeeze %get3A_342 : memref<1x128xf32, #tpu.memory_space<vmem>> -> memref<128xf32, #tpu.memory_space<vmem>>
      %get3A_344 = arith.index_cast %mul3A_33 : i32 to index
      %get3A_345 = tpu.vector_load %get3A_343[%get3A_344] {strides = array<i32>} : memref<128xf32, #tpu.memory_space<vmem>>, vector<16xf32>,
      %mul3A_346 = arith.mulf %sub3A_340, %get3A_345 : vector<16xf32>
      %add3A_347 = arith.addf %get3A_339, %mul3A_346 : vector<16xf32>
      %add3A_348 = arith.addf %add3A_327, %add3A_347 : vector<16xf32>
      %add3A_349 = arith.constant 60 : i32
      %add3A_350 = arith.addi %add3A_349, %shift_right_arithmetic3A_30 : i32
      %get3A_351 = arith.constant 0 : i32
      %get3A_352 = tpu.memref_slice %arg9[%add3A_350, %get3A_351] : memref<104x128xf32, #tpu.memory_space<vmem>> -> memref<1x128xf32, #tpu.memory_space<vmem>>
      %get3A_353 = tpu.memref_squeeze %get3A_352 : memref<1x128xf32, #tpu.memory_space<vmem>> -> memref<128xf32, #tpu.memory_space<vmem>>
      %get3A_354 = arith.index_cast %mul3A_33 : i32 to index
      %get3A_355 = tpu.vector_load %get3A_353[%get3A_354] {strides = array<i32>} : memref<128xf32, #tpu.memory_space<vmem>>, vector<16xf32>,
      %get3A_356 = arith.constant 0 : i32
      %get3A_357 = tpu.memref_slice %arg10[%add3A_350, %get3A_356] : memref<104x128xf32, #tpu.memory_space<vmem>> -> memref<1x128xf32, #tpu.memory_space<vmem>>
      %get3A_358 = tpu.memref_squeeze %get3A_357 : memref<1x128xf32, #tpu.memory_space<vmem>> -> memref<128xf32, #tpu.memory_space<vmem>>
      %get3A_359 = arith.index_cast %mul3A_33 : i32 to index
      %get3A_360 = tpu.vector_load %get3A_358[%get3A_359] {strides = array<i32>} : memref<128xf32, #tpu.memory_space<vmem>>, vector<16xf32>,
      %sub3A_361 = arith.subf %get3A_355, %get3A_360 : vector<16xf32>
      %get3A_362 = arith.constant 0 : i32
      %get3A_363 = tpu.memref_slice %arg8[%add3A_350, %get3A_362] : memref<104x128xf32, #tpu.memory_space<vmem>> -> memref<1x128xf32, #tpu.memory_space<vmem>>
      %get3A_364 = tpu.memref_squeeze %get3A_363 : memref<1x128xf32, #tpu.memory_space<vmem>> -> memref<128xf32, #tpu.memory_space<vmem>>
      %get3A_365 = arith.index_cast %mul3A_33 : i32 to index
      %get3A_366 = tpu.vector_load %get3A_364[%get3A_365] {strides = array<i32>} : memref<128xf32, #tpu.memory_space<vmem>>, vector<16xf32>,
      %mul3A_367 = arith.mulf %sub3A_361, %get3A_366 : vector<16xf32>
      %add3A_368 = arith.addf %get3A_360, %mul3A_367 : vector<16xf32>
      %add3A_369 = arith.addf %add3A_348, %add3A_368 : vector<16xf32>
      %add3A_370 = arith.constant 64 : i32
      %add3A_371 = arith.addi %add3A_370, %shift_right_arithmetic3A_30 : i32
      %get3A_372 = arith.constant 0 : i32
      %get3A_373 = tpu.memref_slice %arg9[%add3A_371, %get3A_372] : memref<104x128xf32, #tpu.memory_space<vmem>> -> memref<1x128xf32, #tpu.memory_space<vmem>>
      %get3A_374 = tpu.memref_squeeze %get3A_373 : memref<1x128xf32, #tpu.memory_space<vmem>> -> memref<128xf32, #tpu.memory_space<vmem>>
      %get3A_375 = arith.index_cast %mul3A_33 : i32 to index
      %get3A_376 = tpu.vector_load %get3A_374[%get3A_375] {strides = array<i32>} : memref<128xf32, #tpu.memory_space<vmem>>, vector<16xf32>,
      %get3A_377 = arith.constant 0 : i32
      %get3A_378 = tpu.memref_slice %arg10[%add3A_371, %get3A_377] : memref<104x128xf32, #tpu.memory_space<vmem>> -> memref<1x128xf32, #tpu.memory_space<vmem>>
      %get3A_379 = tpu.memref_squeeze %get3A_378 : memref<1x128xf32, #tpu.memory_space<vmem>> -> memref<128xf32, #tpu.memory_space<vmem>>
      %get3A_380 = arith.index_cast %mul3A_33 : i32 to index
      %get3A_381 = tpu.vector_load %get3A_379[%get3A_380] {strides = array<i32>} : memref<128xf32, #tpu.memory_space<vmem>>, vector<16xf32>,
      %sub3A_382 = arith.subf %get3A_376, %get3A_381 : vector<16xf32>
      %get3A_383 = arith.constant 0 : i32
      %get3A_384 = tpu.memref_slice %arg8[%add3A_371, %get3A_383] : memref<104x128xf32, #tpu.memory_space<vmem>> -> memref<1x128xf32, #tpu.memory_space<vmem>>
      %get3A_385 = tpu.memref_squeeze %get3A_384 : memref<1x128xf32, #tpu.memory_space<vmem>> -> memref<128xf32, #tpu.memory_space<vmem>>
      %get3A_386 = arith.index_cast %mul3A_33 : i32 to index
      %get3A_387 = tpu.vector_load %get3A_385[%get3A_386] {strides = array<i32>} : memref<128xf32, #tpu.memory_space<vmem>>, vector<16xf32>,
      %mul3A_388 = arith.mulf %sub3A_382, %get3A_387 : vector<16xf32>
      %add3A_389 = arith.addf %get3A_381, %mul3A_388 : vector<16xf32>
      %add3A_390 = arith.addf %add3A_369, %add3A_389 : vector<16xf32>
      %add3A_391 = arith.constant 68 : i32
      %add3A_392 = arith.addi %add3A_391, %shift_right_arithmetic3A_30 : i32
      %get3A_393 = arith.constant 0 : i32
      %get3A_394 = tpu.memref_slice %arg9[%add3A_392, %get3A_393] : memref<104x128xf32, #tpu.memory_space<vmem>> -> memref<1x128xf32, #tpu.memory_space<vmem>>
      %get3A_395 = tpu.memref_squeeze %get3A_394 : memref<1x128xf32, #tpu.memory_space<vmem>> -> memref<128xf32, #tpu.memory_space<vmem>>
      %get3A_396 = arith.index_cast %mul3A_33 : i32 to index
      %get3A_397 = tpu.vector_load %get3A_395[%get3A_396] {strides = array<i32>} : memref<128xf32, #tpu.memory_space<vmem>>, vector<16xf32>,
      %get3A_398 = arith.constant 0 : i32
      %get3A_399 = tpu.memref_slice %arg10[%add3A_392, %get3A_398] : memref<104x128xf32, #tpu.memory_space<vmem>> -> memref<1x128xf32, #tpu.memory_space<vmem>>
      %get3A_400 = tpu.memref_squeeze %get3A_399 : memref<1x128xf32, #tpu.memory_space<vmem>> -> memref<128xf32, #tpu.memory_space<vmem>>
      %get3A_401 = arith.index_cast %mul3A_33 : i32 to index
      %get3A_402 = tpu.vector_load %get3A_400[%get3A_401] {strides = array<i32>} : memref<128xf32, #tpu.memory_space<vmem>>, vector<16xf32>,
      %sub3A_403 = arith.subf %get3A_397, %get3A_402 : vector<16xf32>
      %get3A_404 = arith.constant 0 : i32
      %get3A_405 = tpu.memref_slice %arg8[%add3A_392, %get3A_404] : memref<104x128xf32, #tpu.memory_space<vmem>> -> memref<1x128xf32, #tpu.memory_space<vmem>>
      %get3A_406 = tpu.memref_squeeze %get3A_405 : memref<1x128xf32, #tpu.memory_space<vmem>> -> memref<128xf32, #tpu.memory_space<vmem>>
      %get3A_407 = arith.index_cast %mul3A_33 : i32 to index
      %get3A_408 = tpu.vector_load %get3A_406[%get3A_407] {strides = array<i32>} : memref<128xf32, #tpu.memory_space<vmem>>, vector<16xf32>,
      %mul3A_409 = arith.mulf %sub3A_403, %get3A_408 : vector<16xf32>
      %add3A_410 = arith.addf %get3A_402, %mul3A_409 : vector<16xf32>
      %add3A_411 = arith.addf %add3A_390, %add3A_410 : vector<16xf32>
      %add3A_412 = arith.constant 72 : i32
      %add3A_413 = arith.addi %add3A_412, %shift_right_arithmetic3A_30 : i32
      %get3A_414 = arith.constant 0 : i32
      %get3A_415 = tpu.memref_slice %arg9[%add3A_413, %get3A_414] : memref<104x128xf32, #tpu.memory_space<vmem>> -> memref<1x128xf32, #tpu.memory_space<vmem>>
      %get3A_416 = tpu.memref_squeeze %get3A_415 : memref<1x128xf32, #tpu.memory_space<vmem>> -> memref<128xf32, #tpu.memory_space<vmem>>
      %get3A_417 = arith.index_cast %mul3A_33 : i32 to index
      %get3A_418 = tpu.vector_load %get3A_416[%get3A_417] {strides = array<i32>} : memref<128xf32, #tpu.memory_space<vmem>>, vector<16xf32>,
      %get3A_419 = arith.constant 0 : i32
      %get3A_420 = tpu.memref_slice %arg10[%add3A_413, %get3A_419] : memref<104x128xf32, #tpu.memory_space<vmem>> -> memref<1x128xf32, #tpu.memory_space<vmem>>
      %get3A_421 = tpu.memref_squeeze %get3A_420 : memref<1x128xf32, #tpu.memory_space<vmem>> -> memref<128xf32, #tpu.memory_space<vmem>>
      %get3A_422 = arith.index_cast %mul3A_33 : i32 to index
      %get3A_423 = tpu.vector_load %get3A_421[%get3A_422] {strides = array<i32>} : memref<128xf32, #tpu.memory_space<vmem>>, vector<16xf32>,
      %sub3A_424 = arith.subf %get3A_418, %get3A_423 : vector<16xf32>
      %get3A_425 = arith.constant 0 : i32
      %get3A_426 = tpu.memref_slice %arg8[%add3A_413, %get3A_425] : memref<104x128xf32, #tpu.memory_space<vmem>> -> memref<1x128xf32, #tpu.memory_space<vmem>>
      %get3A_427 = tpu.memref_squeeze %get3A_426 : memref<1x128xf32, #tpu.memory_space<vmem>> -> memref<128xf32, #tpu.memory_space<vmem>>
      %get3A_428 = arith.index_cast %mul3A_33 : i32 to index
      %get3A_429 = tpu.vector_load %get3A_427[%get3A_428] {strides = array<i32>} : memref<128xf32, #tpu.memory_space<vmem>>, vector<16xf32>,
      %mul3A_430 = arith.mulf %sub3A_424, %get3A_429 : vector<16xf32>
      %add3A_431 = arith.addf %get3A_423, %mul3A_430 : vector<16xf32>
      %add3A_432 = arith.addf %add3A_411, %add3A_431 : vector<16xf32>
      %add3A_433 = arith.constant 76 : i32
      %add3A_434 = arith.addi %add3A_433, %shift_right_arithmetic3A_30 : i32
      %get3A_435 = arith.constant 0 : i32
      %get3A_436 = tpu.memref_slice %arg9[%add3A_434, %get3A_435] : memref<104x128xf32, #tpu.memory_space<vmem>> -> memref<1x128xf32, #tpu.memory_space<vmem>>
      %get3A_437 = tpu.memref_squeeze %get3A_436 : memref<1x128xf32, #tpu.memory_space<vmem>> -> memref<128xf32, #tpu.memory_space<vmem>>
      %get3A_438 = arith.index_cast %mul3A_33 : i32 to index
      %get3A_439 = tpu.vector_load %get3A_437[%get3A_438] {strides = array<i32>} : memref<128xf32, #tpu.memory_space<vmem>>, vector<16xf32>,
      %get3A_440 = arith.constant 0 : i32
      %get3A_441 = tpu.memref_slice %arg10[%add3A_434, %get3A_440] : memref<104x128xf32, #tpu.memory_space<vmem>> -> memref<1x128xf32, #tpu.memory_space<vmem>>
      %get3A_442 = tpu.memref_squeeze %get3A_441 : memref<1x128xf32, #tpu.memory_space<vmem>> -> memref<128xf32, #tpu.memory_space<vmem>>
      %get3A_443 = arith.index_cast %mul3A_33 : i32 to index
      %get3A_444 = tpu.vector_load %get3A_442[%get3A_443] {strides = array<i32>} : memref<128xf32, #tpu.memory_space<vmem>>, vector<16xf32>,
      %sub3A_445 = arith.subf %get3A_439, %get3A_444 : vector<16xf32>
      %get3A_446 = arith.constant 0 : i32
      %get3A_447 = tpu.memref_slice %arg8[%add3A_434, %get3A_446] : memref<104x128xf32, #tpu.memory_space<vmem>> -> memref<1x128xf32, #tpu.memory_space<vmem>>
      %get3A_448 = tpu.memref_squeeze %get3A_447 : memref<1x128xf32, #tpu.memory_space<vmem>> -> memref<128xf32, #tpu.memory_space<vmem>>
      %get3A_449 = arith.index_cast %mul3A_33 : i32 to index
      %get3A_450 = tpu.vector_load %get3A_448[%get3A_449] {strides = array<i32>} : memref<128xf32, #tpu.memory_space<vmem>>, vector<16xf32>,
      %mul3A_451 = arith.mulf %sub3A_445, %get3A_450 : vector<16xf32>
      %add3A_452 = arith.addf %get3A_444, %mul3A_451 : vector<16xf32>
      %add3A_453 = arith.addf %add3A_432, %add3A_452 : vector<16xf32>
      %add3A_454 = arith.constant 80 : i32
      %add3A_455 = arith.addi %add3A_454, %shift_right_arithmetic3A_30 : i32
      %get3A_456 = arith.constant 0 : i32
      %get3A_457 = tpu.memref_slice %arg9[%add3A_455, %get3A_456] : memref<104x128xf32, #tpu.memory_space<vmem>> -> memref<1x128xf32, #tpu.memory_space<vmem>>
      %get3A_458 = tpu.memref_squeeze %get3A_457 : memref<1x128xf32, #tpu.memory_space<vmem>> -> memref<128xf32, #tpu.memory_space<vmem>>
      %get3A_459 = arith.index_cast %mul3A_33 : i32 to index
      %get3A_460 = tpu.vector_load %get3A_458[%get3A_459] {strides = array<i32>} : memref<128xf32, #tpu.memory_space<vmem>>, vector<16xf32>,
      %get3A_461 = arith.constant 0 : i32
      %get3A_462 = tpu.memref_slice %arg10[%add3A_455, %get3A_461] : memref<104x128xf32, #tpu.memory_space<vmem>> -> memref<1x128xf32, #tpu.memory_space<vmem>>
      %get3A_463 = tpu.memref_squeeze %get3A_462 : memref<1x128xf32, #tpu.memory_space<vmem>> -> memref<128xf32, #tpu.memory_space<vmem>>
      %get3A_464 = arith.index_cast %mul3A_33 : i32 to index
      %get3A_465 = tpu.vector_load %get3A_463[%get3A_464] {strides = array<i32>} : memref<128xf32, #tpu.memory_space<vmem>>, vector<16xf32>,
      %sub3A_466 = arith.subf %get3A_460, %get3A_465 : vector<16xf32>
      %get3A_467 = arith.constant 0 : i32
      %get3A_468 = tpu.memref_slice %arg8[%add3A_455, %get3A_467] : memref<104x128xf32, #tpu.memory_space<vmem>> -> memref<1x128xf32, #tpu.memory_space<vmem>>
      %get3A_469 = tpu.memref_squeeze %get3A_468 : memref<1x128xf32, #tpu.memory_space<vmem>> -> memref<128xf32, #tpu.memory_space<vmem>>
      %get3A_470 = arith.index_cast %mul3A_33 : i32 to index
      %get3A_471 = tpu.vector_load %get3A_469[%get3A_470] {strides = array<i32>} : memref<128xf32, #tpu.memory_space<vmem>>, vector<16xf32>,
      %mul3A_472 = arith.mulf %sub3A_466, %get3A_471 : vector<16xf32>
      %add3A_473 = arith.addf %get3A_465, %mul3A_472 : vector<16xf32>
      %add3A_474 = arith.addf %add3A_453, %add3A_473 : vector<16xf32>
      %add3A_475 = arith.constant 84 : i32
      %add3A_476 = arith.addi %add3A_475, %shift_right_arithmetic3A_30 : i32
      %get3A_477 = arith.constant 0 : i32
      %get3A_478 = tpu.memref_slice %arg9[%add3A_476, %get3A_477] : memref<104x128xf32, #tpu.memory_space<vmem>> -> memref<1x128xf32, #tpu.memory_space<vmem>>
      %get3A_479 = tpu.memref_squeeze %get3A_478 : memref<1x128xf32, #tpu.memory_space<vmem>> -> memref<128xf32, #tpu.memory_space<vmem>>
      %get3A_480 = arith.index_cast %mul3A_33 : i32 to index
      %get3A_481 = tpu.vector_load %get3A_479[%get3A_480] {strides = array<i32>} : memref<128xf32, #tpu.memory_space<vmem>>, vector<16xf32>,
      %get3A_482 = arith.constant 0 : i32
      %get3A_483 = tpu.memref_slice %arg10[%add3A_476, %get3A_482] : memref<104x128xf32, #tpu.memory_space<vmem>> -> memref<1x128xf32, #tpu.memory_space<vmem>>
      %get3A_484 = tpu.memref_squeeze %get3A_483 : memref<1x128xf32, #tpu.memory_space<vmem>> -> memref<128xf32, #tpu.memory_space<vmem>>
      %get3A_485 = arith.index_cast %mul3A_33 : i32 to index
      %get3A_486 = tpu.vector_load %get3A_484[%get3A_485] {strides = array<i32>} : memref<128xf32, #tpu.memory_space<vmem>>, vector<16xf32>,
      %sub3A_487 = arith.subf %get3A_481, %get3A_486 : vector<16xf32>
      %get3A_488 = arith.constant 0 : i32
      %get3A_489 = tpu.memref_slice %arg8[%add3A_476, %get3A_488] : memref<104x128xf32, #tpu.memory_space<vmem>> -> memref<1x128xf32, #tpu.memory_space<vmem>>
      %get3A_490 = tpu.memref_squeeze %get3A_489 : memref<1x128xf32, #tpu.memory_space<vmem>> -> memref<128xf32, #tpu.memory_space<vmem>>
      %get3A_491 = arith.index_cast %mul3A_33 : i32 to index
      %get3A_492 = tpu.vector_load %get3A_490[%get3A_491] {strides = array<i32>} : memref<128xf32, #tpu.memory_space<vmem>>, vector<16xf32>,
      %mul3A_493 = arith.mulf %sub3A_487, %get3A_492 : vector<16xf32>
      %add3A_494 = arith.addf %get3A_486, %mul3A_493 : vector<16xf32>
      %add3A_495 = arith.addf %add3A_474, %add3A_494 : vector<16xf32>
      %add3A_496 = arith.constant 88 : i32
      %add3A_497 = arith.addi %add3A_496, %shift_right_arithmetic3A_30 : i32
      %get3A_498 = arith.constant 0 : i32
      %get3A_499 = tpu.memref_slice %arg9[%add3A_497, %get3A_498] : memref<104x128xf32, #tpu.memory_space<vmem>> -> memref<1x128xf32, #tpu.memory_space<vmem>>
      %get3A_500 = tpu.memref_squeeze %get3A_499 : memref<1x128xf32, #tpu.memory_space<vmem>> -> memref<128xf32, #tpu.memory_space<vmem>>
      %get3A_501 = arith.index_cast %mul3A_33 : i32 to index
      %get3A_502 = tpu.vector_load %get3A_500[%get3A_501] {strides = array<i32>} : memref<128xf32, #tpu.memory_space<vmem>>, vector<16xf32>,
      %get3A_503 = arith.constant 0 : i32
      %get3A_504 = tpu.memref_slice %arg10[%add3A_497, %get3A_503] : memref<104x128xf32, #tpu.memory_space<vmem>> -> memref<1x128xf32, #tpu.memory_space<vmem>>
      %get3A_505 = tpu.memref_squeeze %get3A_504 : memref<1x128xf32, #tpu.memory_space<vmem>> -> memref<128xf32, #tpu.memory_space<vmem>>
      %get3A_506 = arith.index_cast %mul3A_33 : i32 to index
      %get3A_507 = tpu.vector_load %get3A_505[%get3A_506] {strides = array<i32>} : memref<128xf32, #tpu.memory_space<vmem>>, vector<16xf32>,
      %sub3A_508 = arith.subf %get3A_502, %get3A_507 : vector<16xf32>
      %get3A_509 = arith.constant 0 : i32
      %get3A_510 = tpu.memref_slice %arg8[%add3A_497, %get3A_509] : memref<104x128xf32, #tpu.memory_space<vmem>> -> memref<1x128xf32, #tpu.memory_space<vmem>>
      %get3A_511 = tpu.memref_squeeze %get3A_510 : memref<1x128xf32, #tpu.memory_space<vmem>> -> memref<128xf32, #tpu.memory_space<vmem>>
      %get3A_512 = arith.index_cast %mul3A_33 : i32 to index
      %get3A_513 = tpu.vector_load %get3A_511[%get3A_512] {strides = array<i32>} : memref<128xf32, #tpu.memory_space<vmem>>, vector<16xf32>,
      %mul3A_514 = arith.mulf %sub3A_508, %get3A_513 : vector<16xf32>
      %add3A_515 = arith.addf %get3A_507, %mul3A_514 : vector<16xf32>
      %add3A_516 = arith.addf %add3A_495, %add3A_515 : vector<16xf32>
      %add3A_517 = arith.constant 92 : i32
      %add3A_518 = arith.addi %add3A_517, %shift_right_arithmetic3A_30 : i32
      %get3A_519 = arith.constant 0 : i32
      %get3A_520 = tpu.memref_slice %arg9[%add3A_518, %get3A_519] : memref<104x128xf32, #tpu.memory_space<vmem>> -> memref<1x128xf32, #tpu.memory_space<vmem>>
      %get3A_521 = tpu.memref_squeeze %get3A_520 : memref<1x128xf32, #tpu.memory_space<vmem>> -> memref<128xf32, #tpu.memory_space<vmem>>
      %get3A_522 = arith.index_cast %mul3A_33 : i32 to index
      %get3A_523 = tpu.vector_load %get3A_521[%get3A_522] {strides = array<i32>} : memref<128xf32, #tpu.memory_space<vmem>>, vector<16xf32>,
      %get3A_524 = arith.constant 0 : i32
      %get3A_525 = tpu.memref_slice %arg10[%add3A_518, %get3A_524] : memref<104x128xf32, #tpu.memory_space<vmem>> -> memref<1x128xf32, #tpu.memory_space<vmem>>
      %get3A_526 = tpu.memref_squeeze %get3A_525 : memref<1x128xf32, #tpu.memory_space<vmem>> -> memref<128xf32, #tpu.memory_space<vmem>>
      %get3A_527 = arith.index_cast %mul3A_33 : i32 to index
      %get3A_528 = tpu.vector_load %get3A_526[%get3A_527] {strides = array<i32>} : memref<128xf32, #tpu.memory_space<vmem>>, vector<16xf32>,
      %sub3A_529 = arith.subf %get3A_523, %get3A_528 : vector<16xf32>
      %get3A_530 = arith.constant 0 : i32
      %get3A_531 = tpu.memref_slice %arg8[%add3A_518, %get3A_530] : memref<104x128xf32, #tpu.memory_space<vmem>> -> memref<1x128xf32, #tpu.memory_space<vmem>>
      %get3A_532 = tpu.memref_squeeze %get3A_531 : memref<1x128xf32, #tpu.memory_space<vmem>> -> memref<128xf32, #tpu.memory_space<vmem>>
      %get3A_533 = arith.index_cast %mul3A_33 : i32 to index
      %get3A_534 = tpu.vector_load %get3A_532[%get3A_533] {strides = array<i32>} : memref<128xf32, #tpu.memory_space<vmem>>, vector<16xf32>,
      %mul3A_535 = arith.mulf %sub3A_529, %get3A_534 : vector<16xf32>
      %add3A_536 = arith.addf %get3A_528, %mul3A_535 : vector<16xf32>
      %add3A_537 = arith.addf %add3A_516, %add3A_536 : vector<16xf32>
      %add3A_538 = arith.constant 96 : i32
      %add3A_539 = arith.addi %add3A_538, %shift_right_arithmetic3A_30 : i32
      %get3A_540 = arith.constant 0 : i32
      %get3A_541 = tpu.memref_slice %arg9[%add3A_539, %get3A_540] : memref<104x128xf32, #tpu.memory_space<vmem>> -> memref<1x128xf32, #tpu.memory_space<vmem>>
      %get3A_542 = tpu.memref_squeeze %get3A_541 : memref<1x128xf32, #tpu.memory_space<vmem>> -> memref<128xf32, #tpu.memory_space<vmem>>
      %get3A_543 = arith.index_cast %mul3A_33 : i32 to index
      %get3A_544 = tpu.vector_load %get3A_542[%get3A_543] {strides = array<i32>} : memref<128xf32, #tpu.memory_space<vmem>>, vector<16xf32>,
      %get3A_545 = arith.constant 0 : i32
      %get3A_546 = tpu.memref_slice %arg10[%add3A_539, %get3A_545] : memref<104x128xf32, #tpu.memory_space<vmem>> -> memref<1x128xf32, #tpu.memory_space<vmem>>
      %get3A_547 = tpu.memref_squeeze %get3A_546 : memref<1x128xf32, #tpu.memory_space<vmem>> -> memref<128xf32, #tpu.memory_space<vmem>>
      %get3A_548 = arith.index_cast %mul3A_33 : i32 to index
      %get3A_549 = tpu.vector_load %get3A_547[%get3A_548] {strides = array<i32>} : memref<128xf32, #tpu.memory_space<vmem>>, vector<16xf32>,
      %sub3A_550 = arith.subf %get3A_544, %get3A_549 : vector<16xf32>
      %get3A_551 = arith.constant 0 : i32
      %get3A_552 = tpu.memref_slice %arg8[%add3A_539, %get3A_551] : memref<104x128xf32, #tpu.memory_space<vmem>> -> memref<1x128xf32, #tpu.memory_space<vmem>>
      %get3A_553 = tpu.memref_squeeze %get3A_552 : memref<1x128xf32, #tpu.memory_space<vmem>> -> memref<128xf32, #tpu.memory_space<vmem>>
      %get3A_554 = arith.index_cast %mul3A_33 : i32 to index
      %get3A_555 = tpu.vector_load %get3A_553[%get3A_554] {strides = array<i32>} : memref<128xf32, #tpu.memory_space<vmem>>, vector<16xf32>,
      %mul3A_556 = arith.mulf %sub3A_550, %get3A_555 : vector<16xf32>
      %add3A_557 = arith.addf %get3A_549, %mul3A_556 : vector<16xf32>
      %add3A_558 = arith.addf %add3A_537, %add3A_557 : vector<16xf32>
      %add3A_559 = arith.constant 100 : i32
      %add3A_560 = arith.addi %add3A_559, %shift_right_arithmetic3A_30 : i32
      %get3A_561 = arith.constant 0 : i32
      %get3A_562 = tpu.memref_slice %arg9[%add3A_560, %get3A_561] : memref<104x128xf32, #tpu.memory_space<vmem>> -> memref<1x128xf32, #tpu.memory_space<vmem>>
      %get3A_563 = tpu.memref_squeeze %get3A_562 : memref<1x128xf32, #tpu.memory_space<vmem>> -> memref<128xf32, #tpu.memory_space<vmem>>
      %get3A_564 = arith.index_cast %mul3A_33 : i32 to index
      %get3A_565 = tpu.vector_load %get3A_563[%get3A_564] {strides = array<i32>} : memref<128xf32, #tpu.memory_space<vmem>>, vector<16xf32>,
      %get3A_566 = arith.constant 0 : i32
      %get3A_567 = tpu.memref_slice %arg10[%add3A_560, %get3A_566] : memref<104x128xf32, #tpu.memory_space<vmem>> -> memref<1x128xf32, #tpu.memory_space<vmem>>
      %get3A_568 = tpu.memref_squeeze %get3A_567 : memref<1x128xf32, #tpu.memory_space<vmem>> -> memref<128xf32, #tpu.memory_space<vmem>>
      %get3A_569 = arith.index_cast %mul3A_33 : i32 to index
      %get3A_570 = tpu.vector_load %get3A_568[%get3A_569] {strides = array<i32>} : memref<128xf32, #tpu.memory_space<vmem>>, vector<16xf32>,
      %sub3A_571 = arith.subf %get3A_565, %get3A_570 : vector<16xf32>
      %get3A_572 = arith.constant 0 : i32
      %get3A_573 = tpu.memref_slice %arg8[%add3A_560, %get3A_572] : memref<104x128xf32, #tpu.memory_space<vmem>> -> memref<1x128xf32, #tpu.memory_space<vmem>>
      %get3A_574 = tpu.memref_squeeze %get3A_573 : memref<1x128xf32, #tpu.memory_space<vmem>> -> memref<128xf32, #tpu.memory_space<vmem>>
      %get3A_575 = arith.index_cast %mul3A_33 : i32 to index
      %get3A_576 = tpu.vector_load %get3A_574[%get3A_575] {strides = array<i32>} : memref<128xf32, #tpu.memory_space<vmem>>, vector<16xf32>,
      %mul3A_577 = arith.mulf %sub3A_571, %get3A_576 : vector<16xf32>
      %add3A_578 = arith.addf %get3A_570, %mul3A_577 : vector<16xf32>
      %add3A_579 = arith.addf %add3A_558, %add3A_578 : vector<16xf32>
      %mul3A_580 = arith.constant 16 : i32
      %mul3A_581 = arith.muli %scan3A_28, %mul3A_580 : i32
      %swap3A = arith.index_cast %mul3A_581 : i32 to index
      %swap3A_582 = tpu.vector_load %arg11[%swap3A] {strides = array<i32>} : memref<512xf32, #tpu.memory_space<vmem>>, vector<16xf32>,
      tpu.vector_store %arg11[%swap3A], %add3A_579 {strides = array<i32>} : memref<512xf32, #tpu.memory_space<vmem>>, vector<16xf32>,
      %scan3A_583 = arith.constant 0 : i32
      scf.yield %scan3A_583 : i32
    }
    %scan3A_25 = arith.constant 32 : i32
    %mul3A_26 = arith.constant 512 : i32
    %mul3A_27 = arith.muli %add3A, %mul3A_26 : i32
    "tpu.region"() ({
      %run_scoped3A = tpu.sem_alloc : memref<!tpu.dma_semaphore, #tpu.memory_space<semaphore_mem>>
      %dma_start3A = tpu.memref_slice %arg5[%mul3A_27] : memref<16384xf32, #tpu.memory_space<hbm>> -> memref<512xf32, #tpu.memory_space<hbm>>
      %dma_start3A_28 = tpu.memref_slice %arg5[%mul3A_27] : memref<16384xf32, #tpu.memory_space<hbm>> -> memref<512xf32, #tpu.memory_space<hbm>>
      tpu.enqueue_dma source(%arg11 : memref<512xf32, #tpu.memory_space<vmem>>) target(%dma_start3A_28 : memref<512xf32, #tpu.memory_space<hbm>>) target_semaphore(%run_scoped3A : memref<!tpu.dma_semaphore, #tpu.memory_space<semaphore_mem>>)
      %dma_wait3A = tpu.memref_slice %arg5[%mul3A_27] : memref<16384xf32, #tpu.memory_space<hbm>> -> memref<512xf32, #tpu.memory_space<hbm>>
      %dma_wait3A_29 = tpu.memref_slice %arg5[%mul3A_27] : memref<16384xf32, #tpu.memory_space<hbm>> -> memref<512xf32, #tpu.memory_space<hbm>>
      tpu.wait_dma2 semaphore(%run_scoped3A : memref<!tpu.dma_semaphore, #tpu.memory_space<semaphore_mem>>) src(%arg11 : memref<512xf32, #tpu.memory_space<vmem>>) dst(%dma_wait3A_29 : memref<512xf32, #tpu.memory_space<hbm>>)
      tpu.yield
    }) : () -> ()
    return
  }
}

</mosaic_0001>

<sc_bundles>
// kernel: _features_linear.4.cloned.1.call-start
scs
__scs_entry_jumppad:
0x0: {  	(pc) =	sbr.rel $0x88, $3  }
0x1: {  	(tag) =	ssettag $0x0;
	lr =	simm.s32 $0x1  }
0x2: {  	[smem:$0x3F9F] =	sst lr;
	_ =	strace $0xD0000000  }
0x3: {  	_ = 	snop  }
0x4: {  	_ = 	snop  }
0x5: {  	_ = 	snop  }
0x6: {  	_ = 	snop  }
0x7: {  	_ = 	snop  }
__scs_overlays_trampoline_lowered:
0x8: {  	[smem:$0x3FAE] =	sst s0  }
0x9: {  	[smem:$0x3FAF] =	sst s1  }
0xa: {  	[smem:$0x3FB0] =	sst s2  }
0xb: {  	[smem:$0x3FB1] =	sst s3  }
0xc: {  	[smem:$0x3FB2] =	sst s4  }
0xd: {  	[smem:$0x3FB3] =	sst s5  }
0xe: {  	[smem:$0x3FB4] =	sst s6  }
0xf: {  	[smem:$0x3FB5] =	sst s7  }
0x10: {  	[smem:$0x3FB6] =	sst s8  }
0x11: {  	[smem:$0x3FB7] =	sst s9;
	s0 =	simm.s32 @!p0 $0x0  }
0x12: {  	s1 =	sld [smem:$0x3F9D];
	s0 =	simm.s32 @p0 $0x1  }
0x13: {  	[smem:$0x3FB8] =	sst s0;
	s0 =	simm.s32 @!p1 $0x0  }
0x14: {  	s2 =	sld [smem:$0x3F9C];
	s0 =	simm.s32 @p1 $0x1  }
0x15: {  	[smem:$0x3FB9] =	sst s0;
	s0 =	simm.s32 @!p2 $0x0  }
0x16: {  	s3 =	sld [smem:$0x3FDB];
	s0 =	simm.s32 @p2 $0x1  }
0x17: {  	s4 =	simm.s32 $0x1BF5;
	[smem:$0x3FBB] =	sst s0  }
0x18: {  	s0 =	sld [smem:$0x3F9E];
	_ =	swait.ge [sflag:s4], $0x0  }
0x19: {  	s7 =	sld [smem:$0x3F9F]  }
0x1a: {  	s8 =	sadd.s32 $0xFFFFE003, lr  }
0x1b: {  	s9 =	sadd.s32 $0xFFFFFEF7, lr;
	s5 =	simm.s32 $0xFFFFFFFF;
	p2 =	slt.u32 s8, $0xFFFFF086  }
0x1c: {  	p1 =	slt.u32 s9, $0xF7A;
	s5 =	simm.s32 @!p2 $0x0  }
0x1d: {  	s5 =	simm.s32 @p1 $0x1;
	p0 =	seq.s32 s7, s2  }
0x1e: {  	s7 =	smul.u32 @!p0 $0xF7A, s2;
	p2 =	seq.s32 @!p0 s5, $0x0  }
0x1f: {  	s9 =	smul.u32 $0xF7A, s1;
	s8 =	simm.s32 @!p0 $0x1BF5;
	p2 =	por !p2, p0  }
0x20: {  	[sflag:s8] =	ssyncset.s32 @!p0 $0xFFFFF086;
	s6 =	sadd.s32 @!p0 s3, s7;
	s7 =	simm.s32 @!p0 $0x108  }
0x21: {  	s3 =	sadd.s32 s3, s9;
	s6 =	sadd.s32 @!p0 $0x88, s6;
	s7 =	simm.s32 @p2 $0x1082  }
0x22: {  	[simem:s7], [sflag:s8] =	dma.local @!p0 [hbm:s6], $0xF7A  }
0x23: {  	s9 =	sor.u32 $0xD0000000, s2;
	s6 =	simm.s32 $0x108;
	_ =	swait.ge @!p0 [sflag:s8], $0x0  }
0x24: {  	s3 =	sadd.s32 $0x88, s3;
	s6 =	simm.s32 @!p1 $0x1082;
	[sflag:s4] =	ssyncset.s32 $0xFFFFF086  }
0x25: {  	[simem:s6], [sflag:s4] =	dma.local [hbm:s3], $0xF7A  }
0x26: {  	[smem:$0x3F9F] =	sst s1;
	(tag) =	ssettag s2;
	_ =	strace s9  }
0x27: {  	s1 =	sld [smem:$0x3FAF]  }
0x28: {  	s2 =	sld [smem:$0x3FB0]  }
0x29: {  	s4 =	sld [smem:$0x3FB2]  }
0x2a: {  	p0 =	seq.s32 s5, $0x0;
	s5 =	sld [smem:$0x3FB3]  }
0x2b: {  	s6 =	sld [smem:$0x3FB4]  }
0x2c: {  	s7 =	sld [smem:$0x3FB5]  }
0x2d: {  	s3 =	simm.s32 $0x108;
	s8 =	sld [smem:$0x3FB6]  }
0x2e: {  	s3 =	simm.s32 @!p0 $0x1082;
	s9 =	sld [smem:$0x3FB7]  }
0x2f: {  	lr =	sadd.s32 s0, s3;
	s0 =	sld [smem:$0x3FAE]  }
0x30: {  	s3 =	sld [smem:$0x3FB1]  }
0x31: {  	[smem:$0x3FBA] =	sst s10  }
0x32: {  	s10 =	sld [smem:$0x3FB8];
	_ =	sdelay $0x3  }
0x33: {  	p0 =	seq.s32 s10, $0x1;
	s10 =	sld [smem:$0x3FBA];
	_ =	sdelay $0x3  }
0x34: {  	[smem:$0x3FBA] =	sst s10  }
0x35: {  	s10 =	sld [smem:$0x3FB9];
	_ =	sdelay $0x3  }
0x36: {  	p1 =	seq.s32 s10, $0x1;
	s10 =	sld [smem:$0x3FBA];
	_ =	sdelay $0x3  }
0x37: {  	[smem:$0x3FBA] =	sst s10  }
0x38: {  	s10 =	sld [smem:$0x3FBB]  }
0x39: {  	_ = 	snop;
	(pc) =	sbr.ind lr, $3  }
0x3a: {  	_ = 	snop  }
0x3b: {  	_ = 	snop  }
0x3c: {  	p2 =	seq.s32 s10, $0x1;
	s10 =	sld [smem:$0x3FBA]  }
0x3d: {  	_ =	shalt  }
0x3e: {  	_ =	shalt  }
0x3f: {  	_ =	shalt  }
0x40: {  	_ =	shalt  }
0x41: {  	_ =	shalt  }
0x42: {  	_ =	shalt  }
0x43: {  	_ =	shalt  }
0x44: {  	_ =	shalt  }
0x45: {  	_ =	shalt  }
0x46: {  	_ =	shalt  }
0x47: {  	_ =	shalt  }
0x48: {  	_ =	shalt  }
0x49: {  	_ =	shalt  }
0x4a: {  	_ =	shalt  }
0x4b: {  	_ =	shalt  }
0x4c: {  	_ =	shalt  }
0x4d: {  	_ =	shalt  }
0x4e: {  	_ =	shalt  }
0x4f: {  	_ =	shalt  }
0x50: {  	_ =	shalt  }
0x51: {  	_ =	shalt  }
0x52: {  	_ =	shalt  }
0x53: {  	_ =	shalt  }
0x54: {  	_ =	shalt  }
0x55: {  	_ =	shalt  }
0x56: {  	_ =	shalt  }
0x57: {  	_ =	shalt  }
0x58: {  	_ =	shalt  }
0x59: {  	_ =	shalt  }
0x5a: {  	_ =	shalt  }
0x5b: {  	_ =	shalt  }
0x5c: {  	_ =	shalt  }
0x5d: {  	_ =	shalt  }
0x5e: {  	_ =	shalt  }
0x5f: {  	_ =	shalt  }
0x60: {  	_ =	shalt  }
0x61: {  	_ =	shalt  }
0x62: {  	_ =	shalt  }
0x63: {  	_ =	shalt  }
0x64: {  	_ =	shalt  }
0x65: {  	_ =	shalt  }
0x66: {  	_ =	shalt  }
0x67: {  	_ =	shalt  }
0x68: {  	_ =	shalt  }
0x69: {  	_ =	shalt  }
0x6a: {  	_ =	shalt  }
0x6b: {  	_ =	shalt  }
0x6c: {  	_ =	shalt  }
0x6d: {  	_ =	shalt  }
0x6e: {  	_ =	shalt  }
0x6f: {  	_ =	shalt  }
0x70: {  	_ =	shalt  }
0x71: {  	_ =	shalt  }
0x72: {  	_ =	shalt  }
0x73: {  	_ =	shalt  }
0x74: {  	_ =	shalt  }
0x75: {  	_ =	shalt  }
0x76: {  	_ =	shalt  }
0x77: {  	_ =	shalt  }
0x78: {  	_ =	shalt  }
0x79: {  	_ =	shalt  }
0x7a: {  	_ =	shalt  }
0x7b: {  	_ =	shalt  }
0x7c: {  	_ =	shalt  }
0x7d: {  	_ =	shalt  }
0x7e: {  	_ =	shalt  }
0x7f: {  	_ =	shalt  }
0x80: {  	_ =	shalt  }
0x81: {  	_ =	shalt  }
0x82: {  	_ =	shalt  }
0x83: {  	_ =	shalt  }
0x84: {  	_ =	shalt  }
0x85: {  	_ =	shalt  }
0x86: {  	_ =	shalt  }
0x87: {  	_ =	shalt  }
.Lfunc_end0:
.L_simem_size_0:
called_computation_lowered:
.L_overlay_start_0:
0x88: {  	s2 =	sld [smem:$0x3FD9]  }
0x89: {  	s3 =	sld [smem:$0x3FFE];
	_ =	sdelay $0x1  }
0x8a: {  	s1 =	srdreg.scid  }
0x8b: {  	s0 =	sand.u32 $0x1, s1  }
0x8c: {  	s17 =	sshll.u32 s0, $0xA;
	s2 =	sadd.s32 s3, s2  }
0x8d: {  	s2 =	sadd.s32 s2, s17  }
0x8e: {  	[smem:$0x3FC6] =	sst s2  }
0x8f: {  	_ = 	snop  }
0x90: {  	s2 =	sld [smem:$0x3FC9];
	(tm) =	ssettm $0x1  }
0x91: {  	s18 =	sld [smem:$0x3FFB];
	_ =	sdelay $0x3  }
0x92: {  	_ =	strace s18  }
0x93: {  	s3 =	sld [smem:$0x3FFC];
	_ =	sdelay $0x3  }
0x94: {  	_ =	strace s3  }
0x95: {  	s3 =	sld [smem:$0x3FFD];
	_ =	sdelay $0x3  }
0x96: {  	_ =	strace s3  }
0x97: {  	_ =	strace $0x8FFFFFFF  }
0x98: {  	s19 =	sld [smem:$0x3FDB];
	_ =	sdelay $0x1  }
0x99: {  	s4 =	simm.s32 $_scs_section_size  }
0x9a: {  	s5 =	simm.s32 $_size__tile_overlayer_lowered;
	s6 =	simm.s32 $_tile_overlayer_lowered  }
0x9b: {  	s22 =	simm.s32 $0x1BFF;
	s21 =	sshll.u32 s6, $0x1;
	s3 =	sadd.s32 s4, s19  }
0x9c: {  	s7 =	simm.s32 $0x0;
	s20 =	sshll.u32 s5, $0x1;
	s5 =	sadd.s32 s21, s3  }
0x9d: {  	[timem:s7], [sflag:s22] =	dma.local [hbm:s5], s20  }
0x9e: {  	_ =	swait.ge [sflag:s22], s20  }
0x9f: {  	s4 =	ssub.s32 $0x0, s20;
	[sflag:s22] =	ssyncset.done $0x0  }
0xa0: {  	[sflag:s22] =	ssyncadd.s32 s4;
	_ =	sdelay $0x1  }
0xa1: {  	s23 =	simm.s32 $0x1B8B  }
0xa2: {  	_ =	swait.ge [sflag:s23], $0x1  }
0xa3: {  	[sflag:s23] =	ssyncset.done $0x0  }
0xa4: {  	s25 =	simm.s32 $0x1B8E;
	s24 =	sld [smem:$0x3FFE];
	[sflag:s23] =	ssyncadd.s32 $0xFFFFFFFF  }
0xa5: {  	s26 =	simm.s32 $execute0_lowered;
	[smem:$0x3FD2] =	sst s25  }
0xa6: {  	s5 =	sshll.u32 s26, $0x1;
	_ =	strace $0x80000046;
	[dreg:$0x1] =	wrdreg $0xFFFFFFFF  }
0xa7: {  	s28 =	simm.s32 $_size_execute0_lowered;
	s3 =	sadd.s32 s3, s5;
	[dreg:$0x0] =	wrdreg $0x0  }
0xa8: {  	s5 =	sshll.u32 s28, $0x1;
	[dreg:$0x2] =	wrdreg s3  }
0xa9: {  	[dreg:$0x3] =	wrdreg s5  }
0xaa: {  	[dreg:$0x4] =	wrdreg $0xC0  }
0xab: {  	_ =	task [dreg:s7], $0x5FFFF  }
0xac: {  	[dreg:$0x1] =	wrdreg $0xFFFFFFFF  }
0xad: {  	[dreg:$0x0] =	wrdreg $0x60  }
0xae: {  	[dreg:$0x2] =	wrdreg s2  }
0xaf: {  	[dreg:$0x3] =	wrdreg s24  }
0xb0: {  	[dreg:$0x4] =	wrdreg $0x9  }
0xb1: {  	_ =	task.clear_ibuf [dreg:s7], $0x5FFFF;
	_ =	strace $0x90000046  }
0xb2: {  	s29 =	simm.s32 $0x9;
	_ =	strace $0x80000048  }
0xb3: {  	_ =	swait.ge [sflag:s29], $0x1  }
0xb4: {  	[sflag:s29] =	ssyncadd.s32 $0xFFFFFFFF  }
0xb5: {  	_ =	strace $0x90000048  }
0xb6: {  	_ =	sfence  }
0xb7: {  	s30 =	sld [smem:$0x0];
	_ =	sdelay $0x2  }
0xb8: {  	s31 =	sshll.u32 s1, $0xD;
	s1 =	sshrl.u32 s1, $0x2  }
0xb9: {  	s3 =	sand.u32 $0x4000, s31;
	s1 =	sadd.s32 s1, s30  }
0xba: {  	s0 =	sor.u32 s3, s0;
	s1 =	sshll.u32 s1, $0x11  }
0xbb: {  	s0 =	sor.u32 s1, s0  }
0xbc: {  	s0 =	sadd.s32 $0x8F2B, s0  }
0xbd: {  	[sflag:s0] =	ssyncadd.remote.s32 $0x1  }
0xbe: {  	_ =	sfence.sel $0xFFFF  }
0xbf: {  	[dreg:$0x0] =	wrdreg $0xFFFFFFFF;
	(pc) =	sbr.abs _section_cstart, $3  }
0xc0: {  	[dreg:$0x1] =	wrdreg $0xFFFFFFFF  }
0xc1: {  	_ =	task.clear_ibuf [dreg:s7], $0x2FFFF;
	_ =	strace $0x9FFFFFFF  }
0xc2: {  	(tm) =	ssettm $0x7FFFFFFF  }
0xc3: {  	_ =	shalt  }
tec
execute0_lowered:
.L_overlay_start_1:
0x0: {  	(tag) =	ssettag $0x1  }
0x1: {  	v0 =	vlaneseq.u32  }
0x2: {  	v1 =	vor.u32 $0x10, v0  }
0x3: {  	v2 =	vor.u32 $0x20, v0;
	v3 =	vor.u32 $0x30, v0;
	v4 =	vor.u32 $0x40, v0  }
0x4: {  	s3 =	rddreg [dreg:$0x0];
	s1 =	srdreg.scid;
	v5 =	vor.u32 $0x50, v0;
	v6 =	vor.u32 $0x60, v0;
	v7 =	vor.u32 $0x70, v0  }
0x5: {  	s0 =	stileid.u32;
	s4 =	rddreg [dreg:$0x1];
	v8 =	vor.u32 $0x400, v0;
	v9 =	vor.u32 $0x410, v0;
	v10 =	vor.u32 $0x420, v0  }
0x6: {  	s2 =	simm.s32 $0x0;
	s8 =	simm.s32 $0x1;
	s9 =	simm.s32 $0x4000;
	v11 =	vor.u32 $0x430, v0;
	v12 =	vor.u32 $0x440, v0;
	v13 =	vor.u32 $0x450, v0  }
0x7: {  	s10 =	simm.s32 $0x0;
	s5 =	sand.u32 $0x1, s1;
	s6 =	sshll.u32 s0, $0x1;
	v14 =	vor.u32 $0x460, v0;
	v15 =	vor.u32 $0x470, v0;
	v16 =	vor.u32 $0x800, v0  }
0x8: {  	s1 =	rddreg [dreg:$0x2];
	v17 =	vor.u32 $0x810, v0;
	v18 =	vor.u32 $0x820, v0;
	v19 =	vor.u32 $0x830, v0;
	s6 =	sor.u32 s5, s6;
	s5 =	ssub.s32 $0x2, s5  }
0x9: {  	[smem:$0x7FF] =	sst s2;
	v20 =	vor.u32 $0x840, v0;
	v21 =	vor.u32 $0x850, v0;
	v22 =	vor.u32 $0x860, v0;
	s7 =	smul.u32 $0x680, s6;
	s31 =	sshrl.u32 s5, $0x1  }
0xa: {  	v23 =	vor.u32 $0x870, v0;
	v24 =	vor.u32 $0xC00, v0;
	v25 =	vor.u32 $0xC10, v0;
	_ =	strace $0x80000047;
	s6 =	sshll.u32 s6, $0x9;
	s5 =	ssub.s32 s5, s31  }
0xb: {  	v26 =	vor.u32 $0xC20, v0;
	v27 =	vor.u32 $0xC30, v0;
	v28 =	vor.u32 $0xC40, v0;
	s3 =	sadd.s32 s3, s6;
	s6 =	simm.s32 $0x1000;
	s4 =	sadd.s32 s7, s4  }
0xc: {  	v29 =	vor.u32 $0xC50, v0;
	v30 =	vor.u32 $0xC60, v0;
	v31 =	vor.u32 $0xC70, v0;
	s5 =	smax.u32 s5, $0x1;
	s7 =	simm.s32 $0x20000;
	s4 =	sadd.s32 $0xA00, s4  }
.LBB2_1:
0xd: {  	v32 =	vmov s2  }
0xe: {  	v33 =	vshll.u32 v32, $0x9;
	v32 =	vshll.u32 v32, $0x7  }
0xf: {  	v33 =	vand.u32 $0x3000, v33;
	v32 =	vand.u32 $0x380, v32  }
0x10: {  	v32 =	vor.u32 v32, v33  }
0x11: {  	v33 =	vor.u32 v0, v32  }
0x12: {  	[tilespmem:s2], [sflag:$0x1] =	stream.strided.gather [hbm4b:s3+s6], $0x4000, s7, s6, $0x38;
	[tilespmem:$0x7400] =	vst v63  }
0x13: {  	_ =	swait.ge [sflag:s8], $0x4000  }
0x14: {  	[sflag:s8] =	ssyncset.done $0x0  }
0x15: {  	[sflag:s8] =	ssyncadd.s32 $0xFFFFC000  }
0x16: {  	v33 =	vld.idx.msk [tilespmem:v33+s2+$0x0], $0xffff;
	_ =	sdelay $0x1  }
0x17: {  	v34 =	vor.u32 v1, v32;
	_ =	sdelay $0x2  }
0x18: {  	s11 =	simm.s32 $0x4100;
	v33 =	vadd.s32 s2, v33  }
0x19: {  	[tilespmem:s11+$0xFFFFFF00] =	vst v33  }
0x1a: {  	v33 =	vld.idx.msk [tilespmem:v34+s2+$0x0], $0xffff;
	_ =	sdelay $0x1  }
0x1b: {  	v63 =	vor.u32 v2, v32;
	_ =	sdelay $0x2  }
0x1c: {  	v33 =	vadd.s32 s2, v33  }
0x1d: {  	[tilespmem:s11+$0xFFFFFF10] =	vst v33  }
0x1e: {  	v33 =	vld.idx.msk [tilespmem:v63+s2+$0x0], $0xffff;
	_ =	sdelay $0x1  }
0x1f: {  	v36 =	vor.u32 v3, v32;
	_ =	sdelay $0x2  }
0x20: {  	v33 =	vadd.s32 s2, v33  }
0x21: {  	[tilespmem:s11+$0xFFFFFF20] =	vst v33  }
0x22: {  	v33 =	vld.idx.msk [tilespmem:v36+s2+$0x0], $0xffff;
	_ =	sdelay $0x1  }
0x23: {  	v37 =	vor.u32 v4, v32;
	_ =	sdelay $0x2  }
0x24: {  	v33 =	vadd.s32 s2, v33  }
0x25: {  	[tilespmem:s11+$0xFFFFFF30] =	vst v33  }
0x26: {  	v33 =	vld.idx.msk [tilespmem:v37+s2+$0x0], $0xffff;
	_ =	sdelay $0x1  }
0x27: {  	v38 =	vor.u32 v5, v32;
	_ =	sdelay $0x2  }
0x28: {  	v33 =	vadd.s32 s2, v33  }
0x29: {  	[tilespmem:s11+$0xFFFFFF40] =	vst v33  }
0x2a: {  	v33 =	vld.idx.msk [tilespmem:v38+s2+$0x0], $0xffff;
	_ =	sdelay $0x1  }
0x2b: {  	v39 =	vor.u32 v6, v32;
	_ =	sdelay $0x2  }
0x2c: {  	v33 =	vadd.s32 s2, v33  }
0x2d: {  	[tilespmem:s11+$0xFFFFFF50] =	vst v33  }
0x2e: {  	v33 =	vld.idx.msk [tilespmem:v39+s2+$0x0], $0xffff;
	_ =	sdelay $0x1  }
0x2f: {  	v40 =	vor.u32 v7, v32;
	_ =	sdelay $0x2  }
0x30: {  	v33 =	vadd.s32 s2, v33  }
0x31: {  	[tilespmem:s11+$0xFFFFFF60] =	vst v33  }
0x32: {  	v33 =	vld.idx.msk [tilespmem:v40+s2+$0x0], $0xffff;
	_ =	sdelay $0x1  }
0x33: {  	v41 =	vor.u32 v8, v32;
	_ =	sdelay $0x2  }
0x34: {  	v33 =	vadd.s32 s2, v33  }
0x35: {  	[tilespmem:s11+$0xFFFFFF70] =	vst v33  }
0x36: {  	v33 =	vld.idx.msk [tilespmem:v41+s2+$0x0], $0xffff;
	_ =	sdelay $0x1  }
0x37: {  	v42 =	vor.u32 v9, v32;
	_ =	sdelay $0x2  }
0x38: {  	v33 =	vadd.s32 s2, v33  }
0x39: {  	[tilespmem:s11+$0xFFFFFF80] =	vst v33  }
0x3a: {  	v33 =	vld.idx.msk [tilespmem:v42+s2+$0x0], $0xffff;
	_ =	sdelay $0x1  }
0x3b: {  	v43 =	vor.u32 v10, v32;
	_ =	sdelay $0x2  }
0x3c: {  	v33 =	vadd.s32 s2, v33  }
0x3d: {  	[tilespmem:s11+$0xFFFFFF90] =	vst v33  }
0x3e: {  	v33 =	vld.idx.msk [tilespmem:v43+s2+$0x0], $0xffff;
	_ =	sdelay $0x1  }
0x3f: {  	v44 =	vor.u32 v11, v32;
	_ =	sdelay $0x2  }
0x40: {  	v33 =	vadd.s32 s2, v33  }
0x41: {  	[tilespmem:s11+$0xFFFFFFA0] =	vst v33  }
0x42: {  	v33 =	vld.idx.msk [tilespmem:v44+s2+$0x0], $0xffff;
	_ =	sdelay $0x1  }
0x43: {  	v45 =	vor.u32 v12, v32;
	_ =	sdelay $0x2  }
0x44: {  	v33 =	vadd.s32 s2, v33  }
0x45: {  	[tilespmem:s11+$0xFFFFFFB0] =	vst v33  }
0x46: {  	v33 =	vld.idx.msk [tilespmem:v45+s2+$0x0], $0xffff;
	_ =	sdelay $0x1  }
0x47: {  	v46 =	vor.u32 v13, v32;
	_ =	sdelay $0x2  }
0x48: {  	v33 =	vadd.s32 s2, v33  }
0x49: {  	[tilespmem:s11+$0xFFFFFFC0] =	vst v33  }
0x4a: {  	v33 =	vld.idx.msk [tilespmem:v46+s2+$0x0], $0xffff;
	_ =	sdelay $0x1  }
0x4b: {  	v47 =	vor.u32 v14, v32;
	_ =	sdelay $0x2  }
0x4c: {  	v33 =	vadd.s32 s2, v33  }
0x4d: {  	[tilespmem:s11+$0xFFFFFFD0] =	vst v33  }
0x4e: {  	v33 =	vld.idx.msk [tilespmem:v47+s2+$0x0], $0xffff;
	_ =	sdelay $0x1  }
0x4f: {  	v48 =	vor.u32 v15, v32;
	_ =	sdelay $0x2  }
0x50: {  	v33 =	vadd.s32 s2, v33  }
0x51: {  	[tilespmem:s11+$0xFFFFFFE0] =	vst v33  }
0x52: {  	v33 =	vld.idx.msk [tilespmem:v48+s2+$0x0], $0xffff;
	_ =	sdelay $0x1  }
0x53: {  	v49 =	vor.u32 v16, v32;
	_ =	sdelay $0x2  }
0x54: {  	v33 =	vadd.s32 s2, v33  }
0x55: {  	[tilespmem:s11+$0xFFFFFFF0] =	vst v33  }
0x56: {  	v33 =	vld.idx.msk [tilespmem:v49+s2+$0x0], $0xffff;
	_ =	sdelay $0x1  }
0x57: {  	v50 =	vor.u32 v17, v32;
	_ =	sdelay $0x2  }
0x58: {  	v33 =	vadd.s32 s2, v33  }
0x59: {  	[tilespmem:s11+$0x0] =	vst v33  }
0x5a: {  	v33 =	vld.idx.msk [tilespmem:v50+s2+$0x0], $0xffff;
	_ =	sdelay $0x1  }
0x5b: {  	v51 =	vor.u32 v18, v32;
	_ =	sdelay $0x2  }
0x5c: {  	v33 =	vadd.s32 s2, v33  }
0x5d: {  	[tilespmem:s11+$0x10] =	vst v33  }
0x5e: {  	v33 =	vld.idx.msk [tilespmem:v51+s2+$0x0], $0xffff;
	_ =	sdelay $0x1  }
0x5f: {  	v52 =	vor.u32 v19, v32;
	_ =	sdelay $0x2  }
0x60: {  	v33 =	vadd.s32 s2, v33  }
0x61: {  	[tilespmem:s11+$0x20] =	vst v33  }
0x62: {  	v33 =	vld.idx.msk [tilespmem:v52+s2+$0x0], $0xffff;
	_ =	sdelay $0x1  }
0x63: {  	v53 =	vor.u32 v20, v32;
	_ =	sdelay $0x2  }
0x64: {  	v33 =	vadd.s32 s2, v33  }
0x65: {  	[tilespmem:s11+$0x30] =	vst v33  }
0x66: {  	v33 =	vld.idx.msk [tilespmem:v53+s2+$0x0], $0xffff;
	_ =	sdelay $0x1  }
0x67: {  	v54 =	vor.u32 v21, v32;
	_ =	sdelay $0x2  }
0x68: {  	v33 =	vadd.s32 s2, v33  }
0x69: {  	[tilespmem:s11+$0x40] =	vst v33  }
0x6a: {  	v33 =	vld.idx.msk [tilespmem:v54+s2+$0x0], $0xffff;
	_ =	sdelay $0x1  }
0x6b: {  	v55 =	vor.u32 v22, v32;
	_ =	sdelay $0x2  }
0x6c: {  	v33 =	vadd.s32 s2, v33  }
0x6d: {  	[tilespmem:s11+$0x50] =	vst v33  }
0x6e: {  	v33 =	vld.idx.msk [tilespmem:v55+s2+$0x0], $0xffff;
	_ =	sdelay $0x1  }
0x6f: {  	v56 =	vor.u32 v23, v32;
	_ =	sdelay $0x2  }
0x70: {  	v33 =	vadd.s32 s2, v33  }
0x71: {  	[tilespmem:s11+$0x60] =	vst v33  }
0x72: {  	v33 =	vld.idx.msk [tilespmem:v56+s2+$0x0], $0xffff;
	_ =	sdelay $0x1  }
0x73: {  	v57 =	vor.u32 v24, v32;
	_ =	sdelay $0x2  }
0x74: {  	v33 =	vadd.s32 s2, v33  }
0x75: {  	[tilespmem:s11+$0x70] =	vst v33  }
0x76: {  	v33 =	vld.idx.msk [tilespmem:v57+s2+$0x0], $0xffff;
	_ =	sdelay $0x1  }
0x77: {  	v58 =	vor.u32 v25, v32;
	_ =	sdelay $0x2  }
0x78: {  	v33 =	vadd.s32 s2, v33  }
0x79: {  	[tilespmem:s11+$0x80] =	vst v33  }
0x7a: {  	v33 =	vld.idx.msk [tilespmem:v58+s2+$0x0], $0xffff;
	_ =	sdelay $0x1  }
0x7b: {  	v59 =	vor.u32 v26, v32;
	_ =	sdelay $0x2  }
0x7c: {  	v33 =	vadd.s32 s2, v33  }
0x7d: {  	[tilespmem:s11+$0x90] =	vst v33  }
0x7e: {  	v33 =	vld.idx.msk [tilespmem:v59+s2+$0x0], $0xffff;
	_ =	sdelay $0x1  }
0x7f: {  	v60 =	vor.u32 v27, v32;
	_ =	sdelay $0x2  }
0x80: {  	v33 =	vadd.s32 s2, v33  }
0x81: {  	[tilespmem:s11+$0xA0] =	vst v33  }
0x82: {  	v33 =	vld.idx.msk [tilespmem:v60+s2+$0x0], $0xffff;
	_ =	sdelay $0x1  }
0x83: {  	v61 =	vor.u32 v28, v32;
	_ =	sdelay $0x2  }
0x84: {  	v33 =	vadd.s32 s2, v33  }
0x85: {  	[tilespmem:s11+$0xB0] =	vst v33  }
0x86: {  	v33 =	vld.idx.msk [tilespmem:v61+s2+$0x0], $0xffff;
	_ =	sdelay $0x1  }
0x87: {  	v62 =	vor.u32 v29, v32;
	_ =	sdelay $0x2  }
0x88: {  	v33 =	vadd.s32 s2, v33  }
0x89: {  	[tilespmem:s11+$0xC0] =	vst v33  }
0x8a: {  	v33 =	vld.idx.msk [tilespmem:v62+s2+$0x0], $0xffff;
	_ =	sdelay $0x1  }
0x8b: {  	v63 =	vor.u32 v30, v32;
	_ =	sdelay $0x2  }
0x8c: {  	v33 =	vadd.s32 s2, v33  }
0x8d: {  	[tilespmem:s11+$0xD0] =	vst v33  }
0x8e: {  	v33 =	vld.idx.msk [tilespmem:v63+s2+$0x0], $0xffff;
	_ =	sdelay $0x1  }
0x8f: {  	v32 =	vor.u32 v31, v32;
	_ =	sdelay $0x2  }
0x90: {  	s12 =	simm.s32 $0x1;
	v34 =	vadd.s32 s2, v33  }
0x91: {  	s13 =	simm.s32 $0x2;
	v33 =	vmov s12;
	s12 =	simm.s32 $0x0;
	[tilespmem:s11+$0xE0] =	vst v34  }
.LBB2_2:
0x92: {  	p0 =	sne.s32 s13, $0x19;
	v34 =	vshll.u32 v33, $0x9;
	v33 =	vshll.u32 v33, $0x7;
	v35 =	vld.idx.msk [tilespmem:v32+s2+$0x0], $0xffff  }
0x93: {  	v32 =	vand.u32 $0x3000, v34;
	v33 =	vand.u32 $0x380, v33  }
0x94: {  	v32 =	vor.u32 v33, v32  }
0x95: {  	v33 =	vor.u32 v0, v32;
	_ =	sdelay $0x2  }
0x96: {  	v34 =	vadd.s32 s12, v35  }
0x97: {  	[tilespmem:s11+$0xF0] =	vst v34  }
0x98: {  	v33 =	vld.idx.msk [tilespmem:v33+s2+$0x0], $0xffff;
	_ =	sdelay $0x2  }
0x99: {  	v34 =	vor.u32 v1, v32;
	_ =	sdelay $0x1  }
0x9a: {  	s12 =	sadd.s32 $0x186A0, s12  }
0x9b: {  	s11 =	sadd.s32 $0x200, s11;
	v33 =	vadd.s32 s12, v33  }
0x9c: {  	[tilespmem:s11+$0xFFFFFF00] =	vst v33  }
0x9d: {  	v33 =	vld.idx.msk [tilespmem:v34+s2+$0x0], $0xffff;
	_ =	sdelay $0x2  }
0x9e: {  	v34 =	vor.u32 v2, v32;
	_ =	sdelay $0x2  }
0x9f: {  	v33 =	vadd.s32 s12, v33  }
0xa0: {  	[tilespmem:s11+$0xFFFFFF10] =	vst v33  }
0xa1: {  	v33 =	vld.idx.msk [tilespmem:v34+s2+$0x0], $0xffff;
	_ =	sdelay $0x2  }
0xa2: {  	v34 =	vor.u32 v3, v32;
	_ =	sdelay $0x2  }
0xa3: {  	v33 =	vadd.s32 s12, v33  }
0xa4: {  	[tilespmem:s11+$0xFFFFFF20] =	vst v33  }
0xa5: {  	v33 =	vld.idx.msk [tilespmem:v34+s2+$0x0], $0xffff;
	_ =	sdelay $0x2  }
0xa6: {  	v34 =	vor.u32 v4, v32;
	_ =	sdelay $0x2  }
0xa7: {  	v33 =	vadd.s32 s12, v33  }
0xa8: {  	[tilespmem:s11+$0xFFFFFF30] =	vst v33  }
0xa9: {  	v33 =	vld.idx.msk [tilespmem:v34+s2+$0x0], $0xffff;
	_ =	sdelay $0x2  }
0xaa: {  	v34 =	vor.u32 v5, v32;
	_ =	sdelay $0x2  }
0xab: {  	v33 =	vadd.s32 s12, v33  }
0xac: {  	[tilespmem:s11+$0xFFFFFF40] =	vst v33  }
0xad: {  	v33 =	vld.idx.msk [tilespmem:v34+s2+$0x0], $0xffff;
	_ =	sdelay $0x2  }
0xae: {  	v34 =	vor.u32 v6, v32;
	_ =	sdelay $0x2  }
0xaf: {  	v33 =	vadd.s32 s12, v33  }
0xb0: {  	[tilespmem:s11+$0xFFFFFF50] =	vst v33  }
0xb1: {  	v33 =	vld.idx.msk [tilespmem:v34+s2+$0x0], $0xffff;
	_ =	sdelay $0x2  }
0xb2: {  	v34 =	vor.u32 v7, v32;
	_ =	sdelay $0x2  }
0xb3: {  	v33 =	vadd.s32 s12, v33  }
0xb4: {  	[tilespmem:s11+$0xFFFFFF60] =	vst v33  }
0xb5: {  	v33 =	vld.idx.msk [tilespmem:v34+s2+$0x0], $0xffff;
	_ =	sdelay $0x2  }
0xb6: {  	v34 =	vor.u32 v8, v32;
	_ =	sdelay $0x2  }
0xb7: {  	v33 =	vadd.s32 s12, v33  }
0xb8: {  	[tilespmem:s11+$0xFFFFFF70] =	vst v33  }
0xb9: {  	v33 =	vld.idx.msk [tilespmem:v34+s2+$0x0], $0xffff;
	_ =	sdelay $0x2  }
0xba: {  	v34 =	vor.u32 v9, v32;
	_ =	sdelay $0x2  }
0xbb: {  	v33 =	vadd.s32 s12, v33  }
0xbc: {  	[tilespmem:s11+$0xFFFFFF80] =	vst v33  }
0xbd: {  	v33 =	vld.idx.msk [tilespmem:v34+s2+$0x0], $0xffff;
	_ =	sdelay $0x2  }
0xbe: {  	v34 =	vor.u32 v10, v32;
	_ =	sdelay $0x2  }
0xbf: {  	v33 =	vadd.s32 s12, v33  }
0xc0: {  	[tilespmem:s11+$0xFFFFFF90] =	vst v33  }
0xc1: {  	v33 =	vld.idx.msk [tilespmem:v34+s2+$0x0], $0xffff;
	_ =	sdelay $0x2  }
0xc2: {  	v34 =	vor.u32 v11, v32;
	_ =	sdelay $0x2  }
0xc3: {  	v33 =	vadd.s32 s12, v33  }
0xc4: {  	[tilespmem:s11+$0xFFFFFFA0] =	vst v33  }
0xc5: {  	v33 =	vld.idx.msk [tilespmem:v34+s2+$0x0], $0xffff;
	_ =	sdelay $0x2  }
0xc6: {  	v34 =	vor.u32 v12, v32;
	_ =	sdelay $0x2  }
0xc7: {  	v33 =	vadd.s32 s12, v33  }
0xc8: {  	[tilespmem:s11+$0xFFFFFFB0] =	vst v33  }
0xc9: {  	v33 =	vld.idx.msk [tilespmem:v34+s2+$0x0], $0xffff;
	_ =	sdelay $0x2  }
0xca: {  	v34 =	vor.u32 v13, v32;
	_ =	sdelay $0x2  }
0xcb: {  	v33 =	vadd.s32 s12, v33  }
0xcc: {  	[tilespmem:s11+$0xFFFFFFC0] =	vst v33  }
0xcd: {  	v33 =	vld.idx.msk [tilespmem:v34+s2+$0x0], $0xffff;
	_ =	sdelay $0x2  }
0xce: {  	v34 =	vor.u32 v14, v32;
	_ =	sdelay $0x2  }
0xcf: {  	v33 =	vadd.s32 s12, v33  }
0xd0: {  	[tilespmem:s11+$0xFFFFFFD0] =	vst v33  }
0xd1: {  	v33 =	vld.idx.msk [tilespmem:v34+s2+$0x0], $0xffff;
	_ =	sdelay $0x2  }
0xd2: {  	v34 =	vor.u32 v15, v32;
	_ =	sdelay $0x2  }
0xd3: {  	v33 =	vadd.s32 s12, v33  }
0xd4: {  	[tilespmem:s11+$0xFFFFFFE0] =	vst v33  }
0xd5: {  	v33 =	vld.idx.msk [tilespmem:v34+s2+$0x0], $0xffff;
	_ =	sdelay $0x2  }
0xd6: {  	v34 =	vor.u32 v16, v32;
	_ =	sdelay $0x2  }
0xd7: {  	v33 =	vadd.s32 s12, v33  }
0xd8: {  	[tilespmem:s11+$0xFFFFFFF0] =	vst v33  }
0xd9: {  	v33 =	vld.idx.msk [tilespmem:v34+s2+$0x0], $0xffff;
	_ =	sdelay $0x2  }
0xda: {  	v34 =	vor.u32 v17, v32;
	_ =	sdelay $0x2  }
0xdb: {  	v33 =	vadd.s32 s12, v33  }
0xdc: {  	[tilespmem:s11+$0x0] =	vst v33  }
0xdd: {  	v33 =	vld.idx.msk [tilespmem:v34+s2+$0x0], $0xffff;
	_ =	sdelay $0x2  }
0xde: {  	v34 =	vor.u32 v18, v32;
	_ =	sdelay $0x2  }
0xdf: {  	v33 =	vadd.s32 s12, v33  }
0xe0: {  	[tilespmem:s11+$0x10] =	vst v33  }
0xe1: {  	v33 =	vld.idx.msk [tilespmem:v34+s2+$0x0], $0xffff;
	_ =	sdelay $0x2  }
0xe2: {  	v34 =	vor.u32 v19, v32;
	_ =	sdelay $0x2  }
0xe3: {  	v33 =	vadd.s32 s12, v33  }
0xe4: {  	[tilespmem:s11+$0x20] =	vst v33  }
0xe5: {  	v33 =	vld.idx.msk [tilespmem:v34+s2+$0x0], $0xffff;
	_ =	sdelay $0x2  }
0xe6: {  	v34 =	vor.u32 v20, v32;
	_ =	sdelay $0x2  }
0xe7: {  	v33 =	vadd.s32 s12, v33  }
0xe8: {  	[tilespmem:s11+$0x30] =	vst v33  }
0xe9: {  	v33 =	vld.idx.msk [tilespmem:v34+s2+$0x0], $0xffff;
	_ =	sdelay $0x2  }
0xea: {  	v34 =	vor.u32 v21, v32;
	_ =	sdelay $0x2  }
0xeb: {  	v33 =	vadd.s32 s12, v33  }
0xec: {  	[tilespmem:s11+$0x40] =	vst v33  }
0xed: {  	v33 =	vld.idx.msk [tilespmem:v34+s2+$0x0], $0xffff;
	_ =	sdelay $0x2  }
0xee: {  	v34 =	vor.u32 v22, v32;
	_ =	sdelay $0x2  }
0xef: {  	v33 =	vadd.s32 s12, v33  }
0xf0: {  	[tilespmem:s11+$0x50] =	vst v33  }
0xf1: {  	v33 =	vld.idx.msk [tilespmem:v34+s2+$0x0], $0xffff;
	_ =	sdelay $0x2  }
0xf2: {  	v34 =	vor.u32 v23, v32;
	_ =	sdelay $0x2  }
0xf3: {  	v33 =	vadd.s32 s12, v33  }
0xf4: {  	[tilespmem:s11+$0x60] =	vst v33  }
0xf5: {  	v33 =	vld.idx.msk [tilespmem:v34+s2+$0x0], $0xffff;
	_ =	sdelay $0x2  }
0xf6: {  	v34 =	vor.u32 v24, v32;
	_ =	sdelay $0x2  }
0xf7: {  	v33 =	vadd.s32 s12, v33  }
0xf8: {  	[tilespmem:s11+$0x70] =	vst v33  }
0xf9: {  	v33 =	vld.idx.msk [tilespmem:v34+s2+$0x0], $0xffff;
	_ =	sdelay $0x2  }
0xfa: {  	v34 =	vor.u32 v25, v32;
	_ =	sdelay $0x2  }
0xfb: {  	v33 =	vadd.s32 s12, v33  }
0xfc: {  	[tilespmem:s11+$0x80] =	vst v33  }
0xfd: {  	v33 =	vld.idx.msk [tilespmem:v34+s2+$0x0], $0xffff;
	_ =	sdelay $0x2  }
0xfe: {  	v34 =	vor.u32 v26, v32;
	_ =	sdelay $0x2  }
0xff: {  	v33 =	vadd.s32 s12, v33  }
0x100: {  	[tilespmem:s11+$0x90] =	vst v33  }
0x101: {  	v33 =	vld.idx.msk [tilespmem:v34+s2+$0x0], $0xffff;
	_ =	sdelay $0x2  }
0x102: {  	v34 =	vor.u32 v27, v32;
	_ =	sdelay $0x2  }
0x103: {  	v33 =	vadd.s32 s12, v33  }
0x104: {  	[tilespmem:s11+$0xA0] =	vst v33  }
0x105: {  	v33 =	vld.idx.msk [tilespmem:v34+s2+$0x0], $0xffff;
	_ =	sdelay $0x2  }
0x106: {  	v34 =	vor.u32 v28, v32;
	_ =	sdelay $0x2  }
0x107: {  	v33 =	vadd.s32 s12, v33  }
0x108: {  	[tilespmem:s11+$0xB0] =	vst v33  }
0x109: {  	v33 =	vld.idx.msk [tilespmem:v34+s2+$0x0], $0xffff;
	_ =	sdelay $0x2  }
0x10a: {  	v34 =	vor.u32 v29, v32;
	_ =	sdelay $0x2  }
0x10b: {  	v33 =	vadd.s32 s12, v33  }
0x10c: {  	[tilespmem:s11+$0xC0] =	vst v33  }
0x10d: {  	v33 =	vld.idx.msk [tilespmem:v34+s2+$0x0], $0xffff;
	_ =	sdelay $0x2  }
0x10e: {  	v34 =	vor.u32 v30, v32;
	_ =	sdelay $0x2  }
0x10f: {  	v33 =	vadd.s32 s12, v33  }
0x110: {  	[tilespmem:s11+$0xD0] =	vst v33  }
0x111: {  	v33 =	vld.idx.msk [tilespmem:v34+s2+$0x0], $0xffff;
	_ =	sdelay $0x2  }
.Ltmp0:
0x112: {  	v32 =	vor.u32 v31, v32;
	(pc) =	sbr.rel @p0 .LBB2_2-.Ltmp0, $3  }
0x113: {  	_ =	sdelay $0x1  }
0x114: {  	v34 =	vadd.s32 s12, v33  }
0x115: {  	v33 =	vmov s13;
	s13 =	sadd.s32 $0x1, s13;
	[tilespmem:s11+$0xE0] =	vst v34  }
0x116: {  	_ =	sdelay $0x2  }
0x117: {  	v34 =	vshll.u32 v33, $0x9;
	v61 =	vshll.u32 v33, $0x7  }
0x118: {  	v32 =	vld.idx.msk [tilespmem:v32+s2+$0x0], $0xffff;
	v34 =	vand.u32 $0x3000, v34;
	v33 =	vand.u32 $0x380, v61  }
0x119: {  	v33 =	vor.u32 v33, v34  }
0x11a: {  	v34 =	vor.u32 v0, v33;
	_ =	sdelay $0x2  }
0x11b: {  	v32 =	vadd.s32 s12, v32  }
0x11c: {  	[tilespmem:s11+$0xF0] =	vst v32  }
0x11d: {  	v32 =	vld.idx.msk [tilespmem:v34+s2+$0x0], $0xffff;
	_ =	sdelay $0x1  }
0x11e: {  	v62 =	vor.u32 v1, v33;
	_ =	sdelay $0x1  }
0x11f: {  	s30 =	sadd.s32 $0x186A0, s12  }
0x120: {  	s31 =	sadd.s32 $0x200, s11;
	v32 =	vadd.s32 s30, v32  }
0x121: {  	[tilespmem:s31+$0xFFFFFF00] =	vst v32  }
0x122: {  	v32 =	vld.idx.msk [tilespmem:v62+s2+$0x0], $0xffff;
	_ =	sdelay $0x1  }
0x123: {  	v63 =	vor.u32 v2, v33;
	_ =	sdelay $0x2  }
0x124: {  	v32 =	vadd.s32 s30, v32  }
0x125: {  	[tilespmem:s31+$0xFFFFFF10] =	vst v32  }
0x126: {  	v32 =	vld.idx.msk [tilespmem:v63+s2+$0x0], $0xffff;
	_ =	sdelay $0x1  }
0x127: {  	v36 =	vor.u32 v3, v33;
	_ =	sdelay $0x2  }
0x128: {  	v32 =	vadd.s32 s30, v32  }
0x129: {  	[tilespmem:s31+$0xFFFFFF20] =	vst v32  }
0x12a: {  	v32 =	vld.idx.msk [tilespmem:v36+s2+$0x0], $0xffff;
	_ =	sdelay $0x1  }
0x12b: {  	v37 =	vor.u32 v4, v33;
	_ =	sdelay $0x2  }
0x12c: {  	v32 =	vadd.s32 s30, v32  }
0x12d: {  	[tilespmem:s31+$0xFFFFFF30] =	vst v32  }
0x12e: {  	v32 =	vld.idx.msk [tilespmem:v37+s2+$0x0], $0xffff;
	_ =	sdelay $0x1  }
0x12f: {  	v38 =	vor.u32 v5, v33;
	_ =	sdelay $0x2  }
0x130: {  	v32 =	vadd.s32 s30, v32  }
0x131: {  	[tilespmem:s31+$0xFFFFFF40] =	vst v32  }
0x132: {  	v32 =	vld.idx.msk [tilespmem:v38+s2+$0x0], $0xffff;
	_ =	sdelay $0x1  }
0x133: {  	v39 =	vor.u32 v6, v33;
	_ =	sdelay $0x2  }
0x134: {  	v32 =	vadd.s32 s30, v32  }
0x135: {  	[tilespmem:s31+$0xFFFFFF50] =	vst v32  }
0x136: {  	v32 =	vld.idx.msk [tilespmem:v39+s2+$0x0], $0xffff;
	_ =	sdelay $0x1  }
0x137: {  	v40 =	vor.u32 v7, v33;
	_ =	sdelay $0x2  }
0x138: {  	v32 =	vadd.s32 s30, v32  }
0x139: {  	[tilespmem:s31+$0xFFFFFF60] =	vst v32  }
0x13a: {  	v32 =	vld.idx.msk [tilespmem:v40+s2+$0x0], $0xffff;
	_ =	sdelay $0x1  }
0x13b: {  	v41 =	vor.u32 v8, v33;
	_ =	sdelay $0x2  }
0x13c: {  	v32 =	vadd.s32 s30, v32  }
0x13d: {  	[tilespmem:s31+$0xFFFFFF70] =	vst v32  }
0x13e: {  	v32 =	vld.idx.msk [tilespmem:v41+s2+$0x0], $0xffff;
	_ =	sdelay $0x1  }
0x13f: {  	v42 =	vor.u32 v9, v33;
	_ =	sdelay $0x2  }
0x140: {  	v32 =	vadd.s32 s30, v32  }
0x141: {  	[tilespmem:s31+$0xFFFFFF80] =	vst v32  }
0x142: {  	v32 =	vld.idx.msk [tilespmem:v42+s2+$0x0], $0xffff;
	_ =	sdelay $0x1  }
0x143: {  	v43 =	vor.u32 v10, v33;
	_ =	sdelay $0x2  }
0x144: {  	v32 =	vadd.s32 s30, v32  }
0x145: {  	[tilespmem:s31+$0xFFFFFF90] =	vst v32  }
0x146: {  	v32 =	vld.idx.msk [tilespmem:v43+s2+$0x0], $0xffff;
	_ =	sdelay $0x1  }
0x147: {  	v44 =	vor.u32 v11, v33;
	_ =	sdelay $0x2  }
0x148: {  	v32 =	vadd.s32 s30, v32  }
0x149: {  	[tilespmem:s31+$0xFFFFFFA0] =	vst v32  }
0x14a: {  	v32 =	vld.idx.msk [tilespmem:v44+s2+$0x0], $0xffff;
	_ =	sdelay $0x1  }
0x14b: {  	v45 =	vor.u32 v12, v33;
	_ =	sdelay $0x2  }
0x14c: {  	v32 =	vadd.s32 s30, v32  }
0x14d: {  	[tilespmem:s31+$0xFFFFFFB0] =	vst v32  }
0x14e: {  	v32 =	vld.idx.msk [tilespmem:v45+s2+$0x0], $0xffff;
	_ =	sdelay $0x1  }
0x14f: {  	v46 =	vor.u32 v13, v33;
	_ =	sdelay $0x2  }
0x150: {  	v32 =	vadd.s32 s30, v32  }
0x151: {  	[tilespmem:s31+$0xFFFFFFC0] =	vst v32  }
0x152: {  	v32 =	vld.idx.msk [tilespmem:v46+s2+$0x0], $0xffff;
	_ =	sdelay $0x1  }
0x153: {  	v47 =	vor.u32 v14, v33;
	_ =	sdelay $0x2  }
0x154: {  	v32 =	vadd.s32 s30, v32  }
0x155: {  	[tilespmem:s31+$0xFFFFFFD0] =	vst v32  }
0x156: {  	v32 =	vld.idx.msk [tilespmem:v47+s2+$0x0], $0xffff;
	_ =	sdelay $0x1  }
0x157: {  	v48 =	vor.u32 v15, v33;
	_ =	sdelay $0x2  }
0x158: {  	v32 =	vadd.s32 s30, v32  }
0x159: {  	[tilespmem:s31+$0xFFFFFFE0] =	vst v32  }
0x15a: {  	v32 =	vld.idx.msk [tilespmem:v48+s2+$0x0], $0xffff;
	_ =	sdelay $0x1  }
0x15b: {  	v49 =	vor.u32 v16, v33;
	_ =	sdelay $0x2  }
0x15c: {  	v32 =	vadd.s32 s30, v32  }
0x15d: {  	[tilespmem:s31+$0xFFFFFFF0] =	vst v32  }
0x15e: {  	v32 =	vld.idx.msk [tilespmem:v49+s2+$0x0], $0xffff;
	_ =	sdelay $0x1  }
0x15f: {  	v50 =	vor.u32 v17, v33;
	_ =	sdelay $0x2  }
0x160: {  	v32 =	vadd.s32 s30, v32  }
0x161: {  	[tilespmem:s31+$0x0] =	vst v32  }
0x162: {  	v32 =	vld.idx.msk [tilespmem:v50+s2+$0x0], $0xffff;
	_ =	sdelay $0x1  }
0x163: {  	v51 =	vor.u32 v18, v33;
	_ =	sdelay $0x2  }
0x164: {  	v32 =	vadd.s32 s30, v32  }
0x165: {  	[tilespmem:s31+$0x10] =	vst v32  }
0x166: {  	v32 =	vld.idx.msk [tilespmem:v51+s2+$0x0], $0xffff;
	_ =	sdelay $0x1  }
0x167: {  	v52 =	vor.u32 v19, v33;
	_ =	sdelay $0x2  }
0x168: {  	v32 =	vadd.s32 s30, v32  }
0x169: {  	[tilespmem:s31+$0x20] =	vst v32  }
0x16a: {  	v32 =	vld.idx.msk [tilespmem:v52+s2+$0x0], $0xffff;
	_ =	sdelay $0x1  }
0x16b: {  	v53 =	vor.u32 v20, v33;
	_ =	sdelay $0x2  }
0x16c: {  	v32 =	vadd.s32 s30, v32  }
0x16d: {  	[tilespmem:s31+$0x30] =	vst v32  }
0x16e: {  	v32 =	vld.idx.msk [tilespmem:v53+s2+$0x0], $0xffff;
	_ =	sdelay $0x1  }
0x16f: {  	v54 =	vor.u32 v21, v33;
	_ =	sdelay $0x2  }
0x170: {  	v32 =	vadd.s32 s30, v32  }
0x171: {  	[tilespmem:s31+$0x40] =	vst v32  }
0x172: {  	v32 =	vld.idx.msk [tilespmem:v54+s2+$0x0], $0xffff;
	_ =	sdelay $0x1  }
0x173: {  	v55 =	vor.u32 v22, v33;
	_ =	sdelay $0x2  }
0x174: {  	v32 =	vadd.s32 s30, v32  }
0x175: {  	[tilespmem:s31+$0x50] =	vst v32  }
0x176: {  	v32 =	vld.idx.msk [tilespmem:v55+s2+$0x0], $0xffff;
	_ =	sdelay $0x1  }
0x177: {  	v56 =	vor.u32 v23, v33;
	_ =	sdelay $0x2  }
0x178: {  	v32 =	vadd.s32 s30, v32  }
0x179: {  	[tilespmem:s31+$0x60] =	vst v32  }
0x17a: {  	v32 =	vld.idx.msk [tilespmem:v56+s2+$0x0], $0xffff;
	_ =	sdelay $0x1  }
0x17b: {  	v57 =	vor.u32 v24, v33;
	_ =	sdelay $0x2  }
0x17c: {  	v32 =	vadd.s32 s30, v32  }
0x17d: {  	[tilespmem:s31+$0x70] =	vst v32  }
0x17e: {  	v32 =	vld.idx.msk [tilespmem:v57+s2+$0x0], $0xffff;
	_ =	sdelay $0x1  }
0x17f: {  	v58 =	vor.u32 v25, v33;
	_ =	sdelay $0x2  }
0x180: {  	v32 =	vadd.s32 s30, v32  }
0x181: {  	[tilespmem:s31+$0x80] =	vst v32  }
0x182: {  	v32 =	vld.idx.msk [tilespmem:v58+s2+$0x0], $0xffff;
	_ =	sdelay $0x1  }
0x183: {  	v59 =	vor.u32 v26, v33;
	_ =	sdelay $0x2  }
0x184: {  	v32 =	vadd.s32 s30, v32  }
0x185: {  	[tilespmem:s31+$0x90] =	vst v32  }
0x186: {  	v32 =	vld.idx.msk [tilespmem:v59+s2+$0x0], $0xffff;
	_ =	sdelay $0x1  }
0x187: {  	v60 =	vor.u32 v27, v33;
	_ =	sdelay $0x2  }
0x188: {  	v32 =	vadd.s32 s30, v32  }
0x189: {  	[tilespmem:s31+$0xA0] =	vst v32  }
0x18a: {  	v32 =	vld.idx.msk [tilespmem:v60+s2+$0x0], $0xffff;
	_ =	sdelay $0x1  }
0x18b: {  	v61 =	vor.u32 v28, v33;
	_ =	sdelay $0x2  }
0x18c: {  	v32 =	vadd.s32 s30, v32  }
0x18d: {  	[tilespmem:s31+$0xB0] =	vst v32  }
0x18e: {  	v32 =	vld.idx.msk [tilespmem:v61+s2+$0x0], $0xffff;
	_ =	sdelay $0x1  }
0x18f: {  	v62 =	vor.u32 v29, v33;
	_ =	sdelay $0x2  }
0x190: {  	v32 =	vadd.s32 s30, v32  }
0x191: {  	[tilespmem:s31+$0xC0] =	vst v32  }
0x192: {  	v32 =	vld.idx.msk [tilespmem:v62+s2+$0x0], $0xffff;
	_ =	sdelay $0x1  }
0x193: {  	v63 =	vor.u32 v30, v33;
	_ =	sdelay $0x2  }
0x194: {  	v32 =	vadd.s32 s30, v32  }
0x195: {  	[tilespmem:s31+$0xD0] =	vst v32  }
0x196: {  	v32 =	vld.idx.msk [tilespmem:v63+s2+$0x0], $0xffff;
	_ =	sdelay $0x1  }
0x197: {  	v33 =	vor.u32 v31, v33;
	_ =	sdelay $0x2  }
0x198: {  	v32 =	vadd.s32 s30, v32  }
0x199: {  	[tilespmem:s31+$0xE0] =	vst v32  }
0x19a: {  	v32 =	vld.idx.msk [tilespmem:v33+s2+$0x0], $0xffff;
	_ =	sdelay $0x3  }
0x19b: {  	s10 =	sadd.s32 $0x1, s10  }
0x19c: {  	p0 =	sne.s32 s10, s5;
	v32 =	vadd.s32 s30, v32  }
.Ltmp1:
0x19d: {  	[tilespmem:s31+$0xF0] =	vst v32;
	(pc) =	sbr.rel @p0 .LBB2_1-.Ltmp1, $4  }
0x19e: {  	[hbm4b:s4+s2] =	stream.linear.scatter [tilespmem:s9], [sflag:$0x1], $0x3400, $0x38;
	[tilespmem:$0x7400] =	vst v63  }
0x19f: {  	_ =	swait.ge [sflag:s8], $0x3400  }
0x1a0: {  	[sflag:s8] =	ssyncset.done $0x0  }
0x1a1: {  	[sflag:s8] =	ssyncadd.s32 $0xFFFFCC00  }
0x1a2: {  	_ =	sfence.sel $0x180000  }
0x1a3: {  	[bflag:$0x0] =	sbarrier.arrive $0xFFFF  }
0x1a4: {  	p0 =	sne.s32 s0, $0x0;
	_ =	strace $0x90000047  }
0x1a5: {  	s0 =	sadd.s32 @!p0 $0x100000, s1;
	[bflag:$0x2] =	sbarrier.arrive $0xFFFF  }
0x1a6: {  	[sflag:s0] =	ssyncadd.tile.s32 @!p0 $0x1;
	_ =	shalt  }
.Lfunc_end2:
_tile_overlayer_lowered:
.L_overlay_start_2:
0x1a7: {  	(tag) =	ssettag $0x2  }
0x1a8: {  	s0 =	rddreg [dreg:$0x0];
	s2 =	stileid.u32  }
0x1a9: {  	s1 =	rddreg [dreg:$0x1];
	p0 =	sne.s32 s2, $0x0  }
0x1aa: {  	s3 =	rddreg [dreg:$0x2];
	[bflag:$0x3] =	sbarrier.arrive $0xFFFF;
	s2 =	simm.s32 @!p0 $0x1C01  }
0x1ab: {  	[timem:s3], [sflag:s2] =	dma.local @!p0 [hbm:s0], s1  }
0x1ac: {  	s0 =	simm.s32 @!p0 $0x1  }
0x1ad: {  	_ =	swait.ge @!p0 [sflag:s0], s1  }
0x1ae: {  	s1 =	ssub.s32 @!p0 $0x0, s1;
	[sflag:s0] =	ssyncset.done @!p0 $0x0  }
0x1af: {  	[sflag:s0] =	ssyncadd.s32 @!p0 s1  }
0x1b0: {  	[bflag:$0x3] =	sbarrier.arrive $0xFFFF  }
0x1b1: {  	_ =	shalt  }

// kernel: _features_linear.7.cloned.1.call-start
scs
__scs_entry_jumppad:
0x0: {  	(pc) =	sbr.rel $0x88, $3  }
0x1: {  	(tag) =	ssettag $0x0;
	lr =	simm.s32 $0x1  }
0x2: {  	[smem:$0x3F9F] =	sst lr;
	_ =	strace $0xD0000000  }
0x3: {  	_ = 	snop  }
0x4: {  	_ = 	snop  }
0x5: {  	_ = 	snop  }
0x6: {  	_ = 	snop  }
0x7: {  	_ = 	snop  }
__scs_overlays_trampoline_lowered:
0x8: {  	[smem:$0x3FAE] =	sst s0  }
0x9: {  	[smem:$0x3FAF] =	sst s1  }
0xa: {  	[smem:$0x3FB0] =	sst s2  }
0xb: {  	[smem:$0x3FB1] =	sst s3  }
0xc: {  	[smem:$0x3FB2] =	sst s4  }
0xd: {  	[smem:$0x3FB3] =	sst s5  }
0xe: {  	[smem:$0x3FB4] =	sst s6  }
0xf: {  	[smem:$0x3FB5] =	sst s7  }
0x10: {  	[smem:$0x3FB6] =	sst s8  }
0x11: {  	[smem:$0x3FB7] =	sst s9;
	s0 =	simm.s32 @!p0 $0x0  }
0x12: {  	s1 =	sld [smem:$0x3F9D];
	s0 =	simm.s32 @p0 $0x1  }
0x13: {  	[smem:$0x3FB8] =	sst s0;
	s0 =	simm.s32 @!p1 $0x0  }
0x14: {  	s2 =	sld [smem:$0x3F9C];
	s0 =	simm.s32 @p1 $0x1  }
0x15: {  	[smem:$0x3FB9] =	sst s0;
	s0 =	simm.s32 @!p2 $0x0  }
0x16: {  	s3 =	sld [smem:$0x3FDB];
	s0 =	simm.s32 @p2 $0x1  }
0x17: {  	s4 =	simm.s32 $0x1BF5;
	[smem:$0x3FBB] =	sst s0  }
0x18: {  	s0 =	sld [smem:$0x3F9E];
	_ =	swait.ge [sflag:s4], $0x0  }
0x19: {  	s7 =	sld [smem:$0x3F9F]  }
0x1a: {  	s8 =	sadd.s32 $0xFFFFE003, lr  }
0x1b: {  	s9 =	sadd.s32 $0xFFFFFEF7, lr;
	s5 =	simm.s32 $0xFFFFFFFF;
	p2 =	slt.u32 s8, $0xFFFFF086  }
0x1c: {  	p1 =	slt.u32 s9, $0xF7A;
	s5 =	simm.s32 @!p2 $0x0  }
0x1d: {  	s5 =	simm.s32 @p1 $0x1;
	p0 =	seq.s32 s7, s2  }
0x1e: {  	s7 =	smul.u32 @!p0 $0xF7A, s2;
	p2 =	seq.s32 @!p0 s5, $0x0  }
0x1f: {  	s9 =	smul.u32 $0xF7A, s1;
	s8 =	simm.s32 @!p0 $0x1BF5;
	p2 =	por !p2, p0  }
0x20: {  	[sflag:s8] =	ssyncset.s32 @!p0 $0xFFFFF086;
	s6 =	sadd.s32 @!p0 s3, s7;
	s7 =	simm.s32 @!p0 $0x108  }
0x21: {  	s3 =	sadd.s32 s3, s9;
	s6 =	sadd.s32 @!p0 $0x88, s6;
	s7 =	simm.s32 @p2 $0x1082  }
0x22: {  	[simem:s7], [sflag:s8] =	dma.local @!p0 [hbm:s6], $0xF7A  }
0x23: {  	s9 =	sor.u32 $0xD0000000, s2;
	s6 =	simm.s32 $0x108;
	_ =	swait.ge @!p0 [sflag:s8], $0x0  }
0x24: {  	s3 =	sadd.s32 $0x88, s3;
	s6 =	simm.s32 @!p1 $0x1082;
	[sflag:s4] =	ssyncset.s32 $0xFFFFF086  }
0x25: {  	[simem:s6], [sflag:s4] =	dma.local [hbm:s3], $0xF7A  }
0x26: {  	[smem:$0x3F9F] =	sst s1;
	(tag) =	ssettag s2;
	_ =	strace s9  }
0x27: {  	s1 =	sld [smem:$0x3FAF]  }
0x28: {  	s2 =	sld [smem:$0x3FB0]  }
0x29: {  	s4 =	sld [smem:$0x3FB2]  }
0x2a: {  	p0 =	seq.s32 s5, $0x0;
	s5 =	sld [smem:$0x3FB3]  }
0x2b: {  	s6 =	sld [smem:$0x3FB4]  }
0x2c: {  	s7 =	sld [smem:$0x3FB5]  }
0x2d: {  	s3 =	simm.s32 $0x108;
	s8 =	sld [smem:$0x3FB6]  }
0x2e: {  	s3 =	simm.s32 @!p0 $0x1082;
	s9 =	sld [smem:$0x3FB7]  }
0x2f: {  	lr =	sadd.s32 s0, s3;
	s0 =	sld [smem:$0x3FAE]  }
0x30: {  	s3 =	sld [smem:$0x3FB1]  }
0x31: {  	[smem:$0x3FBA] =	sst s10  }
0x32: {  	s10 =	sld [smem:$0x3FB8];
	_ =	sdelay $0x3  }
0x33: {  	p0 =	seq.s32 s10, $0x1;
	s10 =	sld [smem:$0x3FBA];
	_ =	sdelay $0x3  }
0x34: {  	[smem:$0x3FBA] =	sst s10  }
0x35: {  	s10 =	sld [smem:$0x3FB9];
	_ =	sdelay $0x3  }
0x36: {  	p1 =	seq.s32 s10, $0x1;
	s10 =	sld [smem:$0x3FBA];
	_ =	sdelay $0x3  }
0x37: {  	[smem:$0x3FBA] =	sst s10  }
0x38: {  	s10 =	sld [smem:$0x3FBB]  }
0x39: {  	_ = 	snop;
	(pc) =	sbr.ind lr, $3  }
0x3a: {  	_ = 	snop  }
0x3b: {  	_ = 	snop  }
0x3c: {  	p2 =	seq.s32 s10, $0x1;
	s10 =	sld [smem:$0x3FBA]  }
0x3d: {  	_ =	shalt  }
0x3e: {  	_ =	shalt  }
0x3f: {  	_ =	shalt  }
0x40: {  	_ =	shalt  }
0x41: {  	_ =	shalt  }
0x42: {  	_ =	shalt  }
0x43: {  	_ =	shalt  }
0x44: {  	_ =	shalt  }
0x45: {  	_ =	shalt  }
0x46: {  	_ =	shalt  }
0x47: {  	_ =	shalt  }
0x48: {  	_ =	shalt  }
0x49: {  	_ =	shalt  }
0x4a: {  	_ =	shalt  }
0x4b: {  	_ =	shalt  }
0x4c: {  	_ =	shalt  }
0x4d: {  	_ =	shalt  }
0x4e: {  	_ =	shalt  }
0x4f: {  	_ =	shalt  }
0x50: {  	_ =	shalt  }
0x51: {  	_ =	shalt  }
0x52: {  	_ =	shalt  }
0x53: {  	_ =	shalt  }
0x54: {  	_ =	shalt  }
0x55: {  	_ =	shalt  }
0x56: {  	_ =	shalt  }
0x57: {  	_ =	shalt  }
0x58: {  	_ =	shalt  }
0x59: {  	_ =	shalt  }
0x5a: {  	_ =	shalt  }
0x5b: {  	_ =	shalt  }
0x5c: {  	_ =	shalt  }
0x5d: {  	_ =	shalt  }
0x5e: {  	_ =	shalt  }
0x5f: {  	_ =	shalt  }
0x60: {  	_ =	shalt  }
0x61: {  	_ =	shalt  }
0x62: {  	_ =	shalt  }
0x63: {  	_ =	shalt  }
0x64: {  	_ =	shalt  }
0x65: {  	_ =	shalt  }
0x66: {  	_ =	shalt  }
0x67: {  	_ =	shalt  }
0x68: {  	_ =	shalt  }
0x69: {  	_ =	shalt  }
0x6a: {  	_ =	shalt  }
0x6b: {  	_ =	shalt  }
0x6c: {  	_ =	shalt  }
0x6d: {  	_ =	shalt  }
0x6e: {  	_ =	shalt  }
0x6f: {  	_ =	shalt  }
0x70: {  	_ =	shalt  }
0x71: {  	_ =	shalt  }
0x72: {  	_ =	shalt  }
0x73: {  	_ =	shalt  }
0x74: {  	_ =	shalt  }
0x75: {  	_ =	shalt  }
0x76: {  	_ =	shalt  }
0x77: {  	_ =	shalt  }
0x78: {  	_ =	shalt  }
0x79: {  	_ =	shalt  }
0x7a: {  	_ =	shalt  }
0x7b: {  	_ =	shalt  }
0x7c: {  	_ =	shalt  }
0x7d: {  	_ =	shalt  }
0x7e: {  	_ =	shalt  }
0x7f: {  	_ =	shalt  }
0x80: {  	_ =	shalt  }
0x81: {  	_ =	shalt  }
0x82: {  	_ =	shalt  }
0x83: {  	_ =	shalt  }
0x84: {  	_ =	shalt  }
0x85: {  	_ =	shalt  }
0x86: {  	_ =	shalt  }
0x87: {  	_ =	shalt  }
.Lfunc_end0:
.L_simem_size_0:
called_computation.1_lowered:
.L_overlay_start_0:
0x88: {  	s2 =	sld [smem:$0x3FD9]  }
0x89: {  	s3 =	sld [smem:$0x3FFE];
	_ =	sdelay $0x1  }
0x8a: {  	s1 =	srdreg.scid  }
0x8b: {  	s0 =	sand.u32 $0x1, s1  }
0x8c: {  	s17 =	sshll.u32 s0, $0xA;
	s2 =	sadd.s32 s3, s2  }
0x8d: {  	s2 =	sadd.s32 s2, s17  }
0x8e: {  	[smem:$0x3FC6] =	sst s2  }
0x8f: {  	_ = 	snop  }
0x90: {  	s2 =	sld [smem:$0x3FD0];
	(tm) =	ssettm $0x1  }
0x91: {  	s18 =	sld [smem:$0x3FFB];
	_ =	sdelay $0x3  }
0x92: {  	_ =	strace s18  }
0x93: {  	s3 =	sld [smem:$0x3FFC];
	_ =	sdelay $0x3  }
0x94: {  	_ =	strace s3  }
0x95: {  	s3 =	sld [smem:$0x3FFD];
	_ =	sdelay $0x3  }
0x96: {  	_ =	strace s3  }
0x97: {  	_ =	strace $0x8FFFFFFF  }
0x98: {  	s19 =	sld [smem:$0x3FDB];
	_ =	sdelay $0x1  }
0x99: {  	s4 =	simm.s32 $_scs_section_size  }
0x9a: {  	s5 =	simm.s32 $_size__tile_overlayer_lowered;
	s6 =	simm.s32 $_tile_overlayer_lowered  }
0x9b: {  	s22 =	simm.s32 $0x1BFF;
	s21 =	sshll.u32 s6, $0x1;
	s3 =	sadd.s32 s4, s19  }
0x9c: {  	s7 =	simm.s32 $0x0;
	s20 =	sshll.u32 s5, $0x1;
	s5 =	sadd.s32 s21, s3  }
0x9d: {  	[timem:s7], [sflag:s22] =	dma.local [hbm:s5], s20  }
0x9e: {  	_ =	swait.ge [sflag:s22], s20  }
0x9f: {  	s4 =	ssub.s32 $0x0, s20;
	[sflag:s22] =	ssyncset.done $0x0  }
0xa0: {  	[sflag:s22] =	ssyncadd.s32 s4;
	_ =	sdelay $0x1  }
0xa1: {  	s23 =	simm.s32 $0x1B8B  }
0xa2: {  	_ =	swait.ge [sflag:s23], $0x1  }
0xa3: {  	[sflag:s23] =	ssyncset.done $0x0  }
0xa4: {  	s25 =	simm.s32 $0x1B8E;
	s24 =	sld [smem:$0x3FFE];
	[sflag:s23] =	ssyncadd.s32 $0xFFFFFFFF  }
0xa5: {  	s26 =	simm.s32 $execute0_lowered;
	[smem:$0x3FD2] =	sst s25  }
0xa6: {  	s5 =	sshll.u32 s26, $0x1;
	_ =	strace $0x80000049;
	[dreg:$0x1] =	wrdreg $0xFFFFFFFF  }
0xa7: {  	s28 =	simm.s32 $_size_execute0_lowered;
	s3 =	sadd.s32 s3, s5;
	[dreg:$0x0] =	wrdreg $0x0  }
0xa8: {  	s5 =	sshll.u32 s28, $0x1;
	[dreg:$0x2] =	wrdreg s3  }
0xa9: {  	[dreg:$0x3] =	wrdreg s5  }
0xaa: {  	[dreg:$0x4] =	wrdreg $0xC0  }
0xab: {  	_ =	task [dreg:s7], $0x5FFFF  }
0xac: {  	[dreg:$0x1] =	wrdreg $0xFFFFFFFF  }
0xad: {  	[dreg:$0x0] =	wrdreg $0x60  }
0xae: {  	[dreg:$0x2] =	wrdreg s24  }
0xaf: {  	[dreg:$0x3] =	wrdreg s2  }
0xb0: {  	[dreg:$0x4] =	wrdreg $0x9  }
0xb1: {  	_ =	task.clear_ibuf [dreg:s7], $0x5FFFF;
	_ =	strace $0x90000049  }
0xb2: {  	s29 =	simm.s32 $0x9;
	_ =	strace $0x8000004B  }
0xb3: {  	_ =	swait.ge [sflag:s29], $0x1  }
0xb4: {  	[sflag:s29] =	ssyncadd.s32 $0xFFFFFFFF  }
0xb5: {  	_ =	strace $0x9000004B  }
0xb6: {  	_ =	sfence  }
0xb7: {  	s30 =	sld [smem:$0x0];
	_ =	sdelay $0x2  }
0xb8: {  	s31 =	sshll.u32 s1, $0xD;
	s1 =	sshrl.u32 s1, $0x2  }
0xb9: {  	s3 =	sand.u32 $0x4000, s31;
	s1 =	sadd.s32 s1, s30  }
0xba: {  	s0 =	sor.u32 s3, s0;
	s1 =	sshll.u32 s1, $0x11  }
0xbb: {  	s0 =	sor.u32 s1, s0  }
0xbc: {  	s0 =	sadd.s32 $0x8F2B, s0  }
0xbd: {  	[sflag:s0] =	ssyncadd.remote.s32 $0x1  }
0xbe: {  	_ =	sfence.sel $0xFFFF  }
0xbf: {  	[dreg:$0x0] =	wrdreg $0xFFFFFFFF;
	(pc) =	sbr.abs _section_cstart, $3  }
0xc0: {  	[dreg:$0x1] =	wrdreg $0xFFFFFFFF  }
0xc1: {  	_ =	task.clear_ibuf [dreg:s7], $0x2FFFF;
	_ =	strace $0x9FFFFFFF  }
0xc2: {  	(tm) =	ssettm $0x7FFFFFFF  }
0xc3: {  	_ =	shalt  }
tec
execute0_lowered:
.L_overlay_start_1:
0x0: {  	(tag) =	ssettag $0x1  }
0x1: {  	s5 =	rddreg [dreg:$0x0]  }
0x2: {  	s6 =	rddreg [dreg:$0x1]  }
0x3: {  	s0 =	rddreg [dreg:$0x2]  }
0x4: {  	s3 =	srdreg.scid;
	s1 =	stileid.u32;
	s2 =	simm.s32 $0x0  }
0x5: {  	s10 =	simm.s32 $0x1;
	s11 =	simm.s32 $0x10400;
	s12 =	simm.s32 $0x0  }
0x6: {  	s7 =	sand.u32 $0x1, s3;
	s30 =	sshll.u32 s1, $0x1;
	[smem:$0x7FF] =	sst s2  }
0x7: {  	s3 =	sadd.s32 $0xDA00, s5;
	s8 =	sor.u32 s7, s30;
	s7 =	ssub.s32 $0x2, s7  }
0x8: {  	s4 =	sadd.s32 $0x35600, s5;
	s9 =	smul.u32 $0x680, s8;
	s31 =	sshrl.u32 s7, $0x1  }
0x9: {  	_ =	strace $0x8000004A;
	s8 =	sshll.u32 s8, $0x6;
	s7 =	ssub.s32 s7, s31  }
0xa: {  	s6 =	sadd.s32 s6, s8;
	s8 =	simm.s32 $0x2;
	s5 =	sadd.s32 s9, s5  }
0xb: {  	v0 =	vimm.f32 $0.0e+00;
	s7 =	smax.u32 s7, $0x1;
	s9 =	simm.s32 $0x80;
	s5 =	sadd.s32 $0xA00, s5  }
.LBB2_1:
0xc: {  	[tilespmem:s2], [sflag:$0x2] =	stream.linear.gather [hbm4b:s5+s2], $0x3400, $0x38;
	[tilespmem:$0x10600] =	vst v63  }
0xd: {  	_ =	swait.ge [sflag:s8], $0x3400  }
0xe: {  	[sflag:s8] =	ssyncset.done $0x0  }
0xf: {  	s13 =	simm.s32 $0x0;
	[sflag:s8] =	ssyncadd.s32 $0xFFFFCC00  }
0x10: {  	v1 =	vld [tilespmem:s13+$0x40]  }
0x11: {  	s14 =	simm.s32 $0x200;
	v2 =	vld [tilespmem:s13+$0x0]  }
.LBB2_2:
0x12: {  	_ = 	snop  }
0x13: {  	p0 =	sne.s32 s14, $0xCE00;
	s15 =	smov.u32 s14;
	s14 =	sadd.s32 $0x200, s14  }
0x14: {  	_ = 	snop  }
0x15: {  	v4 =	vld [tilespmem:s13+$0x50];
	vm0 =	vlt.s32 v1, $0x13D400;
	v3 =	vadd.s32 $0xFFEC2FC0, v1  }
0x16: {  	vm3 =	vlt.s32 v1, $0x13DBFF;
	vm2 =	vlt.s32 v2, $0x13D400;
	vm1 =	vlt.s32 v2, $0x13DBFF;
	v5 =	vld [tilespmem:s13+$0x30]  }
0x17: {  	v6 =	vadd.s32 $0xFFEC2C00, v2;
	v8 =	vnsel vm3, $0x13DBFF, v1;
	v7 =	vnsel vm1, $0x13DBFF, v2  }
0x18: {  	v9 =	vadd.s32 $0xFFEC2FC0, v2;
	vm1 =	vlt.s32 v6, $0x13D3FF;
	v3 =	vsel vm0, v8, v3  }
0x19: {  	v8 =	vsel vm2, $0x3F800000, v0;
	v6 =	vnsel vm1, $0x13D3FF, v6;
	v7 =	vsel vm2, v7, v9  }
0x1a: {  	v10 =	vsel vm0, $0x3F800000, v0;
	v9 =	vadd.s32 $0xFFEC2C00, v1;
	vm1 =	vlt.s32 v4, $0x13D400  }
0x1b: {  	v2 =	vsel vm2, v2, v6;
	vm2 =	vlt.s32 v9, $0x13D3FF;
	v6 =	vadd.s32 $0xFFEC2FC0, v4;
	[tilespmem:s13+$0x6840] =	vst v10  }
0x1c: {  	v9 =	vnsel vm2, $0x13D3FF, v9;
	v10 =	vadd.s32 $0xFFEC2C00, v5;
	v11 =	vld [tilespmem:s13+$0x70]  }
0x1d: {  	v1 =	vsel vm0, v1, v9;
	v9 =	vadd.s32 $0xFFEC2C00, v4;
	[tilespmem:s13+$0x6800] =	vst v8;
	v8 =	vadd.s32 $0xFFEC2FC0, v5  }
0x1e: {  	vm4 =	vlt.s32 v4, $0x13DBFF;
	vm0 =	vlt.s32 v5, $0x13D400;
	vm3 =	vlt.s32 v5, $0x13DBFF;
	[tilespmem:s13+$0x3400] =	vst v7;
	v7 =	vld [tilespmem:s13+$0x60]  }
0x1f: {  	vm2 =	vlt.s32 v10, $0x13D3FF;
	v12 =	vsel vm0, $0x3F800000, v0;
	vm5 =	vlt.s32 v9, $0x13D3FF;
	[tilespmem:s13+$0x3440] =	vst v3  }
0x20: {  	v9 =	vnsel vm5, $0x13D3FF, v9;
	v3 =	vnsel vm3, $0x13DBFF, v5;
	[tilespmem:s13+$0x6830] =	vst v12;
	v12 =	vnsel vm4, $0x13DBFF, v4  }
0x21: {  	[tilespmem:s13+$0x40] =	vst v1;
	v1 =	vsel vm1, v4, v9;
	v4 =	vsel vm1, v12, v6;
	v6 =	vadd.s32 $0xFFEC2FC0, v11  }
0x22: {  	[tilespmem:s13+$0x50] =	vst v1;
	v1 =	vsel vm1, $0x3F800000, v0;
	vm1 =	vlt.s32 v11, $0x13DBFF  }
0x23: {  	vm4 =	vlt.s32 v11, $0x13D400;
	[tilespmem:s13+$0x0] =	vst v2;
	vm3 =	vlt.s32 v7, $0x13DBFF;
	v2 =	vadd.s32 $0xFFEC2FC0, v7  }
0x24: {  	vm5 =	vlt.s32 v7, $0x13D400;
	v9 =	vnsel vm1, $0x13DBFF, v11;
	[tilespmem:s13+$0x6850] =	vst v1;
	v1 =	vnsel vm3, $0x13DBFF, v7  }
0x25: {  	v12 =	vld [tilespmem:s13+$0x20];
	[tilespmem:s13+$0x3450] =	vst v4;
	v1 =	vsel vm5, v1, v2;
	v2 =	vadd.s32 $0xFFEC2C00, v11;
	v4 =	vsel vm4, $0x3F800000, v0  }
0x26: {  	v10 =	vnsel vm2, $0x13D3FF, v10;
	v3 =	vsel vm0, v3, v8;
	vm1 =	vlt.s32 v2, $0x13D3FF;
	[tilespmem:s13+$0x6870] =	vst v4  }
0x27: {  	v5 =	vsel vm0, v5, v10;
	v8 =	vadd.s32 $0xFFEC2C00, v7;
	v4 =	vld [tilespmem:s13+$0x10];
	[tilespmem:s13+$0x3460] =	vst v1;
	v1 =	vnsel vm1, $0x13D3FF, v2  }
0x28: {  	vm0 =	vlt.s32 v8, $0x13D3FF;
	v2 =	vsel vm5, $0x3F800000, v0;
	[tilespmem:s13+$0x30] =	vst v5;
	v1 =	vsel vm4, v11, v1  }
0x29: {  	v5 =	vnsel vm0, $0x13D3FF, v8;
	[tilespmem:s13+$0x6860] =	vst v2;
	v2 =	vsel vm4, v9, v6  }
0x2a: {  	v5 =	vsel vm5, v7, v5;
	vm0 =	vlt.s32 v12, $0x13DBFF;
	v6 =	vadd.s32 $0xFFEC2FC0, v12;
	[tilespmem:s13+$0x3470] =	vst v2  }
0x2b: {  	v2 =	vadd.s32 $0xFFEC2C00, v12;
	v7 =	vnsel vm0, $0x13DBFF, v12;
	[tilespmem:s13+$0x70] =	vst v1  }
0x2c: {  	vm1 =	vlt.s32 v12, $0x13D400;
	vm0 =	vlt.s32 v4, $0x13D400;
	v1 =	vadd.s32 $0xFFEC2FC0, v4;
	[tilespmem:s13+$0x60] =	vst v5  }
0x2d: {  	vm2 =	vlt.s32 v2, $0x13D3FF;
	v5 =	vsel vm1, v7, v6;
	v6 =	vsel vm1, $0x3F800000, v0;
	[tilespmem:s13+$0x3430] =	vst v3  }
0x2e: {  	vm3 =	vlt.s32 v4, $0x13DBFF;
	v3 =	vadd.s32 $0xFFEC2C00, v4;
	v7 =	vsel vm0, $0x3F800000, v0;
	[tilespmem:s13+$0x6820] =	vst v6  }
0x2f: {  	v2 =	vnsel vm2, $0x13D3FF, v2;
	vm4 =	vlt.s32 v3, $0x13D3FF;
	v6 =	vnsel vm3, $0x13DBFF, v4;
	[tilespmem:s13+$0x3420] =	vst v5  }
0x30: {  	v2 =	vsel vm1, v12, v2;
	v3 =	vnsel vm4, $0x13D3FF, v3;
	v1 =	vsel vm0, v6, v1;
	[tilespmem:s13+$0x6810] =	vst v7  }
0x31: {  	v3 =	vsel vm0, v4, v3;
	[tilespmem:s13+$0x3410] =	vst v1  }
0x32: {  	[tilespmem:s13+$0x10] =	vst v3  }
0x33: {  	s16 =	sadd.s32 $0x9C00, s13;
	[tilespmem:s13+$0x20] =	vst v2  }
0x34: {  	[tilespmem:s16], [sflag:$0x1] =	stream.indirect.gather [hbm4b:s3+s9], $0x1, s13, s9, $0xb8;
	[tilespmem:$0x10600] =	vst v63  }
.Ltmp0:
0x35: {  	_ = 	snop;
	(pc) =	sbr.rel @p0 .LBB2_2-.Ltmp0, $4  }
0x36: {  	s17 =	sadd.s32 $0xD000, s13;
	s16 =	sadd.s32 $0x3400, s13;
	s13 =	sshra.s32 s15, $0x2  }
0x37: {  	[tilespmem:s17], [sflag:$0x1] =	stream.indirect.gather [hbm4b:s4+s9], $0x1, s16, s9, $0xb8;
	[tilespmem:$0x10600] =	vst v63  }
0x38: {  	v1 =	vld [tilespmem:s13+$0x40]  }
0x39: {  	v2 =	vld [tilespmem:s13+$0x0]  }
0x3a: {  	_ = 	snop  }
0x3b: {  	v3 =	vld [tilespmem:s13+$0x50]  }
0x3c: {  	v5 =	vld [tilespmem:s13+$0x30]  }
0x3d: {  	v9 =	vld [tilespmem:s13+$0x70];
	vm1 =	vlt.s32 v1, $0x13D400;
	v4 =	vadd.s32 $0xFFEC2FC0, v1  }
0x3e: {  	v44 =	vld [tilespmem:s13+$0x60];
	vm3 =	vlt.s32 v1, $0x13DBFF;
	v41 =	vadd.s32 $0xFFEC2C00, v1;
	v6 =	vsel vm1, $0x3F800000, v0  }
0x3f: {  	vm2 =	vlt.s32 v2, $0x13D400;
	vm0 =	vlt.s32 v2, $0x13DBFF;
	v7 =	vadd.s32 $0xFFEC2FC0, v2  }
0x40: {  	v10 =	vadd.s32 $0xFFEC2C00, v2;
	v42 =	vnsel vm3, $0x13DBFF, v1;
	vm4 =	vlt.s32 v41, $0x13D3FF  }
0x41: {  	v40 =	vnsel vm0, $0x13DBFF, v2;
	v8 =	vsel vm2, $0x3F800000, v0;
	vm15 =	vlt.s32 v10, $0x13D3FF  }
0x42: {  	[tilespmem:s13+$0x6840] =	vst v6;
	v4 =	vsel vm1, v42, v4;
	vm0 =	vlt.s32 v5, $0x13D400;
	vm5 =	vlt.s32 v3, $0x13D400  }
0x43: {  	v43 =	vadd.s32 $0xFFEC2C00, v3;
	v47 =	vadd.s32 $0xFFEC2FC0, v3;
	v48 =	vadd.s32 $0xFFEC2C00, v5;
	[tilespmem:s13+$0x6800] =	vst v8  }
0x44: {  	vm9 =	vlt.s32 v3, $0x13DBFF;
	vm10 =	vlt.s32 v5, $0x13DBFF;
	v6 =	vsel vm2, v40, v7;
	[tilespmem:s13+$0x3440] =	vst v4  }
0x45: {  	v50 =	vld [tilespmem:s13+$0x20];
	vm12 =	vlt.s32 v9, $0x13D400;
	vm13 =	vlt.s32 v44, $0x13DBFF;
	v11 =	vsel vm0, $0x3F800000, v0;
	[tilespmem:s13+$0x3400] =	vst v6  }
0x46: {  	v51 =	vadd.s32 $0xFFEC2FC0, v44;
	vm14 =	vlt.s32 v44, $0x13D400;
	v49 =	vsel vm5, $0x3F800000, v0;
	[tilespmem:s13+$0x6830] =	vst v11  }
0x47: {  	v12 =	vadd.s32 $0xFFEC2C00, v9;
	v7 =	vnsel vm4, $0x13D3FF, v41;
	v56 =	vsel vm14, $0x3F800000, v0;
	[tilespmem:s13+$0x6850] =	vst v49  }
0x48: {  	vm8 =	vlt.s32 v43, $0x13D3FF;
	v46 =	vnsel vm15, $0x13D3FF, v10;
	v1 =	vsel vm1, v1, v7;
	[tilespmem:s13+$0x6860] =	vst v56  }
0x49: {  	vm11 =	vlt.s32 v48, $0x13D3FF;
	v45 =	vnsel vm8, $0x13D3FF, v43;
	v2 =	vsel vm2, v2, v46;
	[tilespmem:s13+$0x40] =	vst v1  }
0x4a: {  	v6 =	vnsel vm11, $0x13D3FF, v48;
	vm11 =	vlt.s32 v50, $0x13D400;
	v1 =	vsel vm5, v3, v45;
	[tilespmem:s13+$0x0] =	vst v2  }
0x4b: {  	v54 =	vld [tilespmem:s13+$0x10];
	vm15 =	vlt.s32 v9, $0x13DBFF;
	v2 =	vnsel vm9, $0x13DBFF, v3;
	v61 =	vsel vm11, $0x3F800000, v0;
	[tilespmem:s13+$0x50] =	vst v1  }
0x4c: {  	v52 =	vnsel vm10, $0x13DBFF, v5;
	v55 =	vnsel vm15, $0x13DBFF, v9;
	v2 =	vsel vm5, v2, v47;
	[tilespmem:s13+$0x6820] =	vst v61  }
0x4d: {  	v3 =	vadd.s32 $0xFFEC2FC0, v9;
	v1 =	vadd.s32 $0xFFEC2FC0, v5;
	v5 =	vsel vm0, v5, v6;
	[tilespmem:s13+$0x3450] =	vst v2  }
0x4e: {  	v59 =	vadd.s32 $0xFFEC2C00, v50;
	v53 =	vnsel vm13, $0x13DBFF, v44;
	v3 =	vsel vm12, v55, v3;
	[tilespmem:s13+$0x30] =	vst v5  }
0x4f: {  	vm10 =	vlt.s32 v50, $0x13DBFF;
	vm8 =	vlt.s32 v12, $0x13D3FF;
	v2 =	vsel vm12, $0x3F800000, v0;
	[tilespmem:s13+$0x3470] =	vst v3  }
0x50: {  	vm13 =	vlt.s32 v54, $0x13DBFF;
	v57 =	vnsel vm8, $0x13D3FF, v12;
	[tilespmem:s13+$0x6870] =	vst v2;
	v2 =	vsel vm14, v53, v51  }
0x51: {  	v60 =	vnsel vm10, $0x13DBFF, v50;
	v58 =	vsel vm12, v9, v57;
	[tilespmem:s13+$0x3460] =	vst v2;
	v2 =	vadd.s32 $0xFFEC2C00, v44  }
0x52: {  	v3 =	vadd.s32 $0xFFEC2FC0, v50;
	[tilespmem:s13+$0x70] =	vst v58;
	v1 =	vsel vm0, v52, v1;
	vm9 =	vlt.s32 v2, $0x13D3FF  }
0x53: {  	v63 =	vnsel vm13, $0x13DBFF, v54;
	[tilespmem:s13+$0x3430] =	vst v1;
	v1 =	vsel vm11, v60, v3;
	v2 =	vnsel vm9, $0x13D3FF, v2  }
0x54: {  	vm12 =	vlt.s32 v54, $0x13D400;
	v3 =	vadd.s32 $0xFFEC2C00, v54;
	[tilespmem:s13+$0x3420] =	vst v1;
	v2 =	vsel vm14, v44, v2  }
0x55: {  	v62 =	vsel vm12, $0x3F800000, v0;
	vm14 =	vlt.s32 v3, $0x13D3FF;
	[tilespmem:s13+$0x60] =	vst v2;
	v2 =	vadd.s32 $0xFFEC2FC0, v54  }
0x56: {  	vm15 =	vlt.s32 v59, $0x13D3FF;
	[tilespmem:s13+$0x6810] =	vst v62;
	v1 =	vnsel vm14, $0x13D3FF, v3;
	v2 =	vsel vm12, v63, v2  }
0x57: {  	v3 =	vnsel vm15, $0x13D3FF, v59;
	v1 =	vsel vm12, v54, v1;
	[tilespmem:s13+$0x3410] =	vst v2  }
0x58: {  	v2 =	vsel vm11, v50, v3;
	[tilespmem:s13+$0x10] =	vst v1  }
0x59: {  	s14 =	sadd.s32 $0x9C00, s13;
	[tilespmem:s13+$0x20] =	vst v2  }
0x5a: {  	[tilespmem:s14], [sflag:$0x1] =	stream.indirect.gather [hbm4b:s3+s9], $0x1, s13, s9, $0xb8;
	[tilespmem:$0x10600] =	vst v63  }
0x5b: {  	s30 =	sadd.s32 $0x3400, s13;
	s31 =	sadd.s32 $0xD000, s13  }
0x5c: {  	[tilespmem:s31], [sflag:$0x1] =	stream.indirect.gather [hbm4b:s4+s9], $0x1, s30, s9, $0xb8;
	[tilespmem:$0x10600] =	vst v63  }
0x5d: {  	_ =	swait.ge [sflag:s10], $0x80  }
0x5e: {  	[sflag:s10] =	ssyncset.done $0x0  }
0x5f: {  	[sflag:s10] =	ssyncadd.s32 $0xFFFFFF80  }
0x60: {  	_ =	swait.ge [sflag:s10], $0x80  }
0x61: {  	s13 =	simm.s32 $0x67;
	[sflag:s10] =	ssyncset.done $0x0  }
.LBB2_4:
0x62: {  	p0 =	sne.s32 s13, $0x1;
	s13 =	sadd.s32 $0xFFFFFFFF, s13;
	[sflag:s10] =	ssyncadd.s32 $0xFFFFFF80  }
.Ltmp1:
0x63: {  	_ =	swait.ge [sflag:s10], $0x80;
	(pc) =	sbr.rel @p0 .LBB2_4-.Ltmp1, $4  }
0x64: {  	[sflag:s10] =	ssyncset.done $0x0  }
0x65: {  	[sflag:s10] =	ssyncadd.s32 $0xFFFFFF80  }
0x66: {  	_ =	swait.ge [sflag:s10], $0x80  }
0x67: {  	[sflag:s10] =	ssyncset.done $0x0  }
0x68: {  	s13 =	simm.s32 $0x0  }
0x69: {  	[sflag:s10] =	ssyncadd.s32 $0xFFFFFF80;
	s13 =	sand.u32 $0x1F0, s13  }
0x6a: {  	v1 =	vld [tilespmem:s13+$0xCE00]  }
0x6b: {  	v2 =	vld [tilespmem:s13+$0xCC00]  }
0x6c: {  	v3 =	vld [tilespmem:s13+$0xCA00]  }
0x6d: {  	v4 =	vld [tilespmem:s13+$0xC800]  }
0x6e: {  	v5 =	vld [tilespmem:s13+$0xC600]  }
0x6f: {  	v6 =	vld [tilespmem:s13+$0xC400]  }
0x70: {  	v7 =	vld [tilespmem:s13+$0xC200]  }
0x71: {  	v8 =	vld [tilespmem:s13+$0xC000]  }
0x72: {  	v9 =	vld [tilespmem:s13+$0xBE00]  }
0x73: {  	v10 =	vld [tilespmem:s13+$0xBC00]  }
0x74: {  	v11 =	vld [tilespmem:s13+$0xBA00]  }
0x75: {  	v12 =	vld [tilespmem:s13+$0xB800]  }
0x76: {  	v13 =	vld [tilespmem:s13+$0xB600]  }
0x77: {  	v14 =	vld [tilespmem:s13+$0xB400]  }
0x78: {  	v15 =	vld [tilespmem:s13+$0xB200]  }
0x79: {  	v16 =	vld [tilespmem:s13+$0xB000]  }
0x7a: {  	v17 =	vld [tilespmem:s13+$0xAE00]  }
0x7b: {  	v19 =	vld [tilespmem:s13+$0xAA00]  }
0x7c: {  	v20 =	vld [tilespmem:s13+$0xA800]  }
0x7d: {  	v21 =	vld [tilespmem:s13+$0xA600]  }
0x7e: {  	v22 =	vld [tilespmem:s13+$0xA400]  }
0x7f: {  	v23 =	vld [tilespmem:s13+$0xA200]  }
0x80: {  	v24 =	vld [tilespmem:s13+$0x6A00]  }
0x81: {  	v25 =	vld [tilespmem:s13+$0x6800]  }
0x82: {  	v26 =	vld [tilespmem:s13+$0xD000]  }
0x83: {  	v27 =	vld [tilespmem:s13+$0x9C00]  }
0x84: {  	v28 =	vld [tilespmem:s13+$0x9E00]  }
0x85: {  	v29 =	vld [tilespmem:s13+$0xD200]  }
0x86: {  	v30 =	vld [tilespmem:s13+$0xA000]  }
0x87: {  	v31 =	vld [tilespmem:s13+$0xD400]  }
0x88: {  	v32 =	vld [tilespmem:s13+$0xD600]  }
0x89: {  	v33 =	vld [tilespmem:s13+$0x6C00];
	v27 =	vsub.f32 v27, v26  }
0x8a: {  	v56 =	vld [tilespmem:s13+$0xD800]  }
0x8b: {  	v34 =	vld [tilespmem:s13+$0x6E00];
	v25 =	vmul.f32 v25, v27;
	v27 =	vsub.f32 v28, v29  }
0x8c: {  	v57 =	vld [tilespmem:s13+$0x7000]  }
0x8d: {  	v58 =	vld [tilespmem:s13+$0xDC00];
	v25 =	vadd.f32 v25, v26;
	v24 =	vmul.f32 v24, v27;
	v26 =	vsub.f32 v30, v31  }
0x8e: {  	v23 =	vsub.f32 v23, v32;
	v27 =	vld [tilespmem:s13+$0xDA00]  }
0x8f: {  	v59 =	vld [tilespmem:s13+$0x7200];
	v25 =	vadd.f32 $0.0e+00, v25;
	v24 =	vadd.f32 v24, v29;
	v26 =	vmul.f32 v33, v26  }
0x90: {  	v60 =	vld [tilespmem:s13+$0x7400];
	v22 =	vsub.f32 v22, v56;
	v23 =	vmul.f32 v34, v23  }
0x91: {  	v24 =	vadd.f32 v24, v25;
	v25 =	vadd.f32 v26, v31;
	v26 =	vld [tilespmem:s13+$0xDE00]  }
0x92: {  	v18 =	vld [tilespmem:s13+$0xAC00];
	v23 =	vadd.f32 v23, v32  }
0x93: {  	v61 =	vld [tilespmem:s13+$0x7600];
	v22 =	vmul.f32 v57, v22;
	v21 =	vsub.f32 v21, v27;
	v24 =	vadd.f32 v25, v24  }
0x94: {  	v20 =	vsub.f32 v20, v58;
	v25 =	vld [tilespmem:s13+$0xE000]  }
0x95: {  	v22 =	vadd.f32 v22, v56;
	v21 =	vmul.f32 v59, v21;
	v23 =	vadd.f32 v23, v24;
	v24 =	vld [tilespmem:s13+$0xE200]  }
0x96: {  	v62 =	vld [tilespmem:s13+$0x7800];
	v20 =	vmul.f32 v60, v20;
	v19 =	vsub.f32 v19, v26  }
0x97: {  	v21 =	vadd.f32 v21, v27;
	v22 =	vadd.f32 v22, v23;
	v23 =	vld [tilespmem:s13+$0xE400]  }
0x98: {  	v20 =	vadd.f32 v20, v58;
	v27 =	vld [tilespmem:s13+$0x7A00]  }
0x99: {  	v18 =	vsub.f32 v18, v25;
	v19 =	vmul.f32 v61, v19;
	v21 =	vadd.f32 v21, v22;
	v22 =	vld [tilespmem:s13+$0xE600]  }
0x9a: {  	v63 =	vld [tilespmem:s13+$0x7C00];
	v17 =	vsub.f32 v17, v24  }
0x9b: {  	v19 =	vadd.f32 v19, v26;
	v18 =	vmul.f32 v62, v18;
	v20 =	vadd.f32 v20, v21;
	v21 =	vld [tilespmem:s13+$0xE800]  }
0x9c: {  	v26 =	vld [tilespmem:s13+$0x7E00];
	v16 =	vsub.f32 v16, v23  }
0x9d: {  	v18 =	vadd.f32 v18, v25;
	v17 =	vmul.f32 v27, v17;
	v19 =	vadd.f32 v19, v20;
	v20 =	vld [tilespmem:s13+$0xEA00]  }
0x9e: {  	v25 =	vld [tilespmem:s13+$0x8000];
	v15 =	vsub.f32 v15, v22  }
0x9f: {  	v17 =	vadd.f32 v17, v24;
	v16 =	vmul.f32 v63, v16;
	v18 =	vadd.f32 v18, v19;
	v19 =	vld [tilespmem:s13+$0xEC00]  }
0xa0: {  	v24 =	vld [tilespmem:s13+$0x8200];
	v14 =	vsub.f32 v14, v21  }
0xa1: {  	v16 =	vadd.f32 v16, v23;
	v15 =	vmul.f32 v26, v15;
	v17 =	vadd.f32 v17, v18;
	v18 =	vld [tilespmem:s13+$0xEE00]  }
0xa2: {  	v23 =	vld [tilespmem:s13+$0x8400];
	v13 =	vsub.f32 v13, v20  }
0xa3: {  	v15 =	vadd.f32 v15, v22;
	v14 =	vmul.f32 v25, v14;
	v16 =	vadd.f32 v16, v17;
	v17 =	vld [tilespmem:s13+$0xF000]  }
0xa4: {  	v22 =	vld [tilespmem:s13+$0x8600];
	v12 =	vsub.f32 v12, v19  }
0xa5: {  	v14 =	vadd.f32 v14, v21;
	v13 =	vmul.f32 v24, v13;
	v15 =	vadd.f32 v15, v16;
	v16 =	vld [tilespmem:s13+$0xF200]  }
0xa6: {  	v21 =	vld [tilespmem:s13+$0x8800];
	v11 =	vsub.f32 v11, v18  }
0xa7: {  	v13 =	vadd.f32 v13, v20;
	v12 =	vmul.f32 v23, v12;
	v14 =	vadd.f32 v14, v15;
	v15 =	vld [tilespmem:s13+$0xF400]  }
0xa8: {  	v20 =	vld [tilespmem:s13+$0x8A00];
	v10 =	vsub.f32 v10, v17  }
0xa9: {  	v12 =	vadd.f32 v12, v19;
	v11 =	vmul.f32 v22, v11;
	v13 =	vadd.f32 v13, v14;
	v14 =	vld [tilespmem:s13+$0xF600]  }
0xaa: {  	v19 =	vld [tilespmem:s13+$0x8C00];
	v9 =	vsub.f32 v9, v16  }
0xab: {  	v11 =	vadd.f32 v11, v18;
	v10 =	vmul.f32 v21, v10;
	v12 =	vadd.f32 v12, v13;
	v13 =	vld [tilespmem:s13+$0xF800]  }
0xac: {  	v18 =	vld [tilespmem:s13+$0x8E00];
	v8 =	vsub.f32 v8, v15  }
0xad: {  	v10 =	vadd.f32 v10, v17;
	v9 =	vmul.f32 v20, v9;
	v11 =	vadd.f32 v11, v12;
	v12 =	vld [tilespmem:s13+$0xFA00]  }
0xae: {  	v17 =	vld [tilespmem:s13+$0x9000];
	v7 =	vsub.f32 v7, v14  }
0xaf: {  	v9 =	vadd.f32 v9, v16;
	v8 =	vmul.f32 v19, v8;
	v10 =	vadd.f32 v10, v11;
	v11 =	vld [tilespmem:s13+$0xFC00]  }
0xb0: {  	v16 =	vld [tilespmem:s13+$0x9200];
	v6 =	vsub.f32 v6, v13  }
0xb1: {  	v8 =	vadd.f32 v8, v15;
	v7 =	vmul.f32 v18, v7;
	v9 =	vadd.f32 v9, v10;
	v10 =	vld [tilespmem:s13+$0xFE00]  }
0xb2: {  	v15 =	vld [tilespmem:s13+$0x9400];
	v5 =	vsub.f32 v5, v12  }
0xb3: {  	v7 =	vadd.f32 v7, v14;
	v6 =	vmul.f32 v17, v6;
	v8 =	vadd.f32 v8, v9;
	v9 =	vld [tilespmem:s13+$0x10000]  }
0xb4: {  	v14 =	vld [tilespmem:s13+$0x9600];
	v4 =	vsub.f32 v4, v11  }
0xb5: {  	v6 =	vadd.f32 v6, v13;
	v5 =	vmul.f32 v16, v5;
	v7 =	vadd.f32 v7, v8;
	v8 =	vld [tilespmem:s13+$0x10200]  }
0xb6: {  	v13 =	vld [tilespmem:s13+$0x9800];
	v3 =	vsub.f32 v3, v10  }
0xb7: {  	v5 =	vadd.f32 v5, v12;
	v4 =	vmul.f32 v15, v4;
	v6 =	vadd.f32 v6, v7  }
0xb8: {  	v7 =	vld [tilespmem:s13+$0x9A00];
	v2 =	vsub.f32 v2, v9  }
0xb9: {  	v4 =	vadd.f32 v4, v11;
	v3 =	vmul.f32 v14, v3;
	v5 =	vadd.f32 v5, v6  }
0xba: {  	v1 =	vsub.f32 v1, v8  }
0xbb: {  	v3 =	vadd.f32 v3, v10;
	v2 =	vmul.f32 v13, v2;
	v4 =	vadd.f32 v4, v5;
	_ =	sdelay $0x1  }
0xbc: {  	v2 =	vadd.f32 v2, v9;
	v1 =	vmul.f32 v7, v1;
	v3 =	vadd.f32 v3, v4;
	_ =	sdelay $0x1  }
0xbd: {  	v1 =	vadd.f32 v1, v8;
	v2 =	vadd.f32 v2, v3;
	_ =	sdelay $0x1  }
0xbe: {  	v1 =	vadd.f32 v1, v2  }
0xbf: {  	s14 =	simm.s32 $0x10;
	s13 =	simm.s32 $0x10400  }
0xc0: {  	s14 =	sand.u32 $0x1F0, s14;
	[tilespmem:s13+$0x0] =	vst v1  }
0xc1: {  	v1 =	vld [tilespmem:s14+$0xCE00]  }
0xc2: {  	v2 =	vld [tilespmem:s14+$0xCC00]  }
0xc3: {  	v3 =	vld [tilespmem:s14+$0xCA00]  }
0xc4: {  	v4 =	vld [tilespmem:s14+$0xC800]  }
0xc5: {  	v5 =	vld [tilespmem:s14+$0xC600]  }
0xc6: {  	v6 =	vld [tilespmem:s14+$0xC400]  }
0xc7: {  	v7 =	vld [tilespmem:s14+$0xC200]  }
0xc8: {  	v8 =	vld [tilespmem:s14+$0xC000]  }
0xc9: {  	v9 =	vld [tilespmem:s14+$0xBE00]  }
0xca: {  	v10 =	vld [tilespmem:s14+$0xBC00]  }
0xcb: {  	v11 =	vld [tilespmem:s14+$0xBA00]  }
0xcc: {  	v12 =	vld [tilespmem:s14+$0xB800]  }
0xcd: {  	v13 =	vld [tilespmem:s14+$0xB600]  }
0xce: {  	v14 =	vld [tilespmem:s14+$0xB400]  }
0xcf: {  	v15 =	vld [tilespmem:s14+$0xB200]  }
0xd0: {  	v16 =	vld [tilespmem:s14+$0xB000]  }
0xd1: {  	v17 =	vld [tilespmem:s14+$0xAE00]  }
0xd2: {  	v18 =	vld [tilespmem:s14+$0xAC00]  }
0xd3: {  	v19 =	vld [tilespmem:s14+$0xAA00]  }
0xd4: {  	v20 =	vld [tilespmem:s14+$0xA800]  }
0xd5: {  	v21 =	vld [tilespmem:s14+$0xA600]  }
0xd6: {  	v22 =	vld [tilespmem:s14+$0xA400]  }
0xd7: {  	v23 =	vld [tilespmem:s14+$0xA200]  }
0xd8: {  	v24 =	vld [tilespmem:s14+$0x6A00]  }
0xd9: {  	v26 =	vld [tilespmem:s14+$0x6800]  }
0xda: {  	s15 =	simm.s32 $0x20;
	v25 =	vld [tilespmem:s14+$0xD000]  }
.LBB2_6:
0xdb: {  	p0 =	sne.s32 s15, $0x1F0;
	v27 =	vld [tilespmem:s14+$0x9C00]  }
0xdc: {  	v28 =	vld [tilespmem:s14+$0x9E00]  }
0xdd: {  	v29 =	vld [tilespmem:s14+$0xD200]  }
0xde: {  	v30 =	vld [tilespmem:s14+$0xA000]  }
0xdf: {  	v31 =	vld [tilespmem:s14+$0xD400]  }
0xe0: {  	v27 =	vsub.f32 v27, v25;
	v32 =	vld [tilespmem:s14+$0xD600]  }
0xe1: {  	v33 =	vld [tilespmem:s14+$0x6C00]  }
0xe2: {  	v26 =	vmul.f32 v26, v27;
	v27 =	vsub.f32 v28, v29;
	v28 =	vld [tilespmem:s14+$0xD800]  }
0xe3: {  	v34 =	vld [tilespmem:s14+$0x6E00]  }
0xe4: {  	v25 =	vadd.f32 v26, v25;
	v24 =	vmul.f32 v24, v27;
	v26 =	vsub.f32 v30, v31;
	v27 =	vld [tilespmem:s14+$0xDA00]  }
0xe5: {  	v23 =	vsub.f32 v23, v32;
	v30 =	vld [tilespmem:s14+$0x7000]  }
0xe6: {  	v25 =	vadd.f32 $0.0e+00, v25;
	v24 =	vadd.f32 v24, v29;
	v26 =	vmul.f32 v33, v26;
	v29 =	vld [tilespmem:s14+$0xDC00]  }
0xe7: {  	v22 =	vsub.f32 v22, v28;
	v33 =	vld [tilespmem:s14+$0x7200]  }
0xe8: {  	v24 =	vadd.f32 v24, v25;
	v25 =	vadd.f32 v26, v31;
	v23 =	vmul.f32 v34, v23;
	v26 =	vld [tilespmem:s14+$0xDE00]  }
0xe9: {  	v21 =	vsub.f32 v21, v27;
	v31 =	vld [tilespmem:s14+$0x7400]  }
0xea: {  	v24 =	vadd.f32 v25, v24;
	v23 =	vadd.f32 v23, v32;
	v22 =	vmul.f32 v30, v22;
	v25 =	vld [tilespmem:s14+$0xE000]  }
0xeb: {  	v20 =	vsub.f32 v20, v29;
	v30 =	vld [tilespmem:s14+$0x7600]  }
0xec: {  	v23 =	vadd.f32 v23, v24;
	v22 =	vadd.f32 v22, v28;
	v21 =	vmul.f32 v33, v21;
	v24 =	vld [tilespmem:s14+$0xE200]  }
0xed: {  	v19 =	vsub.f32 v19, v26;
	v28 =	vld [tilespmem:s14+$0x7800]  }
0xee: {  	v22 =	vadd.f32 v22, v23;
	v21 =	vadd.f32 v21, v27;
	v20 =	vmul.f32 v31, v20;
	v23 =	vld [tilespmem:s14+$0xE400]  }
0xef: {  	v18 =	vsub.f32 v18, v25;
	v27 =	vld [tilespmem:s14+$0x7A00]  }
0xf0: {  	v21 =	vadd.f32 v21, v22;
	v20 =	vadd.f32 v20, v29;
	v19 =	vmul.f32 v30, v19;
	v22 =	vld [tilespmem:s14+$0xE600]  }
0xf1: {  	v17 =	vsub.f32 v17, v24;
	v29 =	vld [tilespmem:s14+$0x7C00]  }
0xf2: {  	v20 =	vadd.f32 v20, v21;
	v19 =	vadd.f32 v19, v26;
	v18 =	vmul.f32 v28, v18;
	v21 =	vld [tilespmem:s14+$0xE800]  }
0xf3: {  	v16 =	vsub.f32 v16, v23;
	v26 =	vld [tilespmem:s14+$0x7E00]  }
0xf4: {  	v19 =	vadd.f32 v19, v20;
	v18 =	vadd.f32 v18, v25;
	v17 =	vmul.f32 v27, v17;
	v20 =	vld [tilespmem:s14+$0xEA00]  }
0xf5: {  	v15 =	vsub.f32 v15, v22;
	v25 =	vld [tilespmem:s14+$0x8000]  }
0xf6: {  	v18 =	vadd.f32 v18, v19;
	v17 =	vadd.f32 v17, v24;
	v16 =	vmul.f32 v29, v16;
	v19 =	vld [tilespmem:s14+$0xEC00]  }
0xf7: {  	v14 =	vsub.f32 v14, v21;
	v24 =	vld [tilespmem:s14+$0x8200]  }
0xf8: {  	v17 =	vadd.f32 v17, v18;
	v16 =	vadd.f32 v16, v23;
	v15 =	vmul.f32 v26, v15;
	v18 =	vld [tilespmem:s14+$0xEE00]  }
0xf9: {  	v13 =	vsub.f32 v13, v20;
	v23 =	vld [tilespmem:s14+$0x8400]  }
0xfa: {  	v16 =	vadd.f32 v16, v17;
	v15 =	vadd.f32 v15, v22;
	v14 =	vmul.f32 v25, v14;
	v17 =	vld [tilespmem:s14+$0xF000]  }
0xfb: {  	v12 =	vsub.f32 v12, v19;
	v22 =	vld [tilespmem:s14+$0x8600]  }
0xfc: {  	v15 =	vadd.f32 v15, v16;
	v14 =	vadd.f32 v14, v21;
	v13 =	vmul.f32 v24, v13;
	v16 =	vld [tilespmem:s14+$0xF200]  }
0xfd: {  	v11 =	vsub.f32 v11, v18;
	v21 =	vld [tilespmem:s14+$0x8800]  }
0xfe: {  	v14 =	vadd.f32 v14, v15;
	v13 =	vadd.f32 v13, v20;
	v12 =	vmul.f32 v23, v12;
	v15 =	vld [tilespmem:s14+$0xF400]  }
0xff: {  	v10 =	vsub.f32 v10, v17;
	v20 =	vld [tilespmem:s14+$0x8A00]  }
0x100: {  	v13 =	vadd.f32 v13, v14;
	v12 =	vadd.f32 v12, v19;
	v11 =	vmul.f32 v22, v11;
	v14 =	vld [tilespmem:s14+$0xF600]  }
0x101: {  	v9 =	vsub.f32 v9, v16;
	v19 =	vld [tilespmem:s14+$0x8C00]  }
0x102: {  	v12 =	vadd.f32 v12, v13;
	v11 =	vadd.f32 v11, v18;
	v10 =	vmul.f32 v21, v10;
	v13 =	vld [tilespmem:s14+$0xF800]  }
0x103: {  	v8 =	vsub.f32 v8, v15;
	v18 =	vld [tilespmem:s14+$0x8E00]  }
0x104: {  	v11 =	vadd.f32 v11, v12;
	v10 =	vadd.f32 v10, v17;
	v9 =	vmul.f32 v20, v9;
	v12 =	vld [tilespmem:s14+$0xFA00]  }
0x105: {  	v7 =	vsub.f32 v7, v14;
	v17 =	vld [tilespmem:s14+$0x9000]  }
0x106: {  	v10 =	vadd.f32 v10, v11;
	v9 =	vadd.f32 v9, v16;
	v8 =	vmul.f32 v19, v8;
	v11 =	vld [tilespmem:s14+$0xFC00]  }
0x107: {  	v6 =	vsub.f32 v6, v13;
	v16 =	vld [tilespmem:s14+$0x9200]  }
0x108: {  	v9 =	vadd.f32 v9, v10;
	v8 =	vadd.f32 v8, v15;
	v7 =	vmul.f32 v18, v7;
	v10 =	vld [tilespmem:s14+$0xFE00]  }
0x109: {  	v5 =	vsub.f32 v5, v12;
	v15 =	vld [tilespmem:s14+$0x9400]  }
0x10a: {  	v8 =	vadd.f32 v8, v9;
	v7 =	vadd.f32 v7, v14;
	v6 =	vmul.f32 v17, v6;
	v9 =	vld [tilespmem:s14+$0x10000]  }
0x10b: {  	v4 =	vsub.f32 v4, v11;
	v14 =	vld [tilespmem:s14+$0x9600]  }
0x10c: {  	v7 =	vadd.f32 v7, v8;
	v6 =	vadd.f32 v6, v13;
	v5 =	vmul.f32 v16, v5;
	v8 =	vld [tilespmem:s14+$0x10200]  }
0x10d: {  	v3 =	vsub.f32 v3, v10;
	v13 =	vld [tilespmem:s14+$0x9800]  }
0x10e: {  	v6 =	vadd.f32 v6, v7;
	v5 =	vadd.f32 v5, v12;
	v4 =	vmul.f32 v15, v4  }
0x10f: {  	v2 =	vsub.f32 v2, v9;
	v7 =	vld [tilespmem:s14+$0x9A00]  }
0x110: {  	v5 =	vadd.f32 v5, v6;
	v4 =	vadd.f32 v4, v11;
	v3 =	vmul.f32 v14, v3  }
0x111: {  	v1 =	vsub.f32 v1, v8  }
0x112: {  	v4 =	vadd.f32 v4, v5;
	v3 =	vadd.f32 v3, v10;
	v2 =	vmul.f32 v13, v2;
	_ =	sdelay $0x1  }
0x113: {  	v3 =	vadd.f32 v3, v4;
	v2 =	vadd.f32 v2, v9;
	v1 =	vmul.f32 v7, v1;
	_ =	sdelay $0x1  }
0x114: {  	v2 =	vadd.f32 v2, v3;
	v1 =	vadd.f32 v1, v8;
	_ =	sdelay $0x1  }
0x115: {  	v1 =	vadd.f32 v1, v2  }
0x116: {  	s13 =	sadd.s32 $0x10, s13  }
0x117: {  	s14 =	sand.u32 $0x1F0, s15;
	[tilespmem:s13+$0x0] =	vst v1  }
0x118: {  	v1 =	vld [tilespmem:s14+$0xCE00]  }
0x119: {  	v2 =	vld [tilespmem:s14+$0xCC00]  }
0x11a: {  	v3 =	vld [tilespmem:s14+$0xCA00]  }
0x11b: {  	v4 =	vld [tilespmem:s14+$0xC800]  }
0x11c: {  	v5 =	vld [tilespmem:s14+$0xC600]  }
0x11d: {  	v6 =	vld [tilespmem:s14+$0xC400]  }
0x11e: {  	v7 =	vld [tilespmem:s14+$0xC200]  }
0x11f: {  	v8 =	vld [tilespmem:s14+$0xC000]  }
0x120: {  	v9 =	vld [tilespmem:s14+$0xBE00]  }
0x121: {  	v10 =	vld [tilespmem:s14+$0xBC00]  }
0x122: {  	v11 =	vld [tilespmem:s14+$0xBA00]  }
0x123: {  	v12 =	vld [tilespmem:s14+$0xB800]  }
0x124: {  	v13 =	vld [tilespmem:s14+$0xB600]  }
0x125: {  	v14 =	vld [tilespmem:s14+$0xB400]  }
0x126: {  	v15 =	vld [tilespmem:s14+$0xB200]  }
0x127: {  	v16 =	vld [tilespmem:s14+$0xB000]  }
0x128: {  	v17 =	vld [tilespmem:s14+$0xAE00]  }
0x129: {  	v18 =	vld [tilespmem:s14+$0xAC00]  }
0x12a: {  	v19 =	vld [tilespmem:s14+$0xAA00]  }
0x12b: {  	v20 =	vld [tilespmem:s14+$0xA800]  }
0x12c: {  	v21 =	vld [tilespmem:s14+$0xA600]  }
.Ltmp2:
0x12d: {  	v22 =	vld [tilespmem:s14+$0xA400];
	(pc) =	sbr.rel @p0 .LBB2_6-.Ltmp2, $4  }
0x12e: {  	v23 =	vld [tilespmem:s14+$0xA200]  }
0x12f: {  	v24 =	vld [tilespmem:s14+$0x6A00]  }
0x130: {  	v26 =	vld [tilespmem:s14+$0x6800]  }
0x131: {  	s15 =	sadd.s32 $0x10, s15;
	v25 =	vld [tilespmem:s14+$0xD000]  }
0x132: {  	v27 =	vld [tilespmem:s14+$0x9C00]  }
0x133: {  	v28 =	vld [tilespmem:s14+$0x9E00]  }
0x134: {  	v29 =	vld [tilespmem:s14+$0xD200]  }
0x135: {  	v30 =	vld [tilespmem:s14+$0xA000]  }
0x136: {  	v31 =	vld [tilespmem:s14+$0xD400]  }
0x137: {  	v32 =	vld [tilespmem:s14+$0xD600]  }
0x138: {  	v33 =	vld [tilespmem:s14+$0x6C00];
	v27 =	vsub.f32 v27, v25  }
0x139: {  	v49 =	vld [tilespmem:s14+$0xD800]  }
0x13a: {  	v34 =	vld [tilespmem:s14+$0x6E00];
	v48 =	vsub.f32 v28, v29;
	v26 =	vmul.f32 v26, v27  }
0x13b: {  	v52 =	vld [tilespmem:s14+$0xDA00]  }
0x13c: {  	v53 =	vld [tilespmem:s14+$0x7000];
	v51 =	vsub.f32 v30, v31;
	v24 =	vmul.f32 v24, v48;
	v50 =	vadd.f32 v26, v25  }
0x13d: {  	v54 =	vld [tilespmem:s14+$0xDC00];
	v23 =	vsub.f32 v23, v32  }
0x13e: {  	v55 =	vld [tilespmem:s14+$0x7200];
	v24 =	vadd.f32 v24, v29;
	v26 =	vmul.f32 v33, v51;
	v25 =	vadd.f32 $0.0e+00, v50  }
0x13f: {  	v57 =	vld [tilespmem:s14+$0xDE00];
	v22 =	vsub.f32 v22, v49  }
0x140: {  	v58 =	vld [tilespmem:s14+$0x7400];
	v23 =	vmul.f32 v34, v23;
	v56 =	vadd.f32 v26, v31;
	v24 =	vadd.f32 v24, v25  }
0x141: {  	v59 =	vld [tilespmem:s14+$0xE000];
	v21 =	vsub.f32 v21, v52  }
0x142: {  	v60 =	vld [tilespmem:s14+$0x7600];
	v22 =	vmul.f32 v53, v22;
	v23 =	vadd.f32 v23, v32;
	v24 =	vadd.f32 v56, v24  }
0x143: {  	v61 =	vld [tilespmem:s14+$0xE200];
	v20 =	vsub.f32 v20, v54  }
0x144: {  	v62 =	vld [tilespmem:s14+$0x7800];
	v21 =	vmul.f32 v55, v21;
	v22 =	vadd.f32 v22, v49;
	v23 =	vadd.f32 v23, v24  }
0x145: {  	v63 =	vld [tilespmem:s14+$0xE400];
	v19 =	vsub.f32 v19, v57  }
0x146: {  	v35 =	vld [tilespmem:s14+$0xE800];
	v20 =	vmul.f32 v58, v20;
	v21 =	vadd.f32 v21, v52;
	v22 =	vadd.f32 v22, v23  }
0x147: {  	v18 =	vsub.f32 v18, v59;
	v32 =	vld [tilespmem:s14+$0x7A00]  }
0x148: {  	v19 =	vmul.f32 v60, v19;
	v20 =	vadd.f32 v20, v54;
	v33 =	vld [tilespmem:s14+$0xE600];
	v21 =	vadd.f32 v21, v22  }
0x149: {  	v17 =	vsub.f32 v17, v61;
	v34 =	vld [tilespmem:s14+$0x7C00]  }
0x14a: {  	v36 =	vld [tilespmem:s14+$0x7E00];
	v18 =	vmul.f32 v62, v18;
	v19 =	vadd.f32 v19, v57;
	v20 =	vadd.f32 v20, v21  }
0x14b: {  	v37 =	vld [tilespmem:s14+$0xEA00];
	v16 =	vsub.f32 v16, v63  }
0x14c: {  	v38 =	vld [tilespmem:s14+$0x8000];
	v18 =	vadd.f32 v18, v59;
	v17 =	vmul.f32 v32, v17;
	v19 =	vadd.f32 v19, v20  }
0x14d: {  	v39 =	vld [tilespmem:s14+$0xEC00];
	v15 =	vsub.f32 v15, v33  }
0x14e: {  	v40 =	vld [tilespmem:s14+$0x8200];
	v16 =	vmul.f32 v34, v16;
	v17 =	vadd.f32 v17, v61;
	v18 =	vadd.f32 v18, v19  }
0x14f: {  	v41 =	vld [tilespmem:s14+$0xEE00];
	v14 =	vsub.f32 v14, v35  }
0x150: {  	v42 =	vld [tilespmem:s14+$0x8400];
	v16 =	vadd.f32 v16, v63;
	v15 =	vmul.f32 v36, v15;
	v17 =	vadd.f32 v17, v18  }
0x151: {  	v43 =	vld [tilespmem:s14+$0xF000];
	v13 =	vsub.f32 v13, v37  }
0x152: {  	v44 =	vld [tilespmem:s14+$0x8600];
	v14 =	vmul.f32 v38, v14;
	v15 =	vadd.f32 v15, v33;
	v16 =	vadd.f32 v16, v17  }
0x153: {  	v45 =	vld [tilespmem:s14+$0xF200];
	v12 =	vsub.f32 v12, v39  }
0x154: {  	v46 =	vld [tilespmem:s14+$0x8800];
	v13 =	vmul.f32 v40, v13;
	v14 =	vadd.f32 v14, v35;
	v15 =	vadd.f32 v15, v16  }
0x155: {  	v47 =	vld [tilespmem:s14+$0xF400];
	v11 =	vsub.f32 v11, v41  }
0x156: {  	v12 =	vmul.f32 v42, v12;
	v48 =	vld [tilespmem:s14+$0x8A00];
	v13 =	vadd.f32 v13, v37;
	v14 =	vadd.f32 v14, v15  }
0x157: {  	v10 =	vsub.f32 v10, v43;
	v53 =	vld [tilespmem:s14+$0xFA00]  }
0x158: {  	v11 =	vmul.f32 v44, v11;
	v12 =	vadd.f32 v12, v39;
	v49 =	vld [tilespmem:s14+$0xF600];
	v13 =	vadd.f32 v13, v14  }
0x159: {  	v9 =	vsub.f32 v9, v45;
	v50 =	vld [tilespmem:s14+$0x8C00]  }
0x15a: {  	v10 =	vmul.f32 v46, v10;
	v11 =	vadd.f32 v11, v41;
	v51 =	vld [tilespmem:s14+$0xF800];
	v12 =	vadd.f32 v12, v13  }
0x15b: {  	v8 =	vsub.f32 v8, v47;
	v52 =	vld [tilespmem:s14+$0x8E00]  }
0x15c: {  	v55 =	vld [tilespmem:s14+$0xFC00];
	v10 =	vadd.f32 v10, v43;
	v9 =	vmul.f32 v48, v9;
	v11 =	vadd.f32 v11, v12  }
0x15d: {  	v54 =	vld [tilespmem:s14+$0x9000];
	v7 =	vsub.f32 v7, v49  }
0x15e: {  	v58 =	vld [tilespmem:s14+$0x9400];
	v9 =	vadd.f32 v9, v45;
	v8 =	vmul.f32 v50, v8;
	v10 =	vadd.f32 v10, v11  }
0x15f: {  	v6 =	vsub.f32 v6, v51;
	v56 =	vld [tilespmem:s14+$0x9200]  }
0x160: {  	v57 =	vld [tilespmem:s14+$0xFE00];
	v7 =	vmul.f32 v52, v7;
	v8 =	vadd.f32 v8, v47;
	v9 =	vadd.f32 v9, v10  }
0x161: {  	v60 =	vld [tilespmem:s14+$0x9600];
	v5 =	vsub.f32 v5, v53  }
0x162: {  	v59 =	vld [tilespmem:s14+$0x10000];
	v6 =	vmul.f32 v54, v6;
	v7 =	vadd.f32 v7, v49;
	v8 =	vadd.f32 v8, v9  }
0x163: {  	v4 =	vsub.f32 v4, v55  }
0x164: {  	v62 =	vld [tilespmem:s14+$0x9800];
	v6 =	vadd.f32 v6, v51;
	v5 =	vmul.f32 v56, v5;
	v7 =	vadd.f32 v7, v8  }
0x165: {  	v3 =	vsub.f32 v3, v57;
	v61 =	vld [tilespmem:s14+$0x10200]  }
0x166: {  	v4 =	vmul.f32 v58, v4;
	v5 =	vadd.f32 v5, v53;
	v6 =	vadd.f32 v6, v7  }
0x167: {  	v2 =	vsub.f32 v2, v59;
	v63 =	vld [tilespmem:s14+$0x9A00];
	v3 =	vmul.f32 v60, v3  }
0x168: {  	v4 =	vadd.f32 v4, v55;
	v5 =	vadd.f32 v5, v6  }
0x169: {  	v3 =	vadd.f32 v3, v57  }
0x16a: {  	v2 =	vmul.f32 v62, v2;
	v1 =	vsub.f32 v1, v61;
	v4 =	vadd.f32 v4, v5;
	_ =	sdelay $0x1  }
0x16b: {  	v2 =	vadd.f32 v2, v59;
	v1 =	vmul.f32 v63, v1;
	v3 =	vadd.f32 v3, v4;
	_ =	sdelay $0x1  }
0x16c: {  	v1 =	vadd.f32 v1, v61;
	v2 =	vadd.f32 v2, v3;
	_ =	sdelay $0x1  }
0x16d: {  	s12 =	sadd.s32 $0x1, s12;
	v1 =	vadd.f32 v1, v2  }
0x16e: {  	s13 =	sadd.s32 $0x10, s13;
	p0 =	sne.s32 s12, s7  }
.Ltmp3:
0x16f: {  	[tilespmem:s13+$0x0] =	vst v1;
	(pc) =	sbr.rel @p0 .LBB2_1-.Ltmp3, $4  }
0x170: {  	[hbm4b:s6+s2] =	stream.linear.scatter [tilespmem:s11], [sflag:$0x2], $0x200, $0x38;
	[tilespmem:$0x10600] =	vst v63  }
0x171: {  	_ =	swait.ge [sflag:s8], $0x200  }
0x172: {  	[sflag:s8] =	ssyncset.done $0x0  }
0x173: {  	[sflag:s8] =	ssyncadd.s32 $0xFFFFFE00  }
0x174: {  	_ =	sfence.sel $0x180000  }
0x175: {  	[bflag:$0x0] =	sbarrier.arrive $0xFFFF  }
0x176: {  	p0 =	sne.s32 s1, $0x0;
	_ =	strace $0x9000004A  }
0x177: {  	s0 =	sadd.s32 @!p0 $0x100000, s0;
	[bflag:$0x2] =	sbarrier.arrive $0xFFFF  }
0x178: {  	[sflag:s0] =	ssyncadd.tile.s32 @!p0 $0x1;
	_ =	shalt  }
.Lfunc_end2:
_tile_overlayer_lowered:
.L_overlay_start_2:
0x179: {  	(tag) =	ssettag $0x2  }
0x17a: {  	s0 =	rddreg [dreg:$0x0];
	s2 =	stileid.u32  }
0x17b: {  	s1 =	rddreg [dreg:$0x1];
	p0 =	sne.s32 s2, $0x0  }
0x17c: {  	s3 =	rddreg [dreg:$0x2];
	[bflag:$0x3] =	sbarrier.arrive $0xFFFF;
	s2 =	simm.s32 @!p0 $0x1C02  }
0x17d: {  	[timem:s3], [sflag:s2] =	dma.local @!p0 [hbm:s0], s1  }
0x17e: {  	s0 =	simm.s32 @!p0 $0x2  }
0x17f: {  	_ =	swait.ge @!p0 [sflag:s0], s1  }
0x180: {  	s1 =	ssub.s32 @!p0 $0x0, s1;
	[sflag:s0] =	ssyncset.done @!p0 $0x0  }
0x181: {  	[sflag:s0] =	ssyncadd.s32 @!p0 s1  }
0x182: {  	[bflag:$0x3] =	sbarrier.arrive $0xFFFF  }
0x183: {  	_ =	shalt  }

</sc_bundles>
